<compile_context>
chip_gen: v7x
topology: tpu7x:2x2x1
jax: 0.10.2.dev20260603
libtpu: 0.0.44.dev20260713+nightly
codegen_flags: <defaults>
</compile_context>

<pallas_src>
import functools

import numpy as np
import jax
import jax.numpy as jnp
from jax import lax
from jax.experimental import pallas as pl
from jax.experimental.pallas import tpu as pltpu
from jax.experimental.pallas import tpu_sc as plsc

_B = 128
_C = 5
_S = 256
_H = 128
_L = 16
_NC, _NS = 2, 16
_NW = _NC * _NS
_RCH = 32
_CPT = _H // _RCH
_HSLOTS = 8 * _L


def _sc_hist_body(cpw, seg_hbm, out_hbm, buf, hist, sem0, sem1):
    wid = lax.axis_index("s") * _NC + lax.axis_index("c")
    g0 = wid * cpw
    one = jnp.ones((_L,), jnp.float32)
    zf = jnp.zeros((_L,), jnp.float32)
    sems = (sem0, sem1)

    def chunk_addr(gg):
        b = gg >> 3
        tb = (gg >> 2) & 1
        r0 = tb * _H + (gg & 3) * _RCH
        return b, tb, r0

    def start(gg, slot):
        b, _, r0 = chunk_addr(gg)
        pltpu.async_copy(
            seg_hbm.at[b, :, pl.ds(r0, _RCH), :], buf.at[slot], sems[slot])

    def wait(gg, slot):
        b, _, r0 = chunk_addr(gg)
        pltpu.make_async_copy(
            seg_hbm.at[b, :, pl.ds(r0, _RCH), :], buf.at[slot],
            sems[slot]).wait()

    def compute(slot, accs):
        def sel4(r, col):
            xs = [buf[slot, c, r, pl.ds(col, _L)] for c in range(_C)]
            m = jnp.maximum(
                jnp.maximum(jnp.maximum(xs[0], xs[1]),
                            jnp.maximum(xs[2], xs[3])), xs[4])
            return [jnp.where(xs[cp + 1] == m, one, zf) for cp in range(4)]

        def half(lr):
            def row(r, a4):
                a4 = list(a4)
                for jp in range(4):
                    s_even = sel4(r, lr * _H + (2 * jp) * _L)
                    s_odd = sel4(r, lr * _H + (2 * jp + 1) * _L)
                    for cp in range(4):
                        a4[cp] = a4[cp] + (s_even[cp] + s_odd[cp])
                return tuple(a4)
            return row

        accl = lax.fori_loop(0, _RCH, half(0), tuple(accs[0:4]))
        accr = lax.fori_loop(0, _RCH, half(1), tuple(accs[4:8]))
        return accl + accr

    start(g0, 0)
    start(g0 + 1, 1)

    def outer(gp, accs):
        for slot in range(2):
            g = gp * 2 + slot
            gg = g0 + g
            wait(gg, slot)
            accs = compute(slot, accs)

            @pl.when(g + 2 < cpw)
            def _():
                start(gg + 2, slot)

            b, tb, _ = chunk_addr(gg)
            flush = (gg & 3) == 3

            @pl.when(flush)
            def _():
                for k in range(8):
                    hist[pl.ds(k * _L, _L)] = accs[k]
                pltpu.sync_copy(hist, out_hbm.at[b, pl.ds(tb * _HSLOTS, _HSLOTS)])

            accs = tuple(jnp.where(flush, zf, a) for a in accs)
        return accs

    lax.fori_loop(0, cpw // 2, outer, tuple(zf for _ in range(8)))


@functools.cache
def _get_sc_hist(bs):
    cpw = (bs * 2 * _CPT) // _NW
    return pl.kernel(
        functools.partial(_sc_hist_body, cpw),
        out_type=jax.ShapeDtypeStruct((bs, 2 * _HSLOTS), jnp.float32),
        mesh=plsc.VectorSubcoreMesh(core_axis_name="c", subcore_axis_name="s"),
        scratch_types=[
            pltpu.VMEM((2, _C, _RCH, _S), jnp.float32),
            pltpu.VMEM((_HSLOTS,), jnp.float32),
            pltpu.SemaphoreType.DMA,
            pltpu.SemaphoreType.DMA,
        ],
        compiler_params=pltpu.CompilerParams(needs_layout_passes=False),
    )


def _build_tc_selectors():
    st = np.zeros((_S, 2), np.float32)
    st[:_H, 0] = 1.0
    st[_H:, 1] = 1.0
    u8 = np.zeros((8, 4 * _S), np.float32)
    for tb in range(2):
        for cp in range(4):
            for r in range(tb * _H, (tb + 1) * _H):
                u8[cp * 2 + tb, cp * _S + r] = 1.0
    return st, u8


_ST, _U8 = _build_tc_selectors()


def _tc_hist_body(seg_ref, st_ref, u8_ref, o_ref):
    x = seg_ref[0]
    m = jnp.max(x, axis=0)
    eq = (x[1:] == m[None]).astype(jnp.float32)
    e = eq.reshape(4 * _S, _S)
    a = jnp.dot(e, st_ref[...], preferred_element_type=jnp.float32)
    o_ref[0] = jnp.dot(u8_ref[...], a, preferred_element_type=jnp.float32)


@functools.cache
def _get_tc_hist(bt):
    b0 = _B - bt
    return pl.pallas_call(
        _tc_hist_body,
        grid=(bt,),
        in_specs=[
            pl.BlockSpec((1, _C, _S, _S), lambda i: (i + b0, 0, 0, 0)),
            pl.BlockSpec((_S, 2), lambda i: (0, 0)),
            pl.BlockSpec((8, 4 * _S), lambda i: (0, 0)),
        ],
        out_specs=pl.BlockSpec((1, 8, 2), lambda i: (i, 0, 0)),
        out_shape=jax.ShapeDtypeStruct((bt, 8, 2), jnp.float32),
    )


def _build_selectors():
    g5 = np.zeros((2 * _HSLOTS, _C), np.float32)
    g20 = np.zeros((2 * _HSLOTS, 4 * _C), np.float32)
    g5t = np.zeros((16, _C), np.float32)
    g20t = np.zeros((16, 4 * _C), np.float32)
    b5 = np.zeros((1, _C), np.float32)
    b20 = np.zeros((1, 4 * _C), np.float32)
    b5[0, 0] = 1.0
    for tb in range(2):
        for lr in range(2):
            q = lr * 2 + tb
            b20[0, q * _C] = 1.0
            for cp in range(_C - 1):
                k = cp * 4 + tb * 2 + lr
                g5t[k, cp + 1] = 1.0 / float(_S * _S)
                g5t[k, 0] = -1.0 / float(_S * _S)
                g20t[k, q * _C + cp + 1] = 1.0 / float(_H * _H)
                g20t[k, q * _C] = -1.0 / float(_H * _H)
                for ln in range(_L):
                    j = tb * _HSLOTS + (lr * 4 + cp) * _L + ln
                    g5[j, cp + 1] = 1.0 / float(_S * _S)
                    g5[j, 0] = -1.0 / float(_S * _S)
                    g20[j, q * _C + cp + 1] = 1.0 / float(_H * _H)
                    g20[j, q * _C] = -1.0 / float(_H * _H)
    return g5, g20, g5t, g20t, b5, b20


_G5, _G20, _G5T, _G20T, _B5, _B20 = _build_selectors()


def _dot(a, b):
    return jnp.dot(a, b, preferred_element_type=jnp.float32)


def _count_dot(y, g):
    hi = jnp.floor(y * (1.0 / 128.0))
    lo = y - hi * 128.0
    return _dot(hi, g) * 128.0 + _dot(lo, g)


def _stage2_body(ysc_ref, ytc_ref, g5_ref, g20_ref, g5t_ref, g20t_ref,
                 b5_ref, b20_ref, m5_ref, iv5_ref, m20_ref, iv20_ref,
                 s_ref, o_ref):
    ysc = ysc_ref[...]
    ytc = ytc_ref[...]
    u5 = jnp.concatenate(
        [_count_dot(ysc, g5_ref[...]), _count_dot(ytc, g5t_ref[...])], axis=0)
    u20 = jnp.concatenate(
        [_count_dot(ysc, g20_ref[...]), _count_dot(ytc, g20t_ref[...])], axis=0)
    d5 = u5 + (b5_ref[...] - m5_ref[...])
    d20 = u20 + (b20_ref[...] - m20_ref[...])
    q5 = jnp.sum(d5 * _dot(d5, iv5_ref[...]), axis=1, keepdims=True)
    q20 = jnp.sum(d20 * _dot(d20, iv20_ref[...]), axis=1, keepdims=True)
    hvm = s_ref[:, 0:1]
    hvs = s_ref[:, 1:2]
    phvm = s_ref[:, 2:3]
    phvs = s_ref[:, 3:4]
    o_ref[...] = (jnp.sqrt(q5) - hvm) / hvs + (jnp.sqrt(q20) - phvm) / phvs


@functools.cache
def _get_stage2():
    return pl.pallas_call(
        _stage2_body,
        out_shape=jax.ShapeDtypeStruct((_B, 1), jnp.float32),
    )


_BS = 80


def kernel(segmap, hist_mean, hist_invcov, patch_hist_mean, patch_hist_invcov,
           hist_val_mean, hist_val_std, patch_hist_val_mean, patch_hist_val_std):
    raw_sc = _get_sc_hist(_BS)(segmap)
    raw_tc = _get_tc_hist(_B - _BS)(
        segmap, jnp.asarray(_ST), jnp.asarray(_U8))
    s = jnp.stack([hist_val_mean, hist_val_std,
                   patch_hist_val_mean, patch_hist_val_std]).reshape(1, 4)
    out = _get_stage2()(raw_sc, raw_tc.reshape(_B - _BS, 16),
                        jnp.asarray(_G5), jnp.asarray(_G20),
                        jnp.asarray(_G5T), jnp.asarray(_G20T),
                        jnp.asarray(_B5), jnp.asarray(_B20),
                        hist_mean.reshape(1, _C), hist_invcov,
                        patch_hist_mean.reshape(1, 4 * _C), patch_hist_invcov, s)
    return out.reshape(_B)

# --- scband reference (transcript-rebuilt; emitter-appended) ---
"""Pipeline reference for scband-fixed-patch-class-detector-12962211300041 (READ-ONLY COPY).

The authoritative reference and input builder live on the scoring server;
editing this copy changes nothing except your own understanding.
"""

import jax, jax.numpy as jnp
import numpy as np

NUM_CLASSES = 5
SEGMAP_SIZE = 256
BATCH = 128


def _histogram(seg_map):
    # seg_map: [B, C, H, W]
    idx = jnp.argmax(seg_map, axis=1)  # [B, H, W]
    onehot = jax.nn.one_hot(idx, seg_map.shape[1], axis=1, dtype=seg_map.dtype)  # [B, C, H, W]
    hist = jnp.mean(onehot, axis=(2, 3))  # [B, C]
    return hist[:, :, None]  # [B, C, 1]


def _patch_histogram(seg_map):
    h = SEGMAP_SIZE // 2
    a = seg_map[:, :, :h, :h]
    b = seg_map[:, :, h:, :h]
    c = seg_map[:, :, :h, h:]
    d = seg_map[:, :, h:, h:]
    return jnp.concatenate([_histogram(a), _histogram(b), _histogram(c), _histogram(d)], axis=1)  # [B, 4C, 1]


def _mahalanobis_batch(u, mean, invcov):
    # u: [B, C, 1], mean: [C, 1], invcov: [C, C]
    d = u[:, :, 0] - mean[None, :, 0]  # [B, C]
    m = jnp.einsum('bc,cd,bd->b', d, invcov, d)  # [B]
    return jnp.sqrt(m)


def setup_inputs(seed: int = 0) -> dict:
    key = jax.random.key(seed)
    ks = jax.random.split(key, 9)
    segmap = jax.random.normal(ks[0], (BATCH, NUM_CLASSES, SEGMAP_SIZE, SEGMAP_SIZE), dtype=jnp.float32)
    hist_mean = jax.random.normal(ks[1], (NUM_CLASSES, 1), dtype=jnp.float32) * 0.05 + 1.0 / NUM_CLASSES
    A = jax.random.normal(ks[2], (NUM_CLASSES, NUM_CLASSES), dtype=jnp.float32)
    hist_invcov = A @ A.T + jnp.eye(NUM_CLASSES, dtype=jnp.float32)  # PSD so sqrt is well-defined
    patch_hist_mean = jax.random.normal(ks[3], (NUM_CLASSES * 4, 1), dtype=jnp.float32) * 0.05 + 1.0 / NUM_CLASSES
    B = jax.random.normal(ks[4], (NUM_CLASSES * 4, NUM_CLASSES * 4), dtype=jnp.float32)
    patch_hist_invcov = B @ B.T + jnp.eye(NUM_CLASSES * 4, dtype=jnp.float32)
    hist_val_mean = jax.random.normal(ks[5], (), dtype=jnp.float32) * 0.1
    hist_val_std = jnp.abs(jax.random.normal(ks[6], (), dtype=jnp.float32)) + 0.5
    patch_hist_val_mean = jax.random.normal(ks[7], (), dtype=jnp.float32) * 0.1
    patch_hist_val_std = jnp.abs(jax.random.normal(ks[8], (), dtype=jnp.float32)) + 0.5
    return {
        'segmap': segmap,
        'hist_mean': hist_mean,
        'hist_invcov': hist_invcov,
        'patch_hist_mean': patch_hist_mean,
        'patch_hist_invcov': patch_hist_invcov,
        'hist_val_mean': hist_val_mean,
        'hist_val_std': hist_val_std,
        'patch_hist_val_mean': patch_hist_val_mean,
        'patch_hist_val_std': patch_hist_val_std,
    }


def reference(segmap, hist_mean, hist_invcov, patch_hist_mean, patch_hist_invcov,
              hist_val_mean, hist_val_std, patch_hist_val_mean, patch_hist_val_std):
    hist = _histogram(segmap)                 # [B, C, 1]
    patch_hist = _patch_histogram(segmap)     # [B, 4C, 1]
    diff_hist = _mahalanobis_batch(hist, hist_mean, hist_invcov)                    # [B]
    diff_patchhist = _mahalanobis_batch(patch_hist, patch_hist_mean, patch_hist_invcov)  # [B]
    diff_hist = (diff_hist - hist_val_mean) / hist_val_std
    diff_patchhist = (diff_patchhist - patch_hist_val_mean) / patch_hist_val_std
    out_score = diff_hist + diff_patchhist
    return out_score

if __name__ == "__main__":
    import jax
    _d = setup_inputs()
    print(jax.jit(kernel)(*tuple(_d.values())))

</pallas_src>

<mosaic_0001>
#map = affine_map<(d0, d1) -> (0, 0, 0, 0)>
#map1 = affine_map<(d0, d1) -> (0, 0)>
module attributes {stable_mosaic.version = 14 : i64} {
  func.func @_sc_hist_body(%arg0: i32, %arg1: i32, %arg2: memref<128x5x256x256xf32, #tpu.memory_space<hbm>>, %arg3: memref<80x256xf32, #tpu.memory_space<hbm>>, %arg4: memref<2x5x32x256xf32, #tpu.memory_space<vmem>>, %arg5: memref<128xf32, #tpu.memory_space<vmem>>, %arg6: memref<!tpu.dma_semaphore, #tpu.memory_space<semaphore_mem>>, %arg7: memref<!tpu.dma_semaphore, #tpu.memory_space<semaphore_mem>>) attributes {dimension_semantics = [#tpu.dimension_semantics<core_parallel>, #tpu.dimension_semantics<subcore_parallel>], iteration_bounds = array<i64: 2, 16>, scalar_prefetch = 0 : i64, scratch_operands = 4 : i64, tpu.core_type = #tpu.core_type<sc_vector_subcore>, window_params = [{transform_indices = #map}, {transform_indices = #map1}]} {
    %mul3A = arith.constant 2 : i32
    %mul3A_0 = arith.muli %arg1, %mul3A : i32
    %add3A = arith.addi %mul3A_0, %arg0 : i32
    %mul3A_1 = arith.constant 20 : i32
    %mul3A_2 = arith.muli %add3A, %mul3A_1 : i32
    %broadcast_in_dim3A = arith.constant 1.000000e+00 : f32
    %broadcast_in_dim3A_3 = vector.broadcast %broadcast_in_dim3A : f32 to vector<16xf32>
    %broadcast_in_dim3A_4 = arith.constant 0.000000e+00 : f32
    %broadcast_in_dim3A_5 = vector.broadcast %broadcast_in_dim3A_4 : f32 to vector<16xf32>
    %shift_right_arithmetic3A = arith.constant 3 : i32
    %shift_right_arithmetic3A_6 = arith.shrsi %mul3A_2, %shift_right_arithmetic3A : i32
    %shift_right_arithmetic3A_7 = arith.constant 2 : i32
    %shift_right_arithmetic3A_8 = arith.shrsi %mul3A_2, %shift_right_arithmetic3A_7 : i32
    %and3A = arith.constant 1 : i32
    %and3A_9 = arith.andi %shift_right_arithmetic3A_8, %and3A : i32
    %mul3A_10 = arith.constant 128 : i32
    %mul3A_11 = arith.muli %and3A_9, %mul3A_10 : i32
    %and3A_12 = arith.constant 3 : i32
    %and3A_13 = arith.andi %mul3A_2, %and3A_12 : i32
    %mul3A_14 = arith.constant 32 : i32
    %mul3A_15 = arith.muli %and3A_13, %mul3A_14 : i32
    %add3A_16 = arith.addi %mul3A_11, %mul3A_15 : i32
    %dma_start3A = arith.constant 0 : i32
    %dma_start3A_17 = arith.constant 0 : i32
    %dma_start3A_18 = arith.constant 0 : i32
    %dma_start3A_19 = arith.constant 0 : i32
    %dma_start3A_20 = tpu.memref_slice %arg4[%dma_start3A, %dma_start3A_17, %dma_start3A_18, %dma_start3A_19] : memref<2x5x32x256xf32, #tpu.memory_space<vmem>> -> memref<1x5x32x256xf32, #tpu.memory_space<vmem>>
    %dma_start3A_21 = tpu.memref_squeeze %dma_start3A_20 : memref<1x5x32x256xf32, #tpu.memory_space<vmem>> -> memref<5x32x256xf32, #tpu.memory_space<vmem>>
    %dma_start3A_22 = arith.constant 0 : i32
    %dma_start3A_23 = arith.constant 0 : i32
    %dma_start3A_24 = tpu.memref_slice %arg2[%shift_right_arithmetic3A_6, %dma_start3A_22, %add3A_16, %dma_start3A_23] : memref<128x5x256x256xf32, #tpu.memory_space<hbm>> -> memref<1x5x32x256xf32, #tpu.memory_space<hbm>>
    %dma_start3A_25 = tpu.memref_squeeze %dma_start3A_24 : memref<1x5x32x256xf32, #tpu.memory_space<hbm>> -> memref<5x32x256xf32, #tpu.memory_space<hbm>>
    %dma_start3A_26 = arith.constant 0 : i32
    %dma_start3A_27 = arith.constant 0 : i32
    %dma_start3A_28 = arith.constant 0 : i32
    %dma_start3A_29 = tpu.memref_slice %arg4[%dma_start3A, %dma_start3A_26, %dma_start3A_27, %dma_start3A_28] : memref<2x5x32x256xf32, #tpu.memory_space<vmem>> -> memref<1x5x32x256xf32, #tpu.memory_space<vmem>>
    %dma_start3A_30 = tpu.memref_squeeze %dma_start3A_29 : memref<1x5x32x256xf32, #tpu.memory_space<vmem>> -> memref<5x32x256xf32, #tpu.memory_space<vmem>>
    %dma_start3A_31 = arith.constant 0 : i32
    %dma_start3A_32 = arith.constant 0 : i32
    %dma_start3A_33 = tpu.memref_slice %arg2[%shift_right_arithmetic3A_6, %dma_start3A_31, %add3A_16, %dma_start3A_32] : memref<128x5x256x256xf32, #tpu.memory_space<hbm>> -> memref<1x5x32x256xf32, #tpu.memory_space<hbm>>
    %dma_start3A_34 = tpu.memref_squeeze %dma_start3A_33 : memref<1x5x32x256xf32, #tpu.memory_space<hbm>> -> memref<5x32x256xf32, #tpu.memory_space<hbm>>
    tpu.enqueue_dma source(%dma_start3A_34 : memref<5x32x256xf32, #tpu.memory_space<hbm>>) target(%dma_start3A_30 : memref<5x32x256xf32, #tpu.memory_space<vmem>>) target_semaphore(%arg6 : memref<!tpu.dma_semaphore, #tpu.memory_space<semaphore_mem>>)
    %add3A_35 = arith.constant 1 : i32
    %add3A_36 = arith.addi %mul3A_2, %add3A_35 : i32
    %shift_right_arithmetic3A_37 = arith.constant 3 : i32
    %shift_right_arithmetic3A_38 = arith.shrsi %add3A_36, %shift_right_arithmetic3A_37 : i32
    %shift_right_arithmetic3A_39 = arith.constant 2 : i32
    %shift_right_arithmetic3A_40 = arith.shrsi %add3A_36, %shift_right_arithmetic3A_39 : i32
    %and3A_41 = arith.constant 1 : i32
    %and3A_42 = arith.andi %shift_right_arithmetic3A_40, %and3A_41 : i32
    %mul3A_43 = arith.constant 128 : i32
    %mul3A_44 = arith.muli %and3A_42, %mul3A_43 : i32
    %and3A_45 = arith.constant 3 : i32
    %and3A_46 = arith.andi %add3A_36, %and3A_45 : i32
    %mul3A_47 = arith.constant 32 : i32
    %mul3A_48 = arith.muli %and3A_46, %mul3A_47 : i32
    %add3A_49 = arith.addi %mul3A_44, %mul3A_48 : i32
    %dma_start3A_50 = arith.constant 1 : i32
    %dma_start3A_51 = arith.constant 0 : i32
    %dma_start3A_52 = arith.constant 0 : i32
    %dma_start3A_53 = arith.constant 0 : i32
    %dma_start3A_54 = tpu.memref_slice %arg4[%dma_start3A_50, %dma_start3A_51, %dma_start3A_52, %dma_start3A_53] : memref<2x5x32x256xf32, #tpu.memory_space<vmem>> -> memref<1x5x32x256xf32, #tpu.memory_space<vmem>>
    %dma_start3A_55 = tpu.memref_squeeze %dma_start3A_54 : memref<1x5x32x256xf32, #tpu.memory_space<vmem>> -> memref<5x32x256xf32, #tpu.memory_space<vmem>>
    %dma_start3A_56 = arith.constant 0 : i32
    %dma_start3A_57 = arith.constant 0 : i32
    %dma_start3A_58 = tpu.memref_slice %arg2[%shift_right_arithmetic3A_38, %dma_start3A_56, %add3A_49, %dma_start3A_57] : memref<128x5x256x256xf32, #tpu.memory_space<hbm>> -> memref<1x5x32x256xf32, #tpu.memory_space<hbm>>
    %dma_start3A_59 = tpu.memref_squeeze %dma_start3A_58 : memref<1x5x32x256xf32, #tpu.memory_space<hbm>> -> memref<5x32x256xf32, #tpu.memory_space<hbm>>
    %dma_start3A_60 = arith.constant 0 : i32
    %dma_start3A_61 = arith.constant 0 : i32
    %dma_start3A_62 = arith.constant 0 : i32
    %dma_start3A_63 = tpu.memref_slice %arg4[%dma_start3A_50, %dma_start3A_60, %dma_start3A_61, %dma_start3A_62] : memref<2x5x32x256xf32, #tpu.memory_space<vmem>> -> memref<1x5x32x256xf32, #tpu.memory_space<vmem>>
    %dma_start3A_64 = tpu.memref_squeeze %dma_start3A_63 : memref<1x5x32x256xf32, #tpu.memory_space<vmem>> -> memref<5x32x256xf32, #tpu.memory_space<vmem>>
    %dma_start3A_65 = arith.constant 0 : i32
    %dma_start3A_66 = arith.constant 0 : i32
    %dma_start3A_67 = tpu.memref_slice %arg2[%shift_right_arithmetic3A_38, %dma_start3A_65, %add3A_49, %dma_start3A_66] : memref<128x5x256x256xf32, #tpu.memory_space<hbm>> -> memref<1x5x32x256xf32, #tpu.memory_space<hbm>>
    %dma_start3A_68 = tpu.memref_squeeze %dma_start3A_67 : memref<1x5x32x256xf32, #tpu.memory_space<hbm>> -> memref<5x32x256xf32, #tpu.memory_space<hbm>>
    tpu.enqueue_dma source(%dma_start3A_68 : memref<5x32x256xf32, #tpu.memory_space<hbm>>) target(%dma_start3A_64 : memref<5x32x256xf32, #tpu.memory_space<vmem>>) target_semaphore(%arg7 : memref<!tpu.dma_semaphore, #tpu.memory_space<semaphore_mem>>)
    %scan3A = arith.constant 0 : i32
    %scan3A_69 = arith.constant 10 : i32
    %scan3A_70 = arith.addi %scan3A, %scan3A_69 : i32
    %scan3A_71 = arith.constant 1 : i32
    %scan3A_72:8 = scf.for %scan3A_74 = %scan3A to %scan3A_70 step %scan3A_71 iter_args(%scan3A_75 = %broadcast_in_dim3A_5, %scan3A_76 = %broadcast_in_dim3A_5, %scan3A_77 = %broadcast_in_dim3A_5, %scan3A_78 = %broadcast_in_dim3A_5, %scan3A_79 = %broadcast_in_dim3A_5, %scan3A_80 = %broadcast_in_dim3A_5, %scan3A_81 = %broadcast_in_dim3A_5, %scan3A_82 = %broadcast_in_dim3A_5) -> (vector<16xf32>, vector<16xf32>, vector<16xf32>, vector<16xf32>, vector<16xf32>, vector<16xf32>, vector<16xf32>, vector<16xf32>)  : i32 {
      %mul3A_83 = arith.constant 2 : i32
      %mul3A_84 = arith.muli %scan3A_74, %mul3A_83 : i32
      %add3A_85 = arith.constant 0 : i32
      %add3A_86 = arith.addi %mul3A_84, %add3A_85 : i32
      %add3A_87 = arith.addi %mul3A_2, %add3A_86 : i32
      %shift_right_arithmetic3A_88 = arith.constant 3 : i32
      %shift_right_arithmetic3A_89 = arith.shrsi %add3A_87, %shift_right_arithmetic3A_88 : i32
      %shift_right_arithmetic3A_90 = arith.constant 2 : i32
      %shift_right_arithmetic3A_91 = arith.shrsi %add3A_87, %shift_right_arithmetic3A_90 : i32
      %and3A_92 = arith.constant 1 : i32
      %and3A_93 = arith.andi %shift_right_arithmetic3A_91, %and3A_92 : i32
      %mul3A_94 = arith.constant 128 : i32
      %mul3A_95 = arith.muli %and3A_93, %mul3A_94 : i32
      %and3A_96 = arith.constant 3 : i32
      %and3A_97 = arith.andi %add3A_87, %and3A_96 : i32
      %mul3A_98 = arith.constant 32 : i32
      %mul3A_99 = arith.muli %and3A_97, %mul3A_98 : i32
      %add3A_100 = arith.addi %mul3A_95, %mul3A_99 : i32
      %dma_wait3A = arith.constant 0 : i32
      %dma_wait3A_101 = arith.constant 0 : i32
      %dma_wait3A_102 = arith.constant 0 : i32
      %dma_wait3A_103 = arith.constant 0 : i32
      %dma_wait3A_104 = tpu.memref_slice %arg4[%dma_wait3A, %dma_wait3A_101, %dma_wait3A_102, %dma_wait3A_103] : memref<2x5x32x256xf32, #tpu.memory_space<vmem>> -> memref<1x5x32x256xf32, #tpu.memory_space<vmem>>
      %dma_wait3A_105 = tpu.memref_squeeze %dma_wait3A_104 : memref<1x5x32x256xf32, #tpu.memory_space<vmem>> -> memref<5x32x256xf32, #tpu.memory_space<vmem>>
      %dma_wait3A_106 = arith.constant 0 : i32
      %dma_wait3A_107 = arith.constant 0 : i32
      %dma_wait3A_108 = tpu.memref_slice %arg2[%shift_right_arithmetic3A_89, %dma_wait3A_106, %add3A_100, %dma_wait3A_107] : memref<128x5x256x256xf32, #tpu.memory_space<hbm>> -> memref<1x5x32x256xf32, #tpu.memory_space<hbm>>
      %dma_wait3A_109 = tpu.memref_squeeze %dma_wait3A_108 : memref<1x5x32x256xf32, #tpu.memory_space<hbm>> -> memref<5x32x256xf32, #tpu.memory_space<hbm>>
      %dma_wait3A_110 = arith.constant 0 : i32
      %dma_wait3A_111 = arith.constant 0 : i32
      %dma_wait3A_112 = arith.constant 0 : i32
      %dma_wait3A_113 = tpu.memref_slice %arg4[%dma_wait3A, %dma_wait3A_110, %dma_wait3A_111, %dma_wait3A_112] : memref<2x5x32x256xf32, #tpu.memory_space<vmem>> -> memref<1x5x32x256xf32, #tpu.memory_space<vmem>>
      %dma_wait3A_114 = tpu.memref_squeeze %dma_wait3A_113 : memref<1x5x32x256xf32, #tpu.memory_space<vmem>> -> memref<5x32x256xf32, #tpu.memory_space<vmem>>
      %dma_wait3A_115 = arith.constant 0 : i32
      %dma_wait3A_116 = arith.constant 0 : i32
      %dma_wait3A_117 = tpu.memref_slice %arg2[%shift_right_arithmetic3A_89, %dma_wait3A_115, %add3A_100, %dma_wait3A_116] : memref<128x5x256x256xf32, #tpu.memory_space<hbm>> -> memref<1x5x32x256xf32, #tpu.memory_space<hbm>>
      %dma_wait3A_118 = tpu.memref_squeeze %dma_wait3A_117 : memref<1x5x32x256xf32, #tpu.memory_space<hbm>> -> memref<5x32x256xf32, #tpu.memory_space<hbm>>
      tpu.wait_dma2 semaphore(%arg6 : memref<!tpu.dma_semaphore, #tpu.memory_space<semaphore_mem>>) src(%dma_wait3A_118 : memref<5x32x256xf32, #tpu.memory_space<hbm>>) dst(%dma_wait3A_114 : memref<5x32x256xf32, #tpu.memory_space<vmem>>)
      %scan3A_119 = arith.constant 0 : i32
      %scan3A_120 = arith.constant 32 : i32
      %scan3A_121 = arith.addi %scan3A_119, %scan3A_120 : i32
      %scan3A_122 = arith.constant 1 : i32
      %scan3A_123:4 = scf.for %scan3A_245 = %scan3A_119 to %scan3A_121 step %scan3A_122 iter_args(%scan3A_246 = %scan3A_75, %scan3A_247 = %scan3A_76, %scan3A_248 = %scan3A_77, %scan3A_249 = %scan3A_78) -> (vector<16xf32>, vector<16xf32>, vector<16xf32>, vector<16xf32>)  : i32 {
        %get3A = arith.constant 0 : i32
        %get3A_250 = arith.constant 0 : i32
        %get3A_251 = arith.index_cast %get3A : i32 to index
        %get3A_252 = arith.index_cast %get3A_250 : i32 to index
        %get3A_253 = arith.index_cast %scan3A_245 : i32 to index
        %get3A_254 = arith.constant 0 : index
        %get3A_255 = tpu.vector_load %arg4[%get3A_251, %get3A_252, %get3A_253, %get3A_254] {strides = array<i32>} : memref<2x5x32x256xf32, #tpu.memory_space<vmem>>, vector<16xf32>,
        %get3A_256 = arith.constant 0 : i32
        %get3A_257 = arith.constant 1 : i32
        %get3A_258 = arith.index_cast %get3A_256 : i32 to index
        %get3A_259 = arith.index_cast %get3A_257 : i32 to index
        %get3A_260 = arith.index_cast %scan3A_245 : i32 to index
        %get3A_261 = arith.constant 0 : index
        %get3A_262 = tpu.vector_load %arg4[%get3A_258, %get3A_259, %get3A_260, %get3A_261] {strides = array<i32>} : memref<2x5x32x256xf32, #tpu.memory_space<vmem>>, vector<16xf32>,
        %get3A_263 = arith.constant 0 : i32
        %get3A_264 = arith.constant 2 : i32
        %get3A_265 = arith.index_cast %get3A_263 : i32 to index
        %get3A_266 = arith.index_cast %get3A_264 : i32 to index
        %get3A_267 = arith.index_cast %scan3A_245 : i32 to index
        %get3A_268 = arith.constant 0 : index
        %get3A_269 = tpu.vector_load %arg4[%get3A_265, %get3A_266, %get3A_267, %get3A_268] {strides = array<i32>} : memref<2x5x32x256xf32, #tpu.memory_space<vmem>>, vector<16xf32>,
        %get3A_270 = arith.constant 0 : i32
        %get3A_271 = arith.constant 3 : i32
        %get3A_272 = arith.index_cast %get3A_270 : i32 to index
        %get3A_273 = arith.index_cast %get3A_271 : i32 to index
        %get3A_274 = arith.index_cast %scan3A_245 : i32 to index
        %get3A_275 = arith.constant 0 : index
        %get3A_276 = tpu.vector_load %arg4[%get3A_272, %get3A_273, %get3A_274, %get3A_275] {strides = array<i32>} : memref<2x5x32x256xf32, #tpu.memory_space<vmem>>, vector<16xf32>,
        %get3A_277 = arith.constant 0 : i32
        %get3A_278 = arith.constant 4 : i32
        %get3A_279 = arith.index_cast %get3A_277 : i32 to index
        %get3A_280 = arith.index_cast %get3A_278 : i32 to index
        %get3A_281 = arith.index_cast %scan3A_245 : i32 to index
        %get3A_282 = arith.constant 0 : index
        %get3A_283 = tpu.vector_load %arg4[%get3A_279, %get3A_280, %get3A_281, %get3A_282] {strides = array<i32>} : memref<2x5x32x256xf32, #tpu.memory_space<vmem>>, vector<16xf32>,
        %max3A = arith.maximumf %get3A_255, %get3A_262 : vector<16xf32>
        %max3A_284 = arith.maximumf %get3A_269, %get3A_276 : vector<16xf32>
        %max3A_285 = arith.maximumf %max3A, %max3A_284 : vector<16xf32>
        %max3A_286 = arith.maximumf %max3A_285, %get3A_283 : vector<16xf32>
        %eq3A_287 = arith.cmpf oeq, %get3A_262, %max3A_286 : vector<16xf32>
        %select_n3A_288 = arith.select %eq3A_287, %broadcast_in_dim3A_3, %broadcast_in_dim3A_5 : vector<16xi1>, vector<16xf32>
        %eq3A_289 = arith.cmpf oeq, %get3A_269, %max3A_286 : vector<16xf32>
        %select_n3A_290 = arith.select %eq3A_289, %broadcast_in_dim3A_3, %broadcast_in_dim3A_5 : vector<16xi1>, vector<16xf32>
        %eq3A_291 = arith.cmpf oeq, %get3A_276, %max3A_286 : vector<16xf32>
        %select_n3A_292 = arith.select %eq3A_291, %broadcast_in_dim3A_3, %broadcast_in_dim3A_5 : vector<16xi1>, vector<16xf32>
        %eq3A_293 = arith.cmpf oeq, %get3A_283, %max3A_286 : vector<16xf32>
        %select_n3A_294 = arith.select %eq3A_293, %broadcast_in_dim3A_3, %broadcast_in_dim3A_5 : vector<16xi1>, vector<16xf32>
        %get3A_295 = arith.constant 0 : i32
        %get3A_296 = arith.constant 0 : i32
        %get3A_297 = arith.index_cast %get3A_295 : i32 to index
        %get3A_298 = arith.index_cast %get3A_296 : i32 to index
        %get3A_299 = arith.index_cast %scan3A_245 : i32 to index
        %get3A_300 = arith.constant 16 : index
        %get3A_301 = tpu.vector_load %arg4[%get3A_297, %get3A_298, %get3A_299, %get3A_300] {strides = array<i32>} : memref<2x5x32x256xf32, #tpu.memory_space<vmem>>, vector<16xf32>,
        %get3A_302 = arith.constant 0 : i32
        %get3A_303 = arith.constant 1 : i32
        %get3A_304 = arith.index_cast %get3A_302 : i32 to index
        %get3A_305 = arith.index_cast %get3A_303 : i32 to index
        %get3A_306 = arith.index_cast %scan3A_245 : i32 to index
        %get3A_307 = arith.constant 16 : index
        %get3A_308 = tpu.vector_load %arg4[%get3A_304, %get3A_305, %get3A_306, %get3A_307] {strides = array<i32>} : memref<2x5x32x256xf32, #tpu.memory_space<vmem>>, vector<16xf32>,
        %get3A_309 = arith.constant 0 : i32
        %get3A_310 = arith.constant 2 : i32
        %get3A_311 = arith.index_cast %get3A_309 : i32 to index
        %get3A_312 = arith.index_cast %get3A_310 : i32 to index
        %get3A_313 = arith.index_cast %scan3A_245 : i32 to index
        %get3A_314 = arith.constant 16 : index
        %get3A_315 = tpu.vector_load %arg4[%get3A_311, %get3A_312, %get3A_313, %get3A_314] {strides = array<i32>} : memref<2x5x32x256xf32, #tpu.memory_space<vmem>>, vector<16xf32>,
        %get3A_316 = arith.constant 0 : i32
        %get3A_317 = arith.constant 3 : i32
        %get3A_318 = arith.index_cast %get3A_316 : i32 to index
        %get3A_319 = arith.index_cast %get3A_317 : i32 to index
        %get3A_320 = arith.index_cast %scan3A_245 : i32 to index
        %get3A_321 = arith.constant 16 : index
        %get3A_322 = tpu.vector_load %arg4[%get3A_318, %get3A_319, %get3A_320, %get3A_321] {strides = array<i32>} : memref<2x5x32x256xf32, #tpu.memory_space<vmem>>, vector<16xf32>,
        %get3A_323 = arith.constant 0 : i32
        %get3A_324 = arith.constant 4 : i32
        %get3A_325 = arith.index_cast %get3A_323 : i32 to index
        %get3A_326 = arith.index_cast %get3A_324 : i32 to index
        %get3A_327 = arith.index_cast %scan3A_245 : i32 to index
        %get3A_328 = arith.constant 16 : index
        %get3A_329 = tpu.vector_load %arg4[%get3A_325, %get3A_326, %get3A_327, %get3A_328] {strides = array<i32>} : memref<2x5x32x256xf32, #tpu.memory_space<vmem>>, vector<16xf32>,
        %max3A_330 = arith.maximumf %get3A_301, %get3A_308 : vector<16xf32>
        %max3A_331 = arith.maximumf %get3A_315, %get3A_322 : vector<16xf32>
        %max3A_332 = arith.maximumf %max3A_330, %max3A_331 : vector<16xf32>
        %max3A_333 = arith.maximumf %max3A_332, %get3A_329 : vector<16xf32>
        %eq3A_334 = arith.cmpf oeq, %get3A_308, %max3A_333 : vector<16xf32>
        %select_n3A_335 = arith.select %eq3A_334, %broadcast_in_dim3A_3, %broadcast_in_dim3A_5 : vector<16xi1>, vector<16xf32>
        %eq3A_336 = arith.cmpf oeq, %get3A_315, %max3A_333 : vector<16xf32>
        %select_n3A_337 = arith.select %eq3A_336, %broadcast_in_dim3A_3, %broadcast_in_dim3A_5 : vector<16xi1>, vector<16xf32>
        %eq3A_338 = arith.cmpf oeq, %get3A_322, %max3A_333 : vector<16xf32>
        %select_n3A_339 = arith.select %eq3A_338, %broadcast_in_dim3A_3, %broadcast_in_dim3A_5 : vector<16xi1>, vector<16xf32>
        %eq3A_340 = arith.cmpf oeq, %get3A_329, %max3A_333 : vector<16xf32>
        %select_n3A_341 = arith.select %eq3A_340, %broadcast_in_dim3A_3, %broadcast_in_dim3A_5 : vector<16xi1>, vector<16xf32>
        %add3A_342 = arith.addf %select_n3A_288, %select_n3A_335 : vector<16xf32>
        %add3A_343 = arith.addf %scan3A_246, %add3A_342 : vector<16xf32>
        %add3A_344 = arith.addf %select_n3A_290, %select_n3A_337 : vector<16xf32>
        %add3A_345 = arith.addf %scan3A_247, %add3A_344 : vector<16xf32>
        %add3A_346 = arith.addf %select_n3A_292, %select_n3A_339 : vector<16xf32>
        %add3A_347 = arith.addf %scan3A_248, %add3A_346 : vector<16xf32>
        %add3A_348 = arith.addf %select_n3A_294, %select_n3A_341 : vector<16xf32>
        %add3A_349 = arith.addf %scan3A_249, %add3A_348 : vector<16xf32>
        %get3A_350 = arith.constant 0 : i32
        %get3A_351 = arith.constant 0 : i32
        %get3A_352 = arith.index_cast %get3A_350 : i32 to index
        %get3A_353 = arith.index_cast %get3A_351 : i32 to index
        %get3A_354 = arith.index_cast %scan3A_245 : i32 to index
        %get3A_355 = arith.constant 32 : index
        %get3A_356 = tpu.vector_load %arg4[%get3A_352, %get3A_353, %get3A_354, %get3A_355] {strides = array<i32>} : memref<2x5x32x256xf32, #tpu.memory_space<vmem>>, vector<16xf32>,
        %get3A_357 = arith.constant 0 : i32
        %get3A_358 = arith.constant 1 : i32
        %get3A_359 = arith.index_cast %get3A_357 : i32 to index
        %get3A_360 = arith.index_cast %get3A_358 : i32 to index
        %get3A_361 = arith.index_cast %scan3A_245 : i32 to index
        %get3A_362 = arith.constant 32 : index
        %get3A_363 = tpu.vector_load %arg4[%get3A_359, %get3A_360, %get3A_361, %get3A_362] {strides = array<i32>} : memref<2x5x32x256xf32, #tpu.memory_space<vmem>>, vector<16xf32>,
        %get3A_364 = arith.constant 0 : i32
        %get3A_365 = arith.constant 2 : i32
        %get3A_366 = arith.index_cast %get3A_364 : i32 to index
        %get3A_367 = arith.index_cast %get3A_365 : i32 to index
        %get3A_368 = arith.index_cast %scan3A_245 : i32 to index
        %get3A_369 = arith.constant 32 : index
        %get3A_370 = tpu.vector_load %arg4[%get3A_366, %get3A_367, %get3A_368, %get3A_369] {strides = array<i32>} : memref<2x5x32x256xf32, #tpu.memory_space<vmem>>, vector<16xf32>,
        %get3A_371 = arith.constant 0 : i32
        %get3A_372 = arith.constant 3 : i32
        %get3A_373 = arith.index_cast %get3A_371 : i32 to index
        %get3A_374 = arith.index_cast %get3A_372 : i32 to index
        %get3A_375 = arith.index_cast %scan3A_245 : i32 to index
        %get3A_376 = arith.constant 32 : index
        %get3A_377 = tpu.vector_load %arg4[%get3A_373, %get3A_374, %get3A_375, %get3A_376] {strides = array<i32>} : memref<2x5x32x256xf32, #tpu.memory_space<vmem>>, vector<16xf32>,
        %get3A_378 = arith.constant 0 : i32
        %get3A_379 = arith.constant 4 : i32
        %get3A_380 = arith.index_cast %get3A_378 : i32 to index
        %get3A_381 = arith.index_cast %get3A_379 : i32 to index
        %get3A_382 = arith.index_cast %scan3A_245 : i32 to index
        %get3A_383 = arith.constant 32 : index
        %get3A_384 = tpu.vector_load %arg4[%get3A_380, %get3A_381, %get3A_382, %get3A_383] {strides = array<i32>} : memref<2x5x32x256xf32, #tpu.memory_space<vmem>>, vector<16xf32>,
        %max3A_385 = arith.maximumf %get3A_356, %get3A_363 : vector<16xf32>
        %max3A_386 = arith.maximumf %get3A_370, %get3A_377 : vector<16xf32>
        %max3A_387 = arith.maximumf %max3A_385, %max3A_386 : vector<16xf32>
        %max3A_388 = arith.maximumf %max3A_387, %get3A_384 : vector<16xf32>
        %eq3A_389 = arith.cmpf oeq, %get3A_363, %max3A_388 : vector<16xf32>
        %select_n3A_390 = arith.select %eq3A_389, %broadcast_in_dim3A_3, %broadcast_in_dim3A_5 : vector<16xi1>, vector<16xf32>
        %eq3A_391 = arith.cmpf oeq, %get3A_370, %max3A_388 : vector<16xf32>
        %select_n3A_392 = arith.select %eq3A_391, %broadcast_in_dim3A_3, %broadcast_in_dim3A_5 : vector<16xi1>, vector<16xf32>
        %eq3A_393 = arith.cmpf oeq, %get3A_377, %max3A_388 : vector<16xf32>
        %select_n3A_394 = arith.select %eq3A_393, %broadcast_in_dim3A_3, %broadcast_in_dim3A_5 : vector<16xi1>, vector<16xf32>
        %eq3A_395 = arith.cmpf oeq, %get3A_384, %max3A_388 : vector<16xf32>
        %select_n3A_396 = arith.select %eq3A_395, %broadcast_in_dim3A_3, %broadcast_in_dim3A_5 : vector<16xi1>, vector<16xf32>
        %get3A_397 = arith.constant 0 : i32
        %get3A_398 = arith.constant 0 : i32
        %get3A_399 = arith.index_cast %get3A_397 : i32 to index
        %get3A_400 = arith.index_cast %get3A_398 : i32 to index
        %get3A_401 = arith.index_cast %scan3A_245 : i32 to index
        %get3A_402 = arith.constant 48 : index
        %get3A_403 = tpu.vector_load %arg4[%get3A_399, %get3A_400, %get3A_401, %get3A_402] {strides = array<i32>} : memref<2x5x32x256xf32, #tpu.memory_space<vmem>>, vector<16xf32>,
        %get3A_404 = arith.constant 0 : i32
        %get3A_405 = arith.constant 1 : i32
        %get3A_406 = arith.index_cast %get3A_404 : i32 to index
        %get3A_407 = arith.index_cast %get3A_405 : i32 to index
        %get3A_408 = arith.index_cast %scan3A_245 : i32 to index
        %get3A_409 = arith.constant 48 : index
        %get3A_410 = tpu.vector_load %arg4[%get3A_406, %get3A_407, %get3A_408, %get3A_409] {strides = array<i32>} : memref<2x5x32x256xf32, #tpu.memory_space<vmem>>, vector<16xf32>,
        %get3A_411 = arith.constant 0 : i32
        %get3A_412 = arith.constant 2 : i32
        %get3A_413 = arith.index_cast %get3A_411 : i32 to index
        %get3A_414 = arith.index_cast %get3A_412 : i32 to index
        %get3A_415 = arith.index_cast %scan3A_245 : i32 to index
        %get3A_416 = arith.constant 48 : index
        %get3A_417 = tpu.vector_load %arg4[%get3A_413, %get3A_414, %get3A_415, %get3A_416] {strides = array<i32>} : memref<2x5x32x256xf32, #tpu.memory_space<vmem>>, vector<16xf32>,
        %get3A_418 = arith.constant 0 : i32
        %get3A_419 = arith.constant 3 : i32
        %get3A_420 = arith.index_cast %get3A_418 : i32 to index
        %get3A_421 = arith.index_cast %get3A_419 : i32 to index
        %get3A_422 = arith.index_cast %scan3A_245 : i32 to index
        %get3A_423 = arith.constant 48 : index
        %get3A_424 = tpu.vector_load %arg4[%get3A_420, %get3A_421, %get3A_422, %get3A_423] {strides = array<i32>} : memref<2x5x32x256xf32, #tpu.memory_space<vmem>>, vector<16xf32>,
        %get3A_425 = arith.constant 0 : i32
        %get3A_426 = arith.constant 4 : i32
        %get3A_427 = arith.index_cast %get3A_425 : i32 to index
        %get3A_428 = arith.index_cast %get3A_426 : i32 to index
        %get3A_429 = arith.index_cast %scan3A_245 : i32 to index
        %get3A_430 = arith.constant 48 : index
        %get3A_431 = tpu.vector_load %arg4[%get3A_427, %get3A_428, %get3A_429, %get3A_430] {strides = array<i32>} : memref<2x5x32x256xf32, #tpu.memory_space<vmem>>, vector<16xf32>,
        %max3A_432 = arith.maximumf %get3A_403, %get3A_410 : vector<16xf32>
        %max3A_433 = arith.maximumf %get3A_417, %get3A_424 : vector<16xf32>
        %max3A_434 = arith.maximumf %max3A_432, %max3A_433 : vector<16xf32>
        %max3A_435 = arith.maximumf %max3A_434, %get3A_431 : vector<16xf32>
        %eq3A_436 = arith.cmpf oeq, %get3A_410, %max3A_435 : vector<16xf32>
        %select_n3A_437 = arith.select %eq3A_436, %broadcast_in_dim3A_3, %broadcast_in_dim3A_5 : vector<16xi1>, vector<16xf32>
        %eq3A_438 = arith.cmpf oeq, %get3A_417, %max3A_435 : vector<16xf32>
        %select_n3A_439 = arith.select %eq3A_438, %broadcast_in_dim3A_3, %broadcast_in_dim3A_5 : vector<16xi1>, vector<16xf32>
        %eq3A_440 = arith.cmpf oeq, %get3A_424, %max3A_435 : vector<16xf32>
        %select_n3A_441 = arith.select %eq3A_440, %broadcast_in_dim3A_3, %broadcast_in_dim3A_5 : vector<16xi1>, vector<16xf32>
        %eq3A_442 = arith.cmpf oeq, %get3A_431, %max3A_435 : vector<16xf32>
        %select_n3A_443 = arith.select %eq3A_442, %broadcast_in_dim3A_3, %broadcast_in_dim3A_5 : vector<16xi1>, vector<16xf32>
        %add3A_444 = arith.addf %select_n3A_390, %select_n3A_437 : vector<16xf32>
        %add3A_445 = arith.addf %add3A_343, %add3A_444 : vector<16xf32>
        %add3A_446 = arith.addf %select_n3A_392, %select_n3A_439 : vector<16xf32>
        %add3A_447 = arith.addf %add3A_345, %add3A_446 : vector<16xf32>
        %add3A_448 = arith.addf %select_n3A_394, %select_n3A_441 : vector<16xf32>
        %add3A_449 = arith.addf %add3A_347, %add3A_448 : vector<16xf32>
        %add3A_450 = arith.addf %select_n3A_396, %select_n3A_443 : vector<16xf32>
        %add3A_451 = arith.addf %add3A_349, %add3A_450 : vector<16xf32>
        %get3A_452 = arith.constant 0 : i32
        %get3A_453 = arith.constant 0 : i32
        %get3A_454 = arith.index_cast %get3A_452 : i32 to index
        %get3A_455 = arith.index_cast %get3A_453 : i32 to index
        %get3A_456 = arith.index_cast %scan3A_245 : i32 to index
        %get3A_457 = arith.constant 64 : index
        %get3A_458 = tpu.vector_load %arg4[%get3A_454, %get3A_455, %get3A_456, %get3A_457] {strides = array<i32>} : memref<2x5x32x256xf32, #tpu.memory_space<vmem>>, vector<16xf32>,
        %get3A_459 = arith.constant 0 : i32
        %get3A_460 = arith.constant 1 : i32
        %get3A_461 = arith.index_cast %get3A_459 : i32 to index
        %get3A_462 = arith.index_cast %get3A_460 : i32 to index
        %get3A_463 = arith.index_cast %scan3A_245 : i32 to index
        %get3A_464 = arith.constant 64 : index
        %get3A_465 = tpu.vector_load %arg4[%get3A_461, %get3A_462, %get3A_463, %get3A_464] {strides = array<i32>} : memref<2x5x32x256xf32, #tpu.memory_space<vmem>>, vector<16xf32>,
        %get3A_466 = arith.constant 0 : i32
        %get3A_467 = arith.constant 2 : i32
        %get3A_468 = arith.index_cast %get3A_466 : i32 to index
        %get3A_469 = arith.index_cast %get3A_467 : i32 to index
        %get3A_470 = arith.index_cast %scan3A_245 : i32 to index
        %get3A_471 = arith.constant 64 : index
        %get3A_472 = tpu.vector_load %arg4[%get3A_468, %get3A_469, %get3A_470, %get3A_471] {strides = array<i32>} : memref<2x5x32x256xf32, #tpu.memory_space<vmem>>, vector<16xf32>,
        %get3A_473 = arith.constant 0 : i32
        %get3A_474 = arith.constant 3 : i32
        %get3A_475 = arith.index_cast %get3A_473 : i32 to index
        %get3A_476 = arith.index_cast %get3A_474 : i32 to index
        %get3A_477 = arith.index_cast %scan3A_245 : i32 to index
        %get3A_478 = arith.constant 64 : index
        %get3A_479 = tpu.vector_load %arg4[%get3A_475, %get3A_476, %get3A_477, %get3A_478] {strides = array<i32>} : memref<2x5x32x256xf32, #tpu.memory_space<vmem>>, vector<16xf32>,
        %get3A_480 = arith.constant 0 : i32
        %get3A_481 = arith.constant 4 : i32
        %get3A_482 = arith.index_cast %get3A_480 : i32 to index
        %get3A_483 = arith.index_cast %get3A_481 : i32 to index
        %get3A_484 = arith.index_cast %scan3A_245 : i32 to index
        %get3A_485 = arith.constant 64 : index
        %get3A_486 = tpu.vector_load %arg4[%get3A_482, %get3A_483, %get3A_484, %get3A_485] {strides = array<i32>} : memref<2x5x32x256xf32, #tpu.memory_space<vmem>>, vector<16xf32>,
        %max3A_487 = arith.maximumf %get3A_458, %get3A_465 : vector<16xf32>
        %max3A_488 = arith.maximumf %get3A_472, %get3A_479 : vector<16xf32>
        %max3A_489 = arith.maximumf %max3A_487, %max3A_488 : vector<16xf32>
        %max3A_490 = arith.maximumf %max3A_489, %get3A_486 : vector<16xf32>
        %eq3A_491 = arith.cmpf oeq, %get3A_465, %max3A_490 : vector<16xf32>
        %select_n3A_492 = arith.select %eq3A_491, %broadcast_in_dim3A_3, %broadcast_in_dim3A_5 : vector<16xi1>, vector<16xf32>
        %eq3A_493 = arith.cmpf oeq, %get3A_472, %max3A_490 : vector<16xf32>
        %select_n3A_494 = arith.select %eq3A_493, %broadcast_in_dim3A_3, %broadcast_in_dim3A_5 : vector<16xi1>, vector<16xf32>
        %eq3A_495 = arith.cmpf oeq, %get3A_479, %max3A_490 : vector<16xf32>
        %select_n3A_496 = arith.select %eq3A_495, %broadcast_in_dim3A_3, %broadcast_in_dim3A_5 : vector<16xi1>, vector<16xf32>
        %eq3A_497 = arith.cmpf oeq, %get3A_486, %max3A_490 : vector<16xf32>
        %select_n3A_498 = arith.select %eq3A_497, %broadcast_in_dim3A_3, %broadcast_in_dim3A_5 : vector<16xi1>, vector<16xf32>
        %get3A_499 = arith.constant 0 : i32
        %get3A_500 = arith.constant 0 : i32
        %get3A_501 = arith.index_cast %get3A_499 : i32 to index
        %get3A_502 = arith.index_cast %get3A_500 : i32 to index
        %get3A_503 = arith.index_cast %scan3A_245 : i32 to index
        %get3A_504 = arith.constant 80 : index
        %get3A_505 = tpu.vector_load %arg4[%get3A_501, %get3A_502, %get3A_503, %get3A_504] {strides = array<i32>} : memref<2x5x32x256xf32, #tpu.memory_space<vmem>>, vector<16xf32>,
        %get3A_506 = arith.constant 0 : i32
        %get3A_507 = arith.constant 1 : i32
        %get3A_508 = arith.index_cast %get3A_506 : i32 to index
        %get3A_509 = arith.index_cast %get3A_507 : i32 to index
        %get3A_510 = arith.index_cast %scan3A_245 : i32 to index
        %get3A_511 = arith.constant 80 : index
        %get3A_512 = tpu.vector_load %arg4[%get3A_508, %get3A_509, %get3A_510, %get3A_511] {strides = array<i32>} : memref<2x5x32x256xf32, #tpu.memory_space<vmem>>, vector<16xf32>,
        %get3A_513 = arith.constant 0 : i32
        %get3A_514 = arith.constant 2 : i32
        %get3A_515 = arith.index_cast %get3A_513 : i32 to index
        %get3A_516 = arith.index_cast %get3A_514 : i32 to index
        %get3A_517 = arith.index_cast %scan3A_245 : i32 to index
        %get3A_518 = arith.constant 80 : index
        %get3A_519 = tpu.vector_load %arg4[%get3A_515, %get3A_516, %get3A_517, %get3A_518] {strides = array<i32>} : memref<2x5x32x256xf32, #tpu.memory_space<vmem>>, vector<16xf32>,
        %get3A_520 = arith.constant 0 : i32
        %get3A_521 = arith.constant 3 : i32
        %get3A_522 = arith.index_cast %get3A_520 : i32 to index
        %get3A_523 = arith.index_cast %get3A_521 : i32 to index
        %get3A_524 = arith.index_cast %scan3A_245 : i32 to index
        %get3A_525 = arith.constant 80 : index
        %get3A_526 = tpu.vector_load %arg4[%get3A_522, %get3A_523, %get3A_524, %get3A_525] {strides = array<i32>} : memref<2x5x32x256xf32, #tpu.memory_space<vmem>>, vector<16xf32>,
        %get3A_527 = arith.constant 0 : i32
        %get3A_528 = arith.constant 4 : i32
        %get3A_529 = arith.index_cast %get3A_527 : i32 to index
        %get3A_530 = arith.index_cast %get3A_528 : i32 to index
        %get3A_531 = arith.index_cast %scan3A_245 : i32 to index
        %get3A_532 = arith.constant 80 : index
        %get3A_533 = tpu.vector_load %arg4[%get3A_529, %get3A_530, %get3A_531, %get3A_532] {strides = array<i32>} : memref<2x5x32x256xf32, #tpu.memory_space<vmem>>, vector<16xf32>,
        %max3A_534 = arith.maximumf %get3A_505, %get3A_512 : vector<16xf32>
        %max3A_535 = arith.maximumf %get3A_519, %get3A_526 : vector<16xf32>
        %max3A_536 = arith.maximumf %max3A_534, %max3A_535 : vector<16xf32>
        %max3A_537 = arith.maximumf %max3A_536, %get3A_533 : vector<16xf32>
        %eq3A_538 = arith.cmpf oeq, %get3A_512, %max3A_537 : vector<16xf32>
        %select_n3A_539 = arith.select %eq3A_538, %broadcast_in_dim3A_3, %broadcast_in_dim3A_5 : vector<16xi1>, vector<16xf32>
        %eq3A_540 = arith.cmpf oeq, %get3A_519, %max3A_537 : vector<16xf32>
        %select_n3A_541 = arith.select %eq3A_540, %broadcast_in_dim3A_3, %broadcast_in_dim3A_5 : vector<16xi1>, vector<16xf32>
        %eq3A_542 = arith.cmpf oeq, %get3A_526, %max3A_537 : vector<16xf32>
        %select_n3A_543 = arith.select %eq3A_542, %broadcast_in_dim3A_3, %broadcast_in_dim3A_5 : vector<16xi1>, vector<16xf32>
        %eq3A_544 = arith.cmpf oeq, %get3A_533, %max3A_537 : vector<16xf32>
        %select_n3A_545 = arith.select %eq3A_544, %broadcast_in_dim3A_3, %broadcast_in_dim3A_5 : vector<16xi1>, vector<16xf32>
        %add3A_546 = arith.addf %select_n3A_492, %select_n3A_539 : vector<16xf32>
        %add3A_547 = arith.addf %add3A_445, %add3A_546 : vector<16xf32>
        %add3A_548 = arith.addf %select_n3A_494, %select_n3A_541 : vector<16xf32>
        %add3A_549 = arith.addf %add3A_447, %add3A_548 : vector<16xf32>
        %add3A_550 = arith.addf %select_n3A_496, %select_n3A_543 : vector<16xf32>
        %add3A_551 = arith.addf %add3A_449, %add3A_550 : vector<16xf32>
        %add3A_552 = arith.addf %select_n3A_498, %select_n3A_545 : vector<16xf32>
        %add3A_553 = arith.addf %add3A_451, %add3A_552 : vector<16xf32>
        %get3A_554 = arith.constant 0 : i32
        %get3A_555 = arith.constant 0 : i32
        %get3A_556 = arith.index_cast %get3A_554 : i32 to index
        %get3A_557 = arith.index_cast %get3A_555 : i32 to index
        %get3A_558 = arith.index_cast %scan3A_245 : i32 to index
        %get3A_559 = arith.constant 96 : index
        %get3A_560 = tpu.vector_load %arg4[%get3A_556, %get3A_557, %get3A_558, %get3A_559] {strides = array<i32>} : memref<2x5x32x256xf32, #tpu.memory_space<vmem>>, vector<16xf32>,
        %get3A_561 = arith.constant 0 : i32
        %get3A_562 = arith.constant 1 : i32
        %get3A_563 = arith.index_cast %get3A_561 : i32 to index
        %get3A_564 = arith.index_cast %get3A_562 : i32 to index
        %get3A_565 = arith.index_cast %scan3A_245 : i32 to index
        %get3A_566 = arith.constant 96 : index
        %get3A_567 = tpu.vector_load %arg4[%get3A_563, %get3A_564, %get3A_565, %get3A_566] {strides = array<i32>} : memref<2x5x32x256xf32, #tpu.memory_space<vmem>>, vector<16xf32>,
        %get3A_568 = arith.constant 0 : i32
        %get3A_569 = arith.constant 2 : i32
        %get3A_570 = arith.index_cast %get3A_568 : i32 to index
        %get3A_571 = arith.index_cast %get3A_569 : i32 to index
        %get3A_572 = arith.index_cast %scan3A_245 : i32 to index
        %get3A_573 = arith.constant 96 : index
        %get3A_574 = tpu.vector_load %arg4[%get3A_570, %get3A_571, %get3A_572, %get3A_573] {strides = array<i32>} : memref<2x5x32x256xf32, #tpu.memory_space<vmem>>, vector<16xf32>,
        %get3A_575 = arith.constant 0 : i32
        %get3A_576 = arith.constant 3 : i32
        %get3A_577 = arith.index_cast %get3A_575 : i32 to index
        %get3A_578 = arith.index_cast %get3A_576 : i32 to index
        %get3A_579 = arith.index_cast %scan3A_245 : i32 to index
        %get3A_580 = arith.constant 96 : index
        %get3A_581 = tpu.vector_load %arg4[%get3A_577, %get3A_578, %get3A_579, %get3A_580] {strides = array<i32>} : memref<2x5x32x256xf32, #tpu.memory_space<vmem>>, vector<16xf32>,
        %get3A_582 = arith.constant 0 : i32
        %get3A_583 = arith.constant 4 : i32
        %get3A_584 = arith.index_cast %get3A_582 : i32 to index
        %get3A_585 = arith.index_cast %get3A_583 : i32 to index
        %get3A_586 = arith.index_cast %scan3A_245 : i32 to index
        %get3A_587 = arith.constant 96 : index
        %get3A_588 = tpu.vector_load %arg4[%get3A_584, %get3A_585, %get3A_586, %get3A_587] {strides = array<i32>} : memref<2x5x32x256xf32, #tpu.memory_space<vmem>>, vector<16xf32>,
        %max3A_589 = arith.maximumf %get3A_560, %get3A_567 : vector<16xf32>
        %max3A_590 = arith.maximumf %get3A_574, %get3A_581 : vector<16xf32>
        %max3A_591 = arith.maximumf %max3A_589, %max3A_590 : vector<16xf32>
        %max3A_592 = arith.maximumf %max3A_591, %get3A_588 : vector<16xf32>
        %eq3A_593 = arith.cmpf oeq, %get3A_567, %max3A_592 : vector<16xf32>
        %select_n3A_594 = arith.select %eq3A_593, %broadcast_in_dim3A_3, %broadcast_in_dim3A_5 : vector<16xi1>, vector<16xf32>
        %eq3A_595 = arith.cmpf oeq, %get3A_574, %max3A_592 : vector<16xf32>
        %select_n3A_596 = arith.select %eq3A_595, %broadcast_in_dim3A_3, %broadcast_in_dim3A_5 : vector<16xi1>, vector<16xf32>
        %eq3A_597 = arith.cmpf oeq, %get3A_581, %max3A_592 : vector<16xf32>
        %select_n3A_598 = arith.select %eq3A_597, %broadcast_in_dim3A_3, %broadcast_in_dim3A_5 : vector<16xi1>, vector<16xf32>
        %eq3A_599 = arith.cmpf oeq, %get3A_588, %max3A_592 : vector<16xf32>
        %select_n3A_600 = arith.select %eq3A_599, %broadcast_in_dim3A_3, %broadcast_in_dim3A_5 : vector<16xi1>, vector<16xf32>
        %get3A_601 = arith.constant 0 : i32
        %get3A_602 = arith.constant 0 : i32
        %get3A_603 = arith.index_cast %get3A_601 : i32 to index
        %get3A_604 = arith.index_cast %get3A_602 : i32 to index
        %get3A_605 = arith.index_cast %scan3A_245 : i32 to index
        %get3A_606 = arith.constant 112 : index
        %get3A_607 = tpu.vector_load %arg4[%get3A_603, %get3A_604, %get3A_605, %get3A_606] {strides = array<i32>} : memref<2x5x32x256xf32, #tpu.memory_space<vmem>>, vector<16xf32>,
        %get3A_608 = arith.constant 0 : i32
        %get3A_609 = arith.constant 1 : i32
        %get3A_610 = arith.index_cast %get3A_608 : i32 to index
        %get3A_611 = arith.index_cast %get3A_609 : i32 to index
        %get3A_612 = arith.index_cast %scan3A_245 : i32 to index
        %get3A_613 = arith.constant 112 : index
        %get3A_614 = tpu.vector_load %arg4[%get3A_610, %get3A_611, %get3A_612, %get3A_613] {strides = array<i32>} : memref<2x5x32x256xf32, #tpu.memory_space<vmem>>, vector<16xf32>,
        %get3A_615 = arith.constant 0 : i32
        %get3A_616 = arith.constant 2 : i32
        %get3A_617 = arith.index_cast %get3A_615 : i32 to index
        %get3A_618 = arith.index_cast %get3A_616 : i32 to index
        %get3A_619 = arith.index_cast %scan3A_245 : i32 to index
        %get3A_620 = arith.constant 112 : index
        %get3A_621 = tpu.vector_load %arg4[%get3A_617, %get3A_618, %get3A_619, %get3A_620] {strides = array<i32>} : memref<2x5x32x256xf32, #tpu.memory_space<vmem>>, vector<16xf32>,
        %get3A_622 = arith.constant 0 : i32
        %get3A_623 = arith.constant 3 : i32
        %get3A_624 = arith.index_cast %get3A_622 : i32 to index
        %get3A_625 = arith.index_cast %get3A_623 : i32 to index
        %get3A_626 = arith.index_cast %scan3A_245 : i32 to index
        %get3A_627 = arith.constant 112 : index
        %get3A_628 = tpu.vector_load %arg4[%get3A_624, %get3A_625, %get3A_626, %get3A_627] {strides = array<i32>} : memref<2x5x32x256xf32, #tpu.memory_space<vmem>>, vector<16xf32>,
        %get3A_629 = arith.constant 0 : i32
        %get3A_630 = arith.constant 4 : i32
        %get3A_631 = arith.index_cast %get3A_629 : i32 to index
        %get3A_632 = arith.index_cast %get3A_630 : i32 to index
        %get3A_633 = arith.index_cast %scan3A_245 : i32 to index
        %get3A_634 = arith.constant 112 : index
        %get3A_635 = tpu.vector_load %arg4[%get3A_631, %get3A_632, %get3A_633, %get3A_634] {strides = array<i32>} : memref<2x5x32x256xf32, #tpu.memory_space<vmem>>, vector<16xf32>,
        %max3A_636 = arith.maximumf %get3A_607, %get3A_614 : vector<16xf32>
        %max3A_637 = arith.maximumf %get3A_621, %get3A_628 : vector<16xf32>
        %max3A_638 = arith.maximumf %max3A_636, %max3A_637 : vector<16xf32>
        %max3A_639 = arith.maximumf %max3A_638, %get3A_635 : vector<16xf32>
        %eq3A_640 = arith.cmpf oeq, %get3A_614, %max3A_639 : vector<16xf32>
        %select_n3A_641 = arith.select %eq3A_640, %broadcast_in_dim3A_3, %broadcast_in_dim3A_5 : vector<16xi1>, vector<16xf32>
        %eq3A_642 = arith.cmpf oeq, %get3A_621, %max3A_639 : vector<16xf32>
        %select_n3A_643 = arith.select %eq3A_642, %broadcast_in_dim3A_3, %broadcast_in_dim3A_5 : vector<16xi1>, vector<16xf32>
        %eq3A_644 = arith.cmpf oeq, %get3A_628, %max3A_639 : vector<16xf32>
        %select_n3A_645 = arith.select %eq3A_644, %broadcast_in_dim3A_3, %broadcast_in_dim3A_5 : vector<16xi1>, vector<16xf32>
        %eq3A_646 = arith.cmpf oeq, %get3A_635, %max3A_639 : vector<16xf32>
        %select_n3A_647 = arith.select %eq3A_646, %broadcast_in_dim3A_3, %broadcast_in_dim3A_5 : vector<16xi1>, vector<16xf32>
        %add3A_648 = arith.addf %select_n3A_594, %select_n3A_641 : vector<16xf32>
        %add3A_649 = arith.addf %add3A_547, %add3A_648 : vector<16xf32>
        %add3A_650 = arith.addf %select_n3A_596, %select_n3A_643 : vector<16xf32>
        %add3A_651 = arith.addf %add3A_549, %add3A_650 : vector<16xf32>
        %add3A_652 = arith.addf %select_n3A_598, %select_n3A_645 : vector<16xf32>
        %add3A_653 = arith.addf %add3A_551, %add3A_652 : vector<16xf32>
        %add3A_654 = arith.addf %select_n3A_600, %select_n3A_647 : vector<16xf32>
        %add3A_655 = arith.addf %add3A_553, %add3A_654 : vector<16xf32>
        scf.yield %add3A_649, %add3A_651, %add3A_653, %add3A_655 : vector<16xf32>, vector<16xf32>, vector<16xf32>, vector<16xf32>
      }
      %scan3A_124 = arith.constant 32 : i32
      %scan3A_125 = arith.constant 0 : i32
      %scan3A_126 = arith.constant 32 : i32
      %scan3A_127 = arith.addi %scan3A_125, %scan3A_126 : i32
      %scan3A_128 = arith.constant 1 : i32
      %scan3A_129:4 = scf.for %scan3A_245 = %scan3A_125 to %scan3A_127 step %scan3A_128 iter_args(%scan3A_246 = %scan3A_79, %scan3A_247 = %scan3A_80, %scan3A_248 = %scan3A_81, %scan3A_249 = %scan3A_82) -> (vector<16xf32>, vector<16xf32>, vector<16xf32>, vector<16xf32>)  : i32 {
        %get3A = arith.constant 0 : i32
        %get3A_250 = arith.constant 0 : i32
        %get3A_251 = arith.index_cast %get3A : i32 to index
        %get3A_252 = arith.index_cast %get3A_250 : i32 to index
        %get3A_253 = arith.index_cast %scan3A_245 : i32 to index
        %get3A_254 = arith.constant 128 : index
        %get3A_255 = tpu.vector_load %arg4[%get3A_251, %get3A_252, %get3A_253, %get3A_254] {strides = array<i32>} : memref<2x5x32x256xf32, #tpu.memory_space<vmem>>, vector<16xf32>,
        %get3A_256 = arith.constant 0 : i32
        %get3A_257 = arith.constant 1 : i32
        %get3A_258 = arith.index_cast %get3A_256 : i32 to index
        %get3A_259 = arith.index_cast %get3A_257 : i32 to index
        %get3A_260 = arith.index_cast %scan3A_245 : i32 to index
        %get3A_261 = arith.constant 128 : index
        %get3A_262 = tpu.vector_load %arg4[%get3A_258, %get3A_259, %get3A_260, %get3A_261] {strides = array<i32>} : memref<2x5x32x256xf32, #tpu.memory_space<vmem>>, vector<16xf32>,
        %get3A_263 = arith.constant 0 : i32
        %get3A_264 = arith.constant 2 : i32
        %get3A_265 = arith.index_cast %get3A_263 : i32 to index
        %get3A_266 = arith.index_cast %get3A_264 : i32 to index
        %get3A_267 = arith.index_cast %scan3A_245 : i32 to index
        %get3A_268 = arith.constant 128 : index
        %get3A_269 = tpu.vector_load %arg4[%get3A_265, %get3A_266, %get3A_267, %get3A_268] {strides = array<i32>} : memref<2x5x32x256xf32, #tpu.memory_space<vmem>>, vector<16xf32>,
        %get3A_270 = arith.constant 0 : i32
        %get3A_271 = arith.constant 3 : i32
        %get3A_272 = arith.index_cast %get3A_270 : i32 to index
        %get3A_273 = arith.index_cast %get3A_271 : i32 to index
        %get3A_274 = arith.index_cast %scan3A_245 : i32 to index
        %get3A_275 = arith.constant 128 : index
        %get3A_276 = tpu.vector_load %arg4[%get3A_272, %get3A_273, %get3A_274, %get3A_275] {strides = array<i32>} : memref<2x5x32x256xf32, #tpu.memory_space<vmem>>, vector<16xf32>,
        %get3A_277 = arith.constant 0 : i32
        %get3A_278 = arith.constant 4 : i32
        %get3A_279 = arith.index_cast %get3A_277 : i32 to index
        %get3A_280 = arith.index_cast %get3A_278 : i32 to index
        %get3A_281 = arith.index_cast %scan3A_245 : i32 to index
        %get3A_282 = arith.constant 128 : index
        %get3A_283 = tpu.vector_load %arg4[%get3A_279, %get3A_280, %get3A_281, %get3A_282] {strides = array<i32>} : memref<2x5x32x256xf32, #tpu.memory_space<vmem>>, vector<16xf32>,
        %max3A = arith.maximumf %get3A_255, %get3A_262 : vector<16xf32>
        %max3A_284 = arith.maximumf %get3A_269, %get3A_276 : vector<16xf32>
        %max3A_285 = arith.maximumf %max3A, %max3A_284 : vector<16xf32>
        %max3A_286 = arith.maximumf %max3A_285, %get3A_283 : vector<16xf32>
        %eq3A_287 = arith.cmpf oeq, %get3A_262, %max3A_286 : vector<16xf32>
        %select_n3A_288 = arith.select %eq3A_287, %broadcast_in_dim3A_3, %broadcast_in_dim3A_5 : vector<16xi1>, vector<16xf32>
        %eq3A_289 = arith.cmpf oeq, %get3A_269, %max3A_286 : vector<16xf32>
        %select_n3A_290 = arith.select %eq3A_289, %broadcast_in_dim3A_3, %broadcast_in_dim3A_5 : vector<16xi1>, vector<16xf32>
        %eq3A_291 = arith.cmpf oeq, %get3A_276, %max3A_286 : vector<16xf32>
        %select_n3A_292 = arith.select %eq3A_291, %broadcast_in_dim3A_3, %broadcast_in_dim3A_5 : vector<16xi1>, vector<16xf32>
        %eq3A_293 = arith.cmpf oeq, %get3A_283, %max3A_286 : vector<16xf32>
        %select_n3A_294 = arith.select %eq3A_293, %broadcast_in_dim3A_3, %broadcast_in_dim3A_5 : vector<16xi1>, vector<16xf32>
        %get3A_295 = arith.constant 0 : i32
        %get3A_296 = arith.constant 0 : i32
        %get3A_297 = arith.index_cast %get3A_295 : i32 to index
        %get3A_298 = arith.index_cast %get3A_296 : i32 to index
        %get3A_299 = arith.index_cast %scan3A_245 : i32 to index
        %get3A_300 = arith.constant 144 : index
        %get3A_301 = tpu.vector_load %arg4[%get3A_297, %get3A_298, %get3A_299, %get3A_300] {strides = array<i32>} : memref<2x5x32x256xf32, #tpu.memory_space<vmem>>, vector<16xf32>,
        %get3A_302 = arith.constant 0 : i32
        %get3A_303 = arith.constant 1 : i32
        %get3A_304 = arith.index_cast %get3A_302 : i32 to index
        %get3A_305 = arith.index_cast %get3A_303 : i32 to index
        %get3A_306 = arith.index_cast %scan3A_245 : i32 to index
        %get3A_307 = arith.constant 144 : index
        %get3A_308 = tpu.vector_load %arg4[%get3A_304, %get3A_305, %get3A_306, %get3A_307] {strides = array<i32>} : memref<2x5x32x256xf32, #tpu.memory_space<vmem>>, vector<16xf32>,
        %get3A_309 = arith.constant 0 : i32
        %get3A_310 = arith.constant 2 : i32
        %get3A_311 = arith.index_cast %get3A_309 : i32 to index
        %get3A_312 = arith.index_cast %get3A_310 : i32 to index
        %get3A_313 = arith.index_cast %scan3A_245 : i32 to index
        %get3A_314 = arith.constant 144 : index
        %get3A_315 = tpu.vector_load %arg4[%get3A_311, %get3A_312, %get3A_313, %get3A_314] {strides = array<i32>} : memref<2x5x32x256xf32, #tpu.memory_space<vmem>>, vector<16xf32>,
        %get3A_316 = arith.constant 0 : i32
        %get3A_317 = arith.constant 3 : i32
        %get3A_318 = arith.index_cast %get3A_316 : i32 to index
        %get3A_319 = arith.index_cast %get3A_317 : i32 to index
        %get3A_320 = arith.index_cast %scan3A_245 : i32 to index
        %get3A_321 = arith.constant 144 : index
        %get3A_322 = tpu.vector_load %arg4[%get3A_318, %get3A_319, %get3A_320, %get3A_321] {strides = array<i32>} : memref<2x5x32x256xf32, #tpu.memory_space<vmem>>, vector<16xf32>,
        %get3A_323 = arith.constant 0 : i32
        %get3A_324 = arith.constant 4 : i32
        %get3A_325 = arith.index_cast %get3A_323 : i32 to index
        %get3A_326 = arith.index_cast %get3A_324 : i32 to index
        %get3A_327 = arith.index_cast %scan3A_245 : i32 to index
        %get3A_328 = arith.constant 144 : index
        %get3A_329 = tpu.vector_load %arg4[%get3A_325, %get3A_326, %get3A_327, %get3A_328] {strides = array<i32>} : memref<2x5x32x256xf32, #tpu.memory_space<vmem>>, vector<16xf32>,
        %max3A_330 = arith.maximumf %get3A_301, %get3A_308 : vector<16xf32>
        %max3A_331 = arith.maximumf %get3A_315, %get3A_322 : vector<16xf32>
        %max3A_332 = arith.maximumf %max3A_330, %max3A_331 : vector<16xf32>
        %max3A_333 = arith.maximumf %max3A_332, %get3A_329 : vector<16xf32>
        %eq3A_334 = arith.cmpf oeq, %get3A_308, %max3A_333 : vector<16xf32>
        %select_n3A_335 = arith.select %eq3A_334, %broadcast_in_dim3A_3, %broadcast_in_dim3A_5 : vector<16xi1>, vector<16xf32>
        %eq3A_336 = arith.cmpf oeq, %get3A_315, %max3A_333 : vector<16xf32>
        %select_n3A_337 = arith.select %eq3A_336, %broadcast_in_dim3A_3, %broadcast_in_dim3A_5 : vector<16xi1>, vector<16xf32>
        %eq3A_338 = arith.cmpf oeq, %get3A_322, %max3A_333 : vector<16xf32>
        %select_n3A_339 = arith.select %eq3A_338, %broadcast_in_dim3A_3, %broadcast_in_dim3A_5 : vector<16xi1>, vector<16xf32>
        %eq3A_340 = arith.cmpf oeq, %get3A_329, %max3A_333 : vector<16xf32>
        %select_n3A_341 = arith.select %eq3A_340, %broadcast_in_dim3A_3, %broadcast_in_dim3A_5 : vector<16xi1>, vector<16xf32>
        %add3A_342 = arith.addf %select_n3A_288, %select_n3A_335 : vector<16xf32>
        %add3A_343 = arith.addf %scan3A_246, %add3A_342 : vector<16xf32>
        %add3A_344 = arith.addf %select_n3A_290, %select_n3A_337 : vector<16xf32>
        %add3A_345 = arith.addf %scan3A_247, %add3A_344 : vector<16xf32>
        %add3A_346 = arith.addf %select_n3A_292, %select_n3A_339 : vector<16xf32>
        %add3A_347 = arith.addf %scan3A_248, %add3A_346 : vector<16xf32>
        %add3A_348 = arith.addf %select_n3A_294, %select_n3A_341 : vector<16xf32>
        %add3A_349 = arith.addf %scan3A_249, %add3A_348 : vector<16xf32>
        %get3A_350 = arith.constant 0 : i32
        %get3A_351 = arith.constant 0 : i32
        %get3A_352 = arith.index_cast %get3A_350 : i32 to index
        %get3A_353 = arith.index_cast %get3A_351 : i32 to index
        %get3A_354 = arith.index_cast %scan3A_245 : i32 to index
        %get3A_355 = arith.constant 160 : index
        %get3A_356 = tpu.vector_load %arg4[%get3A_352, %get3A_353, %get3A_354, %get3A_355] {strides = array<i32>} : memref<2x5x32x256xf32, #tpu.memory_space<vmem>>, vector<16xf32>,
        %get3A_357 = arith.constant 0 : i32
        %get3A_358 = arith.constant 1 : i32
        %get3A_359 = arith.index_cast %get3A_357 : i32 to index
        %get3A_360 = arith.index_cast %get3A_358 : i32 to index
        %get3A_361 = arith.index_cast %scan3A_245 : i32 to index
        %get3A_362 = arith.constant 160 : index
        %get3A_363 = tpu.vector_load %arg4[%get3A_359, %get3A_360, %get3A_361, %get3A_362] {strides = array<i32>} : memref<2x5x32x256xf32, #tpu.memory_space<vmem>>, vector<16xf32>,
        %get3A_364 = arith.constant 0 : i32
        %get3A_365 = arith.constant 2 : i32
        %get3A_366 = arith.index_cast %get3A_364 : i32 to index
        %get3A_367 = arith.index_cast %get3A_365 : i32 to index
        %get3A_368 = arith.index_cast %scan3A_245 : i32 to index
        %get3A_369 = arith.constant 160 : index
        %get3A_370 = tpu.vector_load %arg4[%get3A_366, %get3A_367, %get3A_368, %get3A_369] {strides = array<i32>} : memref<2x5x32x256xf32, #tpu.memory_space<vmem>>, vector<16xf32>,
        %get3A_371 = arith.constant 0 : i32
        %get3A_372 = arith.constant 3 : i32
        %get3A_373 = arith.index_cast %get3A_371 : i32 to index
        %get3A_374 = arith.index_cast %get3A_372 : i32 to index
        %get3A_375 = arith.index_cast %scan3A_245 : i32 to index
        %get3A_376 = arith.constant 160 : index
        %get3A_377 = tpu.vector_load %arg4[%get3A_373, %get3A_374, %get3A_375, %get3A_376] {strides = array<i32>} : memref<2x5x32x256xf32, #tpu.memory_space<vmem>>, vector<16xf32>,
        %get3A_378 = arith.constant 0 : i32
        %get3A_379 = arith.constant 4 : i32
        %get3A_380 = arith.index_cast %get3A_378 : i32 to index
        %get3A_381 = arith.index_cast %get3A_379 : i32 to index
        %get3A_382 = arith.index_cast %scan3A_245 : i32 to index
        %get3A_383 = arith.constant 160 : index
        %get3A_384 = tpu.vector_load %arg4[%get3A_380, %get3A_381, %get3A_382, %get3A_383] {strides = array<i32>} : memref<2x5x32x256xf32, #tpu.memory_space<vmem>>, vector<16xf32>,
        %max3A_385 = arith.maximumf %get3A_356, %get3A_363 : vector<16xf32>
        %max3A_386 = arith.maximumf %get3A_370, %get3A_377 : vector<16xf32>
        %max3A_387 = arith.maximumf %max3A_385, %max3A_386 : vector<16xf32>
        %max3A_388 = arith.maximumf %max3A_387, %get3A_384 : vector<16xf32>
        %eq3A_389 = arith.cmpf oeq, %get3A_363, %max3A_388 : vector<16xf32>
        %select_n3A_390 = arith.select %eq3A_389, %broadcast_in_dim3A_3, %broadcast_in_dim3A_5 : vector<16xi1>, vector<16xf32>
        %eq3A_391 = arith.cmpf oeq, %get3A_370, %max3A_388 : vector<16xf32>
        %select_n3A_392 = arith.select %eq3A_391, %broadcast_in_dim3A_3, %broadcast_in_dim3A_5 : vector<16xi1>, vector<16xf32>
        %eq3A_393 = arith.cmpf oeq, %get3A_377, %max3A_388 : vector<16xf32>
        %select_n3A_394 = arith.select %eq3A_393, %broadcast_in_dim3A_3, %broadcast_in_dim3A_5 : vector<16xi1>, vector<16xf32>
        %eq3A_395 = arith.cmpf oeq, %get3A_384, %max3A_388 : vector<16xf32>
        %select_n3A_396 = arith.select %eq3A_395, %broadcast_in_dim3A_3, %broadcast_in_dim3A_5 : vector<16xi1>, vector<16xf32>
        %get3A_397 = arith.constant 0 : i32
        %get3A_398 = arith.constant 0 : i32
        %get3A_399 = arith.index_cast %get3A_397 : i32 to index
        %get3A_400 = arith.index_cast %get3A_398 : i32 to index
        %get3A_401 = arith.index_cast %scan3A_245 : i32 to index
        %get3A_402 = arith.constant 176 : index
        %get3A_403 = tpu.vector_load %arg4[%get3A_399, %get3A_400, %get3A_401, %get3A_402] {strides = array<i32>} : memref<2x5x32x256xf32, #tpu.memory_space<vmem>>, vector<16xf32>,
        %get3A_404 = arith.constant 0 : i32
        %get3A_405 = arith.constant 1 : i32
        %get3A_406 = arith.index_cast %get3A_404 : i32 to index
        %get3A_407 = arith.index_cast %get3A_405 : i32 to index
        %get3A_408 = arith.index_cast %scan3A_245 : i32 to index
        %get3A_409 = arith.constant 176 : index
        %get3A_410 = tpu.vector_load %arg4[%get3A_406, %get3A_407, %get3A_408, %get3A_409] {strides = array<i32>} : memref<2x5x32x256xf32, #tpu.memory_space<vmem>>, vector<16xf32>,
        %get3A_411 = arith.constant 0 : i32
        %get3A_412 = arith.constant 2 : i32
        %get3A_413 = arith.index_cast %get3A_411 : i32 to index
        %get3A_414 = arith.index_cast %get3A_412 : i32 to index
        %get3A_415 = arith.index_cast %scan3A_245 : i32 to index
        %get3A_416 = arith.constant 176 : index
        %get3A_417 = tpu.vector_load %arg4[%get3A_413, %get3A_414, %get3A_415, %get3A_416] {strides = array<i32>} : memref<2x5x32x256xf32, #tpu.memory_space<vmem>>, vector<16xf32>,
        %get3A_418 = arith.constant 0 : i32
        %get3A_419 = arith.constant 3 : i32
        %get3A_420 = arith.index_cast %get3A_418 : i32 to index
        %get3A_421 = arith.index_cast %get3A_419 : i32 to index
        %get3A_422 = arith.index_cast %scan3A_245 : i32 to index
        %get3A_423 = arith.constant 176 : index
        %get3A_424 = tpu.vector_load %arg4[%get3A_420, %get3A_421, %get3A_422, %get3A_423] {strides = array<i32>} : memref<2x5x32x256xf32, #tpu.memory_space<vmem>>, vector<16xf32>,
        %get3A_425 = arith.constant 0 : i32
        %get3A_426 = arith.constant 4 : i32
        %get3A_427 = arith.index_cast %get3A_425 : i32 to index
        %get3A_428 = arith.index_cast %get3A_426 : i32 to index
        %get3A_429 = arith.index_cast %scan3A_245 : i32 to index
        %get3A_430 = arith.constant 176 : index
        %get3A_431 = tpu.vector_load %arg4[%get3A_427, %get3A_428, %get3A_429, %get3A_430] {strides = array<i32>} : memref<2x5x32x256xf32, #tpu.memory_space<vmem>>, vector<16xf32>,
        %max3A_432 = arith.maximumf %get3A_403, %get3A_410 : vector<16xf32>
        %max3A_433 = arith.maximumf %get3A_417, %get3A_424 : vector<16xf32>
        %max3A_434 = arith.maximumf %max3A_432, %max3A_433 : vector<16xf32>
        %max3A_435 = arith.maximumf %max3A_434, %get3A_431 : vector<16xf32>
        %eq3A_436 = arith.cmpf oeq, %get3A_410, %max3A_435 : vector<16xf32>
        %select_n3A_437 = arith.select %eq3A_436, %broadcast_in_dim3A_3, %broadcast_in_dim3A_5 : vector<16xi1>, vector<16xf32>
        %eq3A_438 = arith.cmpf oeq, %get3A_417, %max3A_435 : vector<16xf32>
        %select_n3A_439 = arith.select %eq3A_438, %broadcast_in_dim3A_3, %broadcast_in_dim3A_5 : vector<16xi1>, vector<16xf32>
        %eq3A_440 = arith.cmpf oeq, %get3A_424, %max3A_435 : vector<16xf32>
        %select_n3A_441 = arith.select %eq3A_440, %broadcast_in_dim3A_3, %broadcast_in_dim3A_5 : vector<16xi1>, vector<16xf32>
        %eq3A_442 = arith.cmpf oeq, %get3A_431, %max3A_435 : vector<16xf32>
        %select_n3A_443 = arith.select %eq3A_442, %broadcast_in_dim3A_3, %broadcast_in_dim3A_5 : vector<16xi1>, vector<16xf32>
        %add3A_444 = arith.addf %select_n3A_390, %select_n3A_437 : vector<16xf32>
        %add3A_445 = arith.addf %add3A_343, %add3A_444 : vector<16xf32>
        %add3A_446 = arith.addf %select_n3A_392, %select_n3A_439 : vector<16xf32>
        %add3A_447 = arith.addf %add3A_345, %add3A_446 : vector<16xf32>
        %add3A_448 = arith.addf %select_n3A_394, %select_n3A_441 : vector<16xf32>
        %add3A_449 = arith.addf %add3A_347, %add3A_448 : vector<16xf32>
        %add3A_450 = arith.addf %select_n3A_396, %select_n3A_443 : vector<16xf32>
        %add3A_451 = arith.addf %add3A_349, %add3A_450 : vector<16xf32>
        %get3A_452 = arith.constant 0 : i32
        %get3A_453 = arith.constant 0 : i32
        %get3A_454 = arith.index_cast %get3A_452 : i32 to index
        %get3A_455 = arith.index_cast %get3A_453 : i32 to index
        %get3A_456 = arith.index_cast %scan3A_245 : i32 to index
        %get3A_457 = arith.constant 192 : index
        %get3A_458 = tpu.vector_load %arg4[%get3A_454, %get3A_455, %get3A_456, %get3A_457] {strides = array<i32>} : memref<2x5x32x256xf32, #tpu.memory_space<vmem>>, vector<16xf32>,
        %get3A_459 = arith.constant 0 : i32
        %get3A_460 = arith.constant 1 : i32
        %get3A_461 = arith.index_cast %get3A_459 : i32 to index
        %get3A_462 = arith.index_cast %get3A_460 : i32 to index
        %get3A_463 = arith.index_cast %scan3A_245 : i32 to index
        %get3A_464 = arith.constant 192 : index
        %get3A_465 = tpu.vector_load %arg4[%get3A_461, %get3A_462, %get3A_463, %get3A_464] {strides = array<i32>} : memref<2x5x32x256xf32, #tpu.memory_space<vmem>>, vector<16xf32>,
        %get3A_466 = arith.constant 0 : i32
        %get3A_467 = arith.constant 2 : i32
        %get3A_468 = arith.index_cast %get3A_466 : i32 to index
        %get3A_469 = arith.index_cast %get3A_467 : i32 to index
        %get3A_470 = arith.index_cast %scan3A_245 : i32 to index
        %get3A_471 = arith.constant 192 : index
        %get3A_472 = tpu.vector_load %arg4[%get3A_468, %get3A_469, %get3A_470, %get3A_471] {strides = array<i32>} : memref<2x5x32x256xf32, #tpu.memory_space<vmem>>, vector<16xf32>,
        %get3A_473 = arith.constant 0 : i32
        %get3A_474 = arith.constant 3 : i32
        %get3A_475 = arith.index_cast %get3A_473 : i32 to index
        %get3A_476 = arith.index_cast %get3A_474 : i32 to index
        %get3A_477 = arith.index_cast %scan3A_245 : i32 to index
        %get3A_478 = arith.constant 192 : index
        %get3A_479 = tpu.vector_load %arg4[%get3A_475, %get3A_476, %get3A_477, %get3A_478] {strides = array<i32>} : memref<2x5x32x256xf32, #tpu.memory_space<vmem>>, vector<16xf32>,
        %get3A_480 = arith.constant 0 : i32
        %get3A_481 = arith.constant 4 : i32
        %get3A_482 = arith.index_cast %get3A_480 : i32 to index
        %get3A_483 = arith.index_cast %get3A_481 : i32 to index
        %get3A_484 = arith.index_cast %scan3A_245 : i32 to index
        %get3A_485 = arith.constant 192 : index
        %get3A_486 = tpu.vector_load %arg4[%get3A_482, %get3A_483, %get3A_484, %get3A_485] {strides = array<i32>} : memref<2x5x32x256xf32, #tpu.memory_space<vmem>>, vector<16xf32>,
        %max3A_487 = arith.maximumf %get3A_458, %get3A_465 : vector<16xf32>
        %max3A_488 = arith.maximumf %get3A_472, %get3A_479 : vector<16xf32>
        %max3A_489 = arith.maximumf %max3A_487, %max3A_488 : vector<16xf32>
        %max3A_490 = arith.maximumf %max3A_489, %get3A_486 : vector<16xf32>
        %eq3A_491 = arith.cmpf oeq, %get3A_465, %max3A_490 : vector<16xf32>
        %select_n3A_492 = arith.select %eq3A_491, %broadcast_in_dim3A_3, %broadcast_in_dim3A_5 : vector<16xi1>, vector<16xf32>
        %eq3A_493 = arith.cmpf oeq, %get3A_472, %max3A_490 : vector<16xf32>
        %select_n3A_494 = arith.select %eq3A_493, %broadcast_in_dim3A_3, %broadcast_in_dim3A_5 : vector<16xi1>, vector<16xf32>
        %eq3A_495 = arith.cmpf oeq, %get3A_479, %max3A_490 : vector<16xf32>
        %select_n3A_496 = arith.select %eq3A_495, %broadcast_in_dim3A_3, %broadcast_in_dim3A_5 : vector<16xi1>, vector<16xf32>
        %eq3A_497 = arith.cmpf oeq, %get3A_486, %max3A_490 : vector<16xf32>
        %select_n3A_498 = arith.select %eq3A_497, %broadcast_in_dim3A_3, %broadcast_in_dim3A_5 : vector<16xi1>, vector<16xf32>
        %get3A_499 = arith.constant 0 : i32
        %get3A_500 = arith.constant 0 : i32
        %get3A_501 = arith.index_cast %get3A_499 : i32 to index
        %get3A_502 = arith.index_cast %get3A_500 : i32 to index
        %get3A_503 = arith.index_cast %scan3A_245 : i32 to index
        %get3A_504 = arith.constant 208 : index
        %get3A_505 = tpu.vector_load %arg4[%get3A_501, %get3A_502, %get3A_503, %get3A_504] {strides = array<i32>} : memref<2x5x32x256xf32, #tpu.memory_space<vmem>>, vector<16xf32>,
        %get3A_506 = arith.constant 0 : i32
        %get3A_507 = arith.constant 1 : i32
        %get3A_508 = arith.index_cast %get3A_506 : i32 to index
        %get3A_509 = arith.index_cast %get3A_507 : i32 to index
        %get3A_510 = arith.index_cast %scan3A_245 : i32 to index
        %get3A_511 = arith.constant 208 : index
        %get3A_512 = tpu.vector_load %arg4[%get3A_508, %get3A_509, %get3A_510, %get3A_511] {strides = array<i32>} : memref<2x5x32x256xf32, #tpu.memory_space<vmem>>, vector<16xf32>,
        %get3A_513 = arith.constant 0 : i32
        %get3A_514 = arith.constant 2 : i32
        %get3A_515 = arith.index_cast %get3A_513 : i32 to index
        %get3A_516 = arith.index_cast %get3A_514 : i32 to index
        %get3A_517 = arith.index_cast %scan3A_245 : i32 to index
        %get3A_518 = arith.constant 208 : index
        %get3A_519 = tpu.vector_load %arg4[%get3A_515, %get3A_516, %get3A_517, %get3A_518] {strides = array<i32>} : memref<2x5x32x256xf32, #tpu.memory_space<vmem>>, vector<16xf32>,
        %get3A_520 = arith.constant 0 : i32
        %get3A_521 = arith.constant 3 : i32
        %get3A_522 = arith.index_cast %get3A_520 : i32 to index
        %get3A_523 = arith.index_cast %get3A_521 : i32 to index
        %get3A_524 = arith.index_cast %scan3A_245 : i32 to index
        %get3A_525 = arith.constant 208 : index
        %get3A_526 = tpu.vector_load %arg4[%get3A_522, %get3A_523, %get3A_524, %get3A_525] {strides = array<i32>} : memref<2x5x32x256xf32, #tpu.memory_space<vmem>>, vector<16xf32>,
        %get3A_527 = arith.constant 0 : i32
        %get3A_528 = arith.constant 4 : i32
        %get3A_529 = arith.index_cast %get3A_527 : i32 to index
        %get3A_530 = arith.index_cast %get3A_528 : i32 to index
        %get3A_531 = arith.index_cast %scan3A_245 : i32 to index
        %get3A_532 = arith.constant 208 : index
        %get3A_533 = tpu.vector_load %arg4[%get3A_529, %get3A_530, %get3A_531, %get3A_532] {strides = array<i32>} : memref<2x5x32x256xf32, #tpu.memory_space<vmem>>, vector<16xf32>,
        %max3A_534 = arith.maximumf %get3A_505, %get3A_512 : vector<16xf32>
        %max3A_535 = arith.maximumf %get3A_519, %get3A_526 : vector<16xf32>
        %max3A_536 = arith.maximumf %max3A_534, %max3A_535 : vector<16xf32>
        %max3A_537 = arith.maximumf %max3A_536, %get3A_533 : vector<16xf32>
        %eq3A_538 = arith.cmpf oeq, %get3A_512, %max3A_537 : vector<16xf32>
        %select_n3A_539 = arith.select %eq3A_538, %broadcast_in_dim3A_3, %broadcast_in_dim3A_5 : vector<16xi1>, vector<16xf32>
        %eq3A_540 = arith.cmpf oeq, %get3A_519, %max3A_537 : vector<16xf32>
        %select_n3A_541 = arith.select %eq3A_540, %broadcast_in_dim3A_3, %broadcast_in_dim3A_5 : vector<16xi1>, vector<16xf32>
        %eq3A_542 = arith.cmpf oeq, %get3A_526, %max3A_537 : vector<16xf32>
        %select_n3A_543 = arith.select %eq3A_542, %broadcast_in_dim3A_3, %broadcast_in_dim3A_5 : vector<16xi1>, vector<16xf32>
        %eq3A_544 = arith.cmpf oeq, %get3A_533, %max3A_537 : vector<16xf32>
        %select_n3A_545 = arith.select %eq3A_544, %broadcast_in_dim3A_3, %broadcast_in_dim3A_5 : vector<16xi1>, vector<16xf32>
        %add3A_546 = arith.addf %select_n3A_492, %select_n3A_539 : vector<16xf32>
        %add3A_547 = arith.addf %add3A_445, %add3A_546 : vector<16xf32>
        %add3A_548 = arith.addf %select_n3A_494, %select_n3A_541 : vector<16xf32>
        %add3A_549 = arith.addf %add3A_447, %add3A_548 : vector<16xf32>
        %add3A_550 = arith.addf %select_n3A_496, %select_n3A_543 : vector<16xf32>
        %add3A_551 = arith.addf %add3A_449, %add3A_550 : vector<16xf32>
        %add3A_552 = arith.addf %select_n3A_498, %select_n3A_545 : vector<16xf32>
        %add3A_553 = arith.addf %add3A_451, %add3A_552 : vector<16xf32>
        %get3A_554 = arith.constant 0 : i32
        %get3A_555 = arith.constant 0 : i32
        %get3A_556 = arith.index_cast %get3A_554 : i32 to index
        %get3A_557 = arith.index_cast %get3A_555 : i32 to index
        %get3A_558 = arith.index_cast %scan3A_245 : i32 to index
        %get3A_559 = arith.constant 224 : index
        %get3A_560 = tpu.vector_load %arg4[%get3A_556, %get3A_557, %get3A_558, %get3A_559] {strides = array<i32>} : memref<2x5x32x256xf32, #tpu.memory_space<vmem>>, vector<16xf32>,
        %get3A_561 = arith.constant 0 : i32
        %get3A_562 = arith.constant 1 : i32
        %get3A_563 = arith.index_cast %get3A_561 : i32 to index
        %get3A_564 = arith.index_cast %get3A_562 : i32 to index
        %get3A_565 = arith.index_cast %scan3A_245 : i32 to index
        %get3A_566 = arith.constant 224 : index
        %get3A_567 = tpu.vector_load %arg4[%get3A_563, %get3A_564, %get3A_565, %get3A_566] {strides = array<i32>} : memref<2x5x32x256xf32, #tpu.memory_space<vmem>>, vector<16xf32>,
        %get3A_568 = arith.constant 0 : i32
        %get3A_569 = arith.constant 2 : i32
        %get3A_570 = arith.index_cast %get3A_568 : i32 to index
        %get3A_571 = arith.index_cast %get3A_569 : i32 to index
        %get3A_572 = arith.index_cast %scan3A_245 : i32 to index
        %get3A_573 = arith.constant 224 : index
        %get3A_574 = tpu.vector_load %arg4[%get3A_570, %get3A_571, %get3A_572, %get3A_573] {strides = array<i32>} : memref<2x5x32x256xf32, #tpu.memory_space<vmem>>, vector<16xf32>,
        %get3A_575 = arith.constant 0 : i32
        %get3A_576 = arith.constant 3 : i32
        %get3A_577 = arith.index_cast %get3A_575 : i32 to index
        %get3A_578 = arith.index_cast %get3A_576 : i32 to index
        %get3A_579 = arith.index_cast %scan3A_245 : i32 to index
        %get3A_580 = arith.constant 224 : index
        %get3A_581 = tpu.vector_load %arg4[%get3A_577, %get3A_578, %get3A_579, %get3A_580] {strides = array<i32>} : memref<2x5x32x256xf32, #tpu.memory_space<vmem>>, vector<16xf32>,
        %get3A_582 = arith.constant 0 : i32
        %get3A_583 = arith.constant 4 : i32
        %get3A_584 = arith.index_cast %get3A_582 : i32 to index
        %get3A_585 = arith.index_cast %get3A_583 : i32 to index
        %get3A_586 = arith.index_cast %scan3A_245 : i32 to index
        %get3A_587 = arith.constant 224 : index
        %get3A_588 = tpu.vector_load %arg4[%get3A_584, %get3A_585, %get3A_586, %get3A_587] {strides = array<i32>} : memref<2x5x32x256xf32, #tpu.memory_space<vmem>>, vector<16xf32>,
        %max3A_589 = arith.maximumf %get3A_560, %get3A_567 : vector<16xf32>
        %max3A_590 = arith.maximumf %get3A_574, %get3A_581 : vector<16xf32>
        %max3A_591 = arith.maximumf %max3A_589, %max3A_590 : vector<16xf32>
        %max3A_592 = arith.maximumf %max3A_591, %get3A_588 : vector<16xf32>
        %eq3A_593 = arith.cmpf oeq, %get3A_567, %max3A_592 : vector<16xf32>
        %select_n3A_594 = arith.select %eq3A_593, %broadcast_in_dim3A_3, %broadcast_in_dim3A_5 : vector<16xi1>, vector<16xf32>
        %eq3A_595 = arith.cmpf oeq, %get3A_574, %max3A_592 : vector<16xf32>
        %select_n3A_596 = arith.select %eq3A_595, %broadcast_in_dim3A_3, %broadcast_in_dim3A_5 : vector<16xi1>, vector<16xf32>
        %eq3A_597 = arith.cmpf oeq, %get3A_581, %max3A_592 : vector<16xf32>
        %select_n3A_598 = arith.select %eq3A_597, %broadcast_in_dim3A_3, %broadcast_in_dim3A_5 : vector<16xi1>, vector<16xf32>
        %eq3A_599 = arith.cmpf oeq, %get3A_588, %max3A_592 : vector<16xf32>
        %select_n3A_600 = arith.select %eq3A_599, %broadcast_in_dim3A_3, %broadcast_in_dim3A_5 : vector<16xi1>, vector<16xf32>
        %get3A_601 = arith.constant 0 : i32
        %get3A_602 = arith.constant 0 : i32
        %get3A_603 = arith.index_cast %get3A_601 : i32 to index
        %get3A_604 = arith.index_cast %get3A_602 : i32 to index
        %get3A_605 = arith.index_cast %scan3A_245 : i32 to index
        %get3A_606 = arith.constant 240 : index
        %get3A_607 = tpu.vector_load %arg4[%get3A_603, %get3A_604, %get3A_605, %get3A_606] {strides = array<i32>} : memref<2x5x32x256xf32, #tpu.memory_space<vmem>>, vector<16xf32>,
        %get3A_608 = arith.constant 0 : i32
        %get3A_609 = arith.constant 1 : i32
        %get3A_610 = arith.index_cast %get3A_608 : i32 to index
        %get3A_611 = arith.index_cast %get3A_609 : i32 to index
        %get3A_612 = arith.index_cast %scan3A_245 : i32 to index
        %get3A_613 = arith.constant 240 : index
        %get3A_614 = tpu.vector_load %arg4[%get3A_610, %get3A_611, %get3A_612, %get3A_613] {strides = array<i32>} : memref<2x5x32x256xf32, #tpu.memory_space<vmem>>, vector<16xf32>,
        %get3A_615 = arith.constant 0 : i32
        %get3A_616 = arith.constant 2 : i32
        %get3A_617 = arith.index_cast %get3A_615 : i32 to index
        %get3A_618 = arith.index_cast %get3A_616 : i32 to index
        %get3A_619 = arith.index_cast %scan3A_245 : i32 to index
        %get3A_620 = arith.constant 240 : index
        %get3A_621 = tpu.vector_load %arg4[%get3A_617, %get3A_618, %get3A_619, %get3A_620] {strides = array<i32>} : memref<2x5x32x256xf32, #tpu.memory_space<vmem>>, vector<16xf32>,
        %get3A_622 = arith.constant 0 : i32
        %get3A_623 = arith.constant 3 : i32
        %get3A_624 = arith.index_cast %get3A_622 : i32 to index
        %get3A_625 = arith.index_cast %get3A_623 : i32 to index
        %get3A_626 = arith.index_cast %scan3A_245 : i32 to index
        %get3A_627 = arith.constant 240 : index
        %get3A_628 = tpu.vector_load %arg4[%get3A_624, %get3A_625, %get3A_626, %get3A_627] {strides = array<i32>} : memref<2x5x32x256xf32, #tpu.memory_space<vmem>>, vector<16xf32>,
        %get3A_629 = arith.constant 0 : i32
        %get3A_630 = arith.constant 4 : i32
        %get3A_631 = arith.index_cast %get3A_629 : i32 to index
        %get3A_632 = arith.index_cast %get3A_630 : i32 to index
        %get3A_633 = arith.index_cast %scan3A_245 : i32 to index
        %get3A_634 = arith.constant 240 : index
        %get3A_635 = tpu.vector_load %arg4[%get3A_631, %get3A_632, %get3A_633, %get3A_634] {strides = array<i32>} : memref<2x5x32x256xf32, #tpu.memory_space<vmem>>, vector<16xf32>,
        %max3A_636 = arith.maximumf %get3A_607, %get3A_614 : vector<16xf32>
        %max3A_637 = arith.maximumf %get3A_621, %get3A_628 : vector<16xf32>
        %max3A_638 = arith.maximumf %max3A_636, %max3A_637 : vector<16xf32>
        %max3A_639 = arith.maximumf %max3A_638, %get3A_635 : vector<16xf32>
        %eq3A_640 = arith.cmpf oeq, %get3A_614, %max3A_639 : vector<16xf32>
        %select_n3A_641 = arith.select %eq3A_640, %broadcast_in_dim3A_3, %broadcast_in_dim3A_5 : vector<16xi1>, vector<16xf32>
        %eq3A_642 = arith.cmpf oeq, %get3A_621, %max3A_639 : vector<16xf32>
        %select_n3A_643 = arith.select %eq3A_642, %broadcast_in_dim3A_3, %broadcast_in_dim3A_5 : vector<16xi1>, vector<16xf32>
        %eq3A_644 = arith.cmpf oeq, %get3A_628, %max3A_639 : vector<16xf32>
        %select_n3A_645 = arith.select %eq3A_644, %broadcast_in_dim3A_3, %broadcast_in_dim3A_5 : vector<16xi1>, vector<16xf32>
        %eq3A_646 = arith.cmpf oeq, %get3A_635, %max3A_639 : vector<16xf32>
        %select_n3A_647 = arith.select %eq3A_646, %broadcast_in_dim3A_3, %broadcast_in_dim3A_5 : vector<16xi1>, vector<16xf32>
        %add3A_648 = arith.addf %select_n3A_594, %select_n3A_641 : vector<16xf32>
        %add3A_649 = arith.addf %add3A_547, %add3A_648 : vector<16xf32>
        %add3A_650 = arith.addf %select_n3A_596, %select_n3A_643 : vector<16xf32>
        %add3A_651 = arith.addf %add3A_549, %add3A_650 : vector<16xf32>
        %add3A_652 = arith.addf %select_n3A_598, %select_n3A_645 : vector<16xf32>
        %add3A_653 = arith.addf %add3A_551, %add3A_652 : vector<16xf32>
        %add3A_654 = arith.addf %select_n3A_600, %select_n3A_647 : vector<16xf32>
        %add3A_655 = arith.addf %add3A_553, %add3A_654 : vector<16xf32>
        scf.yield %add3A_649, %add3A_651, %add3A_653, %add3A_655 : vector<16xf32>, vector<16xf32>, vector<16xf32>, vector<16xf32>
      }
      %scan3A_130 = arith.constant 32 : i32
      %add3A_131 = arith.constant 2 : i32
      %add3A_132 = arith.addi %add3A_86, %add3A_131 : i32
      %lt3A = arith.constant 20 : i32
      %lt3A_133 = arith.cmpi slt, %add3A_132, %lt3A : i32
      %convert_element_type3A = arith.extui %lt3A_133 : i1 to i32
      %cond3A = arith.constant 0 : i32
      %cond3A_134 = arith.cmpi ne, %convert_element_type3A, %cond3A : i32
      scf.if %cond3A_134 {
        %add3A_245 = arith.constant 2 : i32
        %add3A_246 = arith.addi %add3A_87, %add3A_245 : i32
        %shift_right_arithmetic3A_247 = arith.constant 3 : i32
        %shift_right_arithmetic3A_248 = arith.shrsi %add3A_246, %shift_right_arithmetic3A_247 : i32
        %shift_right_arithmetic3A_249 = arith.constant 2 : i32
        %shift_right_arithmetic3A_250 = arith.shrsi %add3A_246, %shift_right_arithmetic3A_249 : i32
        %and3A_251 = arith.constant 1 : i32
        %and3A_252 = arith.andi %shift_right_arithmetic3A_250, %and3A_251 : i32
        %mul3A_253 = arith.constant 128 : i32
        %mul3A_254 = arith.muli %and3A_252, %mul3A_253 : i32
        %and3A_255 = arith.constant 3 : i32
        %and3A_256 = arith.andi %add3A_246, %and3A_255 : i32
        %mul3A_257 = arith.constant 32 : i32
        %mul3A_258 = arith.muli %and3A_256, %mul3A_257 : i32
        %add3A_259 = arith.addi %mul3A_254, %mul3A_258 : i32
        %dma_start3A_260 = arith.constant 0 : i32
        %dma_start3A_261 = arith.constant 0 : i32
        %dma_start3A_262 = arith.constant 0 : i32
        %dma_start3A_263 = arith.constant 0 : i32
        %dma_start3A_264 = tpu.memref_slice %arg4[%dma_start3A_260, %dma_start3A_261, %dma_start3A_262, %dma_start3A_263] : memref<2x5x32x256xf32, #tpu.memory_space<vmem>> -> memref<1x5x32x256xf32, #tpu.memory_space<vmem>>
        %dma_start3A_265 = tpu.memref_squeeze %dma_start3A_264 : memref<1x5x32x256xf32, #tpu.memory_space<vmem>> -> memref<5x32x256xf32, #tpu.memory_space<vmem>>
        %dma_start3A_266 = arith.constant 0 : i32
        %dma_start3A_267 = arith.constant 0 : i32
        %dma_start3A_268 = tpu.memref_slice %arg2[%shift_right_arithmetic3A_248, %dma_start3A_266, %add3A_259, %dma_start3A_267] : memref<128x5x256x256xf32, #tpu.memory_space<hbm>> -> memref<1x5x32x256xf32, #tpu.memory_space<hbm>>
        %dma_start3A_269 = tpu.memref_squeeze %dma_start3A_268 : memref<1x5x32x256xf32, #tpu.memory_space<hbm>> -> memref<5x32x256xf32, #tpu.memory_space<hbm>>
        %dma_start3A_270 = arith.constant 0 : i32
        %dma_start3A_271 = arith.constant 0 : i32
        %dma_start3A_272 = arith.constant 0 : i32
        %dma_start3A_273 = tpu.memref_slice %arg4[%dma_start3A_260, %dma_start3A_270, %dma_start3A_271, %dma_start3A_272] : memref<2x5x32x256xf32, #tpu.memory_space<vmem>> -> memref<1x5x32x256xf32, #tpu.memory_space<vmem>>
        %dma_start3A_274 = tpu.memref_squeeze %dma_start3A_273 : memref<1x5x32x256xf32, #tpu.memory_space<vmem>> -> memref<5x32x256xf32, #tpu.memory_space<vmem>>
        %dma_start3A_275 = arith.constant 0 : i32
        %dma_start3A_276 = arith.constant 0 : i32
        %dma_start3A_277 = tpu.memref_slice %arg2[%shift_right_arithmetic3A_248, %dma_start3A_275, %add3A_259, %dma_start3A_276] : memref<128x5x256x256xf32, #tpu.memory_space<hbm>> -> memref<1x5x32x256xf32, #tpu.memory_space<hbm>>
        %dma_start3A_278 = tpu.memref_squeeze %dma_start3A_277 : memref<1x5x32x256xf32, #tpu.memory_space<hbm>> -> memref<5x32x256xf32, #tpu.memory_space<hbm>>
        tpu.enqueue_dma source(%dma_start3A_278 : memref<5x32x256xf32, #tpu.memory_space<hbm>>) target(%dma_start3A_274 : memref<5x32x256xf32, #tpu.memory_space<vmem>>) target_semaphore(%arg6 : memref<!tpu.dma_semaphore, #tpu.memory_space<semaphore_mem>>)
      } else {
      }
      %shift_right_arithmetic3A_135 = arith.constant 3 : i32
      %shift_right_arithmetic3A_136 = arith.shrsi %add3A_87, %shift_right_arithmetic3A_135 : i32
      %shift_right_arithmetic3A_137 = arith.constant 2 : i32
      %shift_right_arithmetic3A_138 = arith.shrsi %add3A_87, %shift_right_arithmetic3A_137 : i32
      %and3A_139 = arith.constant 1 : i32
      %and3A_140 = arith.andi %shift_right_arithmetic3A_138, %and3A_139 : i32
      %mul3A_141 = arith.constant 128 : i32
      %mul3A_142 = arith.muli %and3A_140, %mul3A_141 : i32
      %and3A_143 = arith.constant 3 : i32
      %and3A_144 = arith.andi %add3A_87, %and3A_143 : i32
      %mul3A_145 = arith.constant 32 : i32
      %mul3A_146 = arith.muli %and3A_144, %mul3A_145 : i32
      %add3A_147 = arith.addi %mul3A_142, %mul3A_146 : i32
      %and3A_148 = arith.constant 3 : i32
      %and3A_149 = arith.andi %add3A_87, %and3A_148 : i32
      %eq3A = arith.constant 3 : i32
      %eq3A_150 = arith.cmpi eq, %and3A_149, %eq3A : i32
      %convert_element_type3A_151 = arith.extui %eq3A_150 : i1 to i32
      %cond3A_152 = arith.constant 0 : i32
      %cond3A_153 = arith.cmpi ne, %convert_element_type3A_151, %cond3A_152 : i32
      scf.if %cond3A_153 {
        %swap3A = arith.constant 0 : index
        %swap3A_245 = tpu.vector_load %arg5[%swap3A] {strides = array<i32>} : memref<128xf32, #tpu.memory_space<vmem>>, vector<16xf32>,
        tpu.vector_store %arg5[%swap3A], %scan3A_123#0 {strides = array<i32>} : memref<128xf32, #tpu.memory_space<vmem>>, vector<16xf32>,
        %swap3A_246 = arith.constant 16 : index
        %swap3A_247 = tpu.vector_load %arg5[%swap3A_246] {strides = array<i32>} : memref<128xf32, #tpu.memory_space<vmem>>, vector<16xf32>,
        tpu.vector_store %arg5[%swap3A_246], %scan3A_123#1 {strides = array<i32>} : memref<128xf32, #tpu.memory_space<vmem>>, vector<16xf32>,
        %swap3A_248 = arith.constant 32 : index
        %swap3A_249 = tpu.vector_load %arg5[%swap3A_248] {strides = array<i32>} : memref<128xf32, #tpu.memory_space<vmem>>, vector<16xf32>,
        tpu.vector_store %arg5[%swap3A_248], %scan3A_123#2 {strides = array<i32>} : memref<128xf32, #tpu.memory_space<vmem>>, vector<16xf32>,
        %swap3A_250 = arith.constant 48 : index
        %swap3A_251 = tpu.vector_load %arg5[%swap3A_250] {strides = array<i32>} : memref<128xf32, #tpu.memory_space<vmem>>, vector<16xf32>,
        tpu.vector_store %arg5[%swap3A_250], %scan3A_123#3 {strides = array<i32>} : memref<128xf32, #tpu.memory_space<vmem>>, vector<16xf32>,
        %swap3A_252 = arith.constant 64 : index
        %swap3A_253 = tpu.vector_load %arg5[%swap3A_252] {strides = array<i32>} : memref<128xf32, #tpu.memory_space<vmem>>, vector<16xf32>,
        tpu.vector_store %arg5[%swap3A_252], %scan3A_129#0 {strides = array<i32>} : memref<128xf32, #tpu.memory_space<vmem>>, vector<16xf32>,
        %swap3A_254 = arith.constant 80 : index
        %swap3A_255 = tpu.vector_load %arg5[%swap3A_254] {strides = array<i32>} : memref<128xf32, #tpu.memory_space<vmem>>, vector<16xf32>,
        tpu.vector_store %arg5[%swap3A_254], %scan3A_129#1 {strides = array<i32>} : memref<128xf32, #tpu.memory_space<vmem>>, vector<16xf32>,
        %swap3A_256 = arith.constant 96 : index
        %swap3A_257 = tpu.vector_load %arg5[%swap3A_256] {strides = array<i32>} : memref<128xf32, #tpu.memory_space<vmem>>, vector<16xf32>,
        tpu.vector_store %arg5[%swap3A_256], %scan3A_129#2 {strides = array<i32>} : memref<128xf32, #tpu.memory_space<vmem>>, vector<16xf32>,
        %swap3A_258 = arith.constant 112 : index
        %swap3A_259 = tpu.vector_load %arg5[%swap3A_258] {strides = array<i32>} : memref<128xf32, #tpu.memory_space<vmem>>, vector<16xf32>,
        tpu.vector_store %arg5[%swap3A_258], %scan3A_129#3 {strides = array<i32>} : memref<128xf32, #tpu.memory_space<vmem>>, vector<16xf32>,
        %mul3A_260 = arith.constant 128 : i32
        %mul3A_261 = arith.muli %and3A_140, %mul3A_260 : i32
        "tpu.region"() ({
          %run_scoped3A = tpu.sem_alloc : memref<!tpu.dma_semaphore, #tpu.memory_space<semaphore_mem>>
          %dma_start3A_262 = tpu.memref_slice %arg3[%shift_right_arithmetic3A_136, %mul3A_261] : memref<80x256xf32, #tpu.memory_space<hbm>> -> memref<1x128xf32, #tpu.memory_space<hbm>>
          %dma_start3A_263 = tpu.memref_squeeze %dma_start3A_262 : memref<1x128xf32, #tpu.memory_space<hbm>> -> memref<128xf32, #tpu.memory_space<hbm>>
          %dma_start3A_264 = tpu.memref_slice %arg3[%shift_right_arithmetic3A_136, %mul3A_261] : memref<80x256xf32, #tpu.memory_space<hbm>> -> memref<1x128xf32, #tpu.memory_space<hbm>>
          %dma_start3A_265 = tpu.memref_squeeze %dma_start3A_264 : memref<1x128xf32, #tpu.memory_space<hbm>> -> memref<128xf32, #tpu.memory_space<hbm>>
          tpu.enqueue_dma source(%arg5 : memref<128xf32, #tpu.memory_space<vmem>>) target(%dma_start3A_265 : memref<128xf32, #tpu.memory_space<hbm>>) target_semaphore(%run_scoped3A : memref<!tpu.dma_semaphore, #tpu.memory_space<semaphore_mem>>)
          %dma_wait3A_266 = tpu.memref_slice %arg3[%shift_right_arithmetic3A_136, %mul3A_261] : memref<80x256xf32, #tpu.memory_space<hbm>> -> memref<1x128xf32, #tpu.memory_space<hbm>>
          %dma_wait3A_267 = tpu.memref_squeeze %dma_wait3A_266 : memref<1x128xf32, #tpu.memory_space<hbm>> -> memref<128xf32, #tpu.memory_space<hbm>>
          %dma_wait3A_268 = tpu.memref_slice %arg3[%shift_right_arithmetic3A_136, %mul3A_261] : memref<80x256xf32, #tpu.memory_space<hbm>> -> memref<1x128xf32, #tpu.memory_space<hbm>>
          %dma_wait3A_269 = tpu.memref_squeeze %dma_wait3A_268 : memref<1x128xf32, #tpu.memory_space<hbm>> -> memref<128xf32, #tpu.memory_space<hbm>>
          tpu.wait_dma2 semaphore(%run_scoped3A : memref<!tpu.dma_semaphore, #tpu.memory_space<semaphore_mem>>) src(%arg5 : memref<128xf32, #tpu.memory_space<vmem>>) dst(%dma_wait3A_269 : memref<128xf32, #tpu.memory_space<hbm>>)
          tpu.yield
        }) : () -> ()
      } else {
      }
      %select_n3A = arith.select %eq3A_150, %broadcast_in_dim3A_5, %scan3A_123#0 : vector<16xf32>
      %select_n3A_154 = arith.select %eq3A_150, %broadcast_in_dim3A_5, %scan3A_123#1 : vector<16xf32>
      %select_n3A_155 = arith.select %eq3A_150, %broadcast_in_dim3A_5, %scan3A_123#2 : vector<16xf32>
      %select_n3A_156 = arith.select %eq3A_150, %broadcast_in_dim3A_5, %scan3A_123#3 : vector<16xf32>
      %select_n3A_157 = arith.select %eq3A_150, %broadcast_in_dim3A_5, %scan3A_129#0 : vector<16xf32>
      %select_n3A_158 = arith.select %eq3A_150, %broadcast_in_dim3A_5, %scan3A_129#1 : vector<16xf32>
      %select_n3A_159 = arith.select %eq3A_150, %broadcast_in_dim3A_5, %scan3A_129#2 : vector<16xf32>
      %select_n3A_160 = arith.select %eq3A_150, %broadcast_in_dim3A_5, %scan3A_129#3 : vector<16xf32>
      %mul3A_161 = arith.constant 2 : i32
      %mul3A_162 = arith.muli %scan3A_74, %mul3A_161 : i32
      %add3A_163 = arith.constant 1 : i32
      %add3A_164 = arith.addi %mul3A_162, %add3A_163 : i32
      %add3A_165 = arith.addi %mul3A_2, %add3A_164 : i32
      %shift_right_arithmetic3A_166 = arith.constant 3 : i32
      %shift_right_arithmetic3A_167 = arith.shrsi %add3A_165, %shift_right_arithmetic3A_166 : i32
      %shift_right_arithmetic3A_168 = arith.constant 2 : i32
      %shift_right_arithmetic3A_169 = arith.shrsi %add3A_165, %shift_right_arithmetic3A_168 : i32
      %and3A_170 = arith.constant 1 : i32
      %and3A_171 = arith.andi %shift_right_arithmetic3A_169, %and3A_170 : i32
      %mul3A_172 = arith.constant 128 : i32
      %mul3A_173 = arith.muli %and3A_171, %mul3A_172 : i32
      %and3A_174 = arith.constant 3 : i32
      %and3A_175 = arith.andi %add3A_165, %and3A_174 : i32
      %mul3A_176 = arith.constant 32 : i32
      %mul3A_177 = arith.muli %and3A_175, %mul3A_176 : i32
      %add3A_178 = arith.addi %mul3A_173, %mul3A_177 : i32
      %dma_wait3A_179 = arith.constant 1 : i32
      %dma_wait3A_180 = arith.constant 0 : i32
      %dma_wait3A_181 = arith.constant 0 : i32
      %dma_wait3A_182 = arith.constant 0 : i32
      %dma_wait3A_183 = tpu.memref_slice %arg4[%dma_wait3A_179, %dma_wait3A_180, %dma_wait3A_181, %dma_wait3A_182] : memref<2x5x32x256xf32, #tpu.memory_space<vmem>> -> memref<1x5x32x256xf32, #tpu.memory_space<vmem>>
      %dma_wait3A_184 = tpu.memref_squeeze %dma_wait3A_183 : memref<1x5x32x256xf32, #tpu.memory_space<vmem>> -> memref<5x32x256xf32, #tpu.memory_space<vmem>>
      %dma_wait3A_185 = arith.constant 0 : i32
      %dma_wait3A_186 = arith.constant 0 : i32
      %dma_wait3A_187 = tpu.memref_slice %arg2[%shift_right_arithmetic3A_167, %dma_wait3A_185, %add3A_178, %dma_wait3A_186] : memref<128x5x256x256xf32, #tpu.memory_space<hbm>> -> memref<1x5x32x256xf32, #tpu.memory_space<hbm>>
      %dma_wait3A_188 = tpu.memref_squeeze %dma_wait3A_187 : memref<1x5x32x256xf32, #tpu.memory_space<hbm>> -> memref<5x32x256xf32, #tpu.memory_space<hbm>>
      %dma_wait3A_189 = arith.constant 0 : i32
      %dma_wait3A_190 = arith.constant 0 : i32
      %dma_wait3A_191 = arith.constant 0 : i32
      %dma_wait3A_192 = tpu.memref_slice %arg4[%dma_wait3A_179, %dma_wait3A_189, %dma_wait3A_190, %dma_wait3A_191] : memref<2x5x32x256xf32, #tpu.memory_space<vmem>> -> memref<1x5x32x256xf32, #tpu.memory_space<vmem>>
      %dma_wait3A_193 = tpu.memref_squeeze %dma_wait3A_192 : memref<1x5x32x256xf32, #tpu.memory_space<vmem>> -> memref<5x32x256xf32, #tpu.memory_space<vmem>>
      %dma_wait3A_194 = arith.constant 0 : i32
      %dma_wait3A_195 = arith.constant 0 : i32
      %dma_wait3A_196 = tpu.memref_slice %arg2[%shift_right_arithmetic3A_167, %dma_wait3A_194, %add3A_178, %dma_wait3A_195] : memref<128x5x256x256xf32, #tpu.memory_space<hbm>> -> memref<1x5x32x256xf32, #tpu.memory_space<hbm>>
      %dma_wait3A_197 = tpu.memref_squeeze %dma_wait3A_196 : memref<1x5x32x256xf32, #tpu.memory_space<hbm>> -> memref<5x32x256xf32, #tpu.memory_space<hbm>>
      tpu.wait_dma2 semaphore(%arg7 : memref<!tpu.dma_semaphore, #tpu.memory_space<semaphore_mem>>) src(%dma_wait3A_197 : memref<5x32x256xf32, #tpu.memory_space<hbm>>) dst(%dma_wait3A_193 : memref<5x32x256xf32, #tpu.memory_space<vmem>>)
      %scan3A_198 = arith.constant 0 : i32
      %scan3A_199 = arith.constant 32 : i32
      %scan3A_200 = arith.addi %scan3A_198, %scan3A_199 : i32
      %scan3A_201 = arith.constant 1 : i32
      %scan3A_202:4 = scf.for %scan3A_245 = %scan3A_198 to %scan3A_200 step %scan3A_201 iter_args(%scan3A_246 = %select_n3A, %scan3A_247 = %select_n3A_154, %scan3A_248 = %select_n3A_155, %scan3A_249 = %select_n3A_156) -> (vector<16xf32>, vector<16xf32>, vector<16xf32>, vector<16xf32>)  : i32 {
        %get3A = arith.constant 1 : i32
        %get3A_250 = arith.constant 0 : i32
        %get3A_251 = arith.index_cast %get3A : i32 to index
        %get3A_252 = arith.index_cast %get3A_250 : i32 to index
        %get3A_253 = arith.index_cast %scan3A_245 : i32 to index
        %get3A_254 = arith.constant 0 : index
        %get3A_255 = tpu.vector_load %arg4[%get3A_251, %get3A_252, %get3A_253, %get3A_254] {strides = array<i32>} : memref<2x5x32x256xf32, #tpu.memory_space<vmem>>, vector<16xf32>,
        %get3A_256 = arith.constant 1 : i32
        %get3A_257 = arith.constant 1 : i32
        %get3A_258 = arith.index_cast %get3A_256 : i32 to index
        %get3A_259 = arith.index_cast %get3A_257 : i32 to index
        %get3A_260 = arith.index_cast %scan3A_245 : i32 to index
        %get3A_261 = arith.constant 0 : index
        %get3A_262 = tpu.vector_load %arg4[%get3A_258, %get3A_259, %get3A_260, %get3A_261] {strides = array<i32>} : memref<2x5x32x256xf32, #tpu.memory_space<vmem>>, vector<16xf32>,
        %get3A_263 = arith.constant 1 : i32
        %get3A_264 = arith.constant 2 : i32
        %get3A_265 = arith.index_cast %get3A_263 : i32 to index
        %get3A_266 = arith.index_cast %get3A_264 : i32 to index
        %get3A_267 = arith.index_cast %scan3A_245 : i32 to index
        %get3A_268 = arith.constant 0 : index
        %get3A_269 = tpu.vector_load %arg4[%get3A_265, %get3A_266, %get3A_267, %get3A_268] {strides = array<i32>} : memref<2x5x32x256xf32, #tpu.memory_space<vmem>>, vector<16xf32>,
        %get3A_270 = arith.constant 1 : i32
        %get3A_271 = arith.constant 3 : i32
        %get3A_272 = arith.index_cast %get3A_270 : i32 to index
        %get3A_273 = arith.index_cast %get3A_271 : i32 to index
        %get3A_274 = arith.index_cast %scan3A_245 : i32 to index
        %get3A_275 = arith.constant 0 : index
        %get3A_276 = tpu.vector_load %arg4[%get3A_272, %get3A_273, %get3A_274, %get3A_275] {strides = array<i32>} : memref<2x5x32x256xf32, #tpu.memory_space<vmem>>, vector<16xf32>,
        %get3A_277 = arith.constant 1 : i32
        %get3A_278 = arith.constant 4 : i32
        %get3A_279 = arith.index_cast %get3A_277 : i32 to index
        %get3A_280 = arith.index_cast %get3A_278 : i32 to index
        %get3A_281 = arith.index_cast %scan3A_245 : i32 to index
        %get3A_282 = arith.constant 0 : index
        %get3A_283 = tpu.vector_load %arg4[%get3A_279, %get3A_280, %get3A_281, %get3A_282] {strides = array<i32>} : memref<2x5x32x256xf32, #tpu.memory_space<vmem>>, vector<16xf32>,
        %max3A = arith.maximumf %get3A_255, %get3A_262 : vector<16xf32>
        %max3A_284 = arith.maximumf %get3A_269, %get3A_276 : vector<16xf32>
        %max3A_285 = arith.maximumf %max3A, %max3A_284 : vector<16xf32>
        %max3A_286 = arith.maximumf %max3A_285, %get3A_283 : vector<16xf32>
        %eq3A_287 = arith.cmpf oeq, %get3A_262, %max3A_286 : vector<16xf32>
        %select_n3A_288 = arith.select %eq3A_287, %broadcast_in_dim3A_3, %broadcast_in_dim3A_5 : vector<16xi1>, vector<16xf32>
        %eq3A_289 = arith.cmpf oeq, %get3A_269, %max3A_286 : vector<16xf32>
        %select_n3A_290 = arith.select %eq3A_289, %broadcast_in_dim3A_3, %broadcast_in_dim3A_5 : vector<16xi1>, vector<16xf32>
        %eq3A_291 = arith.cmpf oeq, %get3A_276, %max3A_286 : vector<16xf32>
        %select_n3A_292 = arith.select %eq3A_291, %broadcast_in_dim3A_3, %broadcast_in_dim3A_5 : vector<16xi1>, vector<16xf32>
        %eq3A_293 = arith.cmpf oeq, %get3A_283, %max3A_286 : vector<16xf32>
        %select_n3A_294 = arith.select %eq3A_293, %broadcast_in_dim3A_3, %broadcast_in_dim3A_5 : vector<16xi1>, vector<16xf32>
        %get3A_295 = arith.constant 1 : i32
        %get3A_296 = arith.constant 0 : i32
        %get3A_297 = arith.index_cast %get3A_295 : i32 to index
        %get3A_298 = arith.index_cast %get3A_296 : i32 to index
        %get3A_299 = arith.index_cast %scan3A_245 : i32 to index
        %get3A_300 = arith.constant 16 : index
        %get3A_301 = tpu.vector_load %arg4[%get3A_297, %get3A_298, %get3A_299, %get3A_300] {strides = array<i32>} : memref<2x5x32x256xf32, #tpu.memory_space<vmem>>, vector<16xf32>,
        %get3A_302 = arith.constant 1 : i32
        %get3A_303 = arith.constant 1 : i32
        %get3A_304 = arith.index_cast %get3A_302 : i32 to index
        %get3A_305 = arith.index_cast %get3A_303 : i32 to index
        %get3A_306 = arith.index_cast %scan3A_245 : i32 to index
        %get3A_307 = arith.constant 16 : index
        %get3A_308 = tpu.vector_load %arg4[%get3A_304, %get3A_305, %get3A_306, %get3A_307] {strides = array<i32>} : memref<2x5x32x256xf32, #tpu.memory_space<vmem>>, vector<16xf32>,
        %get3A_309 = arith.constant 1 : i32
        %get3A_310 = arith.constant 2 : i32
        %get3A_311 = arith.index_cast %get3A_309 : i32 to index
        %get3A_312 = arith.index_cast %get3A_310 : i32 to index
        %get3A_313 = arith.index_cast %scan3A_245 : i32 to index
        %get3A_314 = arith.constant 16 : index
        %get3A_315 = tpu.vector_load %arg4[%get3A_311, %get3A_312, %get3A_313, %get3A_314] {strides = array<i32>} : memref<2x5x32x256xf32, #tpu.memory_space<vmem>>, vector<16xf32>,
        %get3A_316 = arith.constant 1 : i32
        %get3A_317 = arith.constant 3 : i32
        %get3A_318 = arith.index_cast %get3A_316 : i32 to index
        %get3A_319 = arith.index_cast %get3A_317 : i32 to index
        %get3A_320 = arith.index_cast %scan3A_245 : i32 to index
        %get3A_321 = arith.constant 16 : index
        %get3A_322 = tpu.vector_load %arg4[%get3A_318, %get3A_319, %get3A_320, %get3A_321] {strides = array<i32>} : memref<2x5x32x256xf32, #tpu.memory_space<vmem>>, vector<16xf32>,
        %get3A_323 = arith.constant 1 : i32
        %get3A_324 = arith.constant 4 : i32
        %get3A_325 = arith.index_cast %get3A_323 : i32 to index
        %get3A_326 = arith.index_cast %get3A_324 : i32 to index
        %get3A_327 = arith.index_cast %scan3A_245 : i32 to index
        %get3A_328 = arith.constant 16 : index
        %get3A_329 = tpu.vector_load %arg4[%get3A_325, %get3A_326, %get3A_327, %get3A_328] {strides = array<i32>} : memref<2x5x32x256xf32, #tpu.memory_space<vmem>>, vector<16xf32>,
        %max3A_330 = arith.maximumf %get3A_301, %get3A_308 : vector<16xf32>
        %max3A_331 = arith.maximumf %get3A_315, %get3A_322 : vector<16xf32>
        %max3A_332 = arith.maximumf %max3A_330, %max3A_331 : vector<16xf32>
        %max3A_333 = arith.maximumf %max3A_332, %get3A_329 : vector<16xf32>
        %eq3A_334 = arith.cmpf oeq, %get3A_308, %max3A_333 : vector<16xf32>
        %select_n3A_335 = arith.select %eq3A_334, %broadcast_in_dim3A_3, %broadcast_in_dim3A_5 : vector<16xi1>, vector<16xf32>
        %eq3A_336 = arith.cmpf oeq, %get3A_315, %max3A_333 : vector<16xf32>
        %select_n3A_337 = arith.select %eq3A_336, %broadcast_in_dim3A_3, %broadcast_in_dim3A_5 : vector<16xi1>, vector<16xf32>
        %eq3A_338 = arith.cmpf oeq, %get3A_322, %max3A_333 : vector<16xf32>
        %select_n3A_339 = arith.select %eq3A_338, %broadcast_in_dim3A_3, %broadcast_in_dim3A_5 : vector<16xi1>, vector<16xf32>
        %eq3A_340 = arith.cmpf oeq, %get3A_329, %max3A_333 : vector<16xf32>
        %select_n3A_341 = arith.select %eq3A_340, %broadcast_in_dim3A_3, %broadcast_in_dim3A_5 : vector<16xi1>, vector<16xf32>
        %add3A_342 = arith.addf %select_n3A_288, %select_n3A_335 : vector<16xf32>
        %add3A_343 = arith.addf %scan3A_246, %add3A_342 : vector<16xf32>
        %add3A_344 = arith.addf %select_n3A_290, %select_n3A_337 : vector<16xf32>
        %add3A_345 = arith.addf %scan3A_247, %add3A_344 : vector<16xf32>
        %add3A_346 = arith.addf %select_n3A_292, %select_n3A_339 : vector<16xf32>
        %add3A_347 = arith.addf %scan3A_248, %add3A_346 : vector<16xf32>
        %add3A_348 = arith.addf %select_n3A_294, %select_n3A_341 : vector<16xf32>
        %add3A_349 = arith.addf %scan3A_249, %add3A_348 : vector<16xf32>
        %get3A_350 = arith.constant 1 : i32
        %get3A_351 = arith.constant 0 : i32
        %get3A_352 = arith.index_cast %get3A_350 : i32 to index
        %get3A_353 = arith.index_cast %get3A_351 : i32 to index
        %get3A_354 = arith.index_cast %scan3A_245 : i32 to index
        %get3A_355 = arith.constant 32 : index
        %get3A_356 = tpu.vector_load %arg4[%get3A_352, %get3A_353, %get3A_354, %get3A_355] {strides = array<i32>} : memref<2x5x32x256xf32, #tpu.memory_space<vmem>>, vector<16xf32>,
        %get3A_357 = arith.constant 1 : i32
        %get3A_358 = arith.constant 1 : i32
        %get3A_359 = arith.index_cast %get3A_357 : i32 to index
        %get3A_360 = arith.index_cast %get3A_358 : i32 to index
        %get3A_361 = arith.index_cast %scan3A_245 : i32 to index
        %get3A_362 = arith.constant 32 : index
        %get3A_363 = tpu.vector_load %arg4[%get3A_359, %get3A_360, %get3A_361, %get3A_362] {strides = array<i32>} : memref<2x5x32x256xf32, #tpu.memory_space<vmem>>, vector<16xf32>,
        %get3A_364 = arith.constant 1 : i32
        %get3A_365 = arith.constant 2 : i32
        %get3A_366 = arith.index_cast %get3A_364 : i32 to index
        %get3A_367 = arith.index_cast %get3A_365 : i32 to index
        %get3A_368 = arith.index_cast %scan3A_245 : i32 to index
        %get3A_369 = arith.constant 32 : index
        %get3A_370 = tpu.vector_load %arg4[%get3A_366, %get3A_367, %get3A_368, %get3A_369] {strides = array<i32>} : memref<2x5x32x256xf32, #tpu.memory_space<vmem>>, vector<16xf32>,
        %get3A_371 = arith.constant 1 : i32
        %get3A_372 = arith.constant 3 : i32
        %get3A_373 = arith.index_cast %get3A_371 : i32 to index
        %get3A_374 = arith.index_cast %get3A_372 : i32 to index
        %get3A_375 = arith.index_cast %scan3A_245 : i32 to index
        %get3A_376 = arith.constant 32 : index
        %get3A_377 = tpu.vector_load %arg4[%get3A_373, %get3A_374, %get3A_375, %get3A_376] {strides = array<i32>} : memref<2x5x32x256xf32, #tpu.memory_space<vmem>>, vector<16xf32>,
        %get3A_378 = arith.constant 1 : i32
        %get3A_379 = arith.constant 4 : i32
        %get3A_380 = arith.index_cast %get3A_378 : i32 to index
        %get3A_381 = arith.index_cast %get3A_379 : i32 to index
        %get3A_382 = arith.index_cast %scan3A_245 : i32 to index
        %get3A_383 = arith.constant 32 : index
        %get3A_384 = tpu.vector_load %arg4[%get3A_380, %get3A_381, %get3A_382, %get3A_383] {strides = array<i32>} : memref<2x5x32x256xf32, #tpu.memory_space<vmem>>, vector<16xf32>,
        %max3A_385 = arith.maximumf %get3A_356, %get3A_363 : vector<16xf32>
        %max3A_386 = arith.maximumf %get3A_370, %get3A_377 : vector<16xf32>
        %max3A_387 = arith.maximumf %max3A_385, %max3A_386 : vector<16xf32>
        %max3A_388 = arith.maximumf %max3A_387, %get3A_384 : vector<16xf32>
        %eq3A_389 = arith.cmpf oeq, %get3A_363, %max3A_388 : vector<16xf32>
        %select_n3A_390 = arith.select %eq3A_389, %broadcast_in_dim3A_3, %broadcast_in_dim3A_5 : vector<16xi1>, vector<16xf32>
        %eq3A_391 = arith.cmpf oeq, %get3A_370, %max3A_388 : vector<16xf32>
        %select_n3A_392 = arith.select %eq3A_391, %broadcast_in_dim3A_3, %broadcast_in_dim3A_5 : vector<16xi1>, vector<16xf32>
        %eq3A_393 = arith.cmpf oeq, %get3A_377, %max3A_388 : vector<16xf32>
        %select_n3A_394 = arith.select %eq3A_393, %broadcast_in_dim3A_3, %broadcast_in_dim3A_5 : vector<16xi1>, vector<16xf32>
        %eq3A_395 = arith.cmpf oeq, %get3A_384, %max3A_388 : vector<16xf32>
        %select_n3A_396 = arith.select %eq3A_395, %broadcast_in_dim3A_3, %broadcast_in_dim3A_5 : vector<16xi1>, vector<16xf32>
        %get3A_397 = arith.constant 1 : i32
        %get3A_398 = arith.constant 0 : i32
        %get3A_399 = arith.index_cast %get3A_397 : i32 to index
        %get3A_400 = arith.index_cast %get3A_398 : i32 to index
        %get3A_401 = arith.index_cast %scan3A_245 : i32 to index
        %get3A_402 = arith.constant 48 : index
        %get3A_403 = tpu.vector_load %arg4[%get3A_399, %get3A_400, %get3A_401, %get3A_402] {strides = array<i32>} : memref<2x5x32x256xf32, #tpu.memory_space<vmem>>, vector<16xf32>,
        %get3A_404 = arith.constant 1 : i32
        %get3A_405 = arith.constant 1 : i32
        %get3A_406 = arith.index_cast %get3A_404 : i32 to index
        %get3A_407 = arith.index_cast %get3A_405 : i32 to index
        %get3A_408 = arith.index_cast %scan3A_245 : i32 to index
        %get3A_409 = arith.constant 48 : index
        %get3A_410 = tpu.vector_load %arg4[%get3A_406, %get3A_407, %get3A_408, %get3A_409] {strides = array<i32>} : memref<2x5x32x256xf32, #tpu.memory_space<vmem>>, vector<16xf32>,
        %get3A_411 = arith.constant 1 : i32
        %get3A_412 = arith.constant 2 : i32
        %get3A_413 = arith.index_cast %get3A_411 : i32 to index
        %get3A_414 = arith.index_cast %get3A_412 : i32 to index
        %get3A_415 = arith.index_cast %scan3A_245 : i32 to index
        %get3A_416 = arith.constant 48 : index
        %get3A_417 = tpu.vector_load %arg4[%get3A_413, %get3A_414, %get3A_415, %get3A_416] {strides = array<i32>} : memref<2x5x32x256xf32, #tpu.memory_space<vmem>>, vector<16xf32>,
        %get3A_418 = arith.constant 1 : i32
        %get3A_419 = arith.constant 3 : i32
        %get3A_420 = arith.index_cast %get3A_418 : i32 to index
        %get3A_421 = arith.index_cast %get3A_419 : i32 to index
        %get3A_422 = arith.index_cast %scan3A_245 : i32 to index
        %get3A_423 = arith.constant 48 : index
        %get3A_424 = tpu.vector_load %arg4[%get3A_420, %get3A_421, %get3A_422, %get3A_423] {strides = array<i32>} : memref<2x5x32x256xf32, #tpu.memory_space<vmem>>, vector<16xf32>,
        %get3A_425 = arith.constant 1 : i32
        %get3A_426 = arith.constant 4 : i32
        %get3A_427 = arith.index_cast %get3A_425 : i32 to index
        %get3A_428 = arith.index_cast %get3A_426 : i32 to index
        %get3A_429 = arith.index_cast %scan3A_245 : i32 to index
        %get3A_430 = arith.constant 48 : index
        %get3A_431 = tpu.vector_load %arg4[%get3A_427, %get3A_428, %get3A_429, %get3A_430] {strides = array<i32>} : memref<2x5x32x256xf32, #tpu.memory_space<vmem>>, vector<16xf32>,
        %max3A_432 = arith.maximumf %get3A_403, %get3A_410 : vector<16xf32>
        %max3A_433 = arith.maximumf %get3A_417, %get3A_424 : vector<16xf32>
        %max3A_434 = arith.maximumf %max3A_432, %max3A_433 : vector<16xf32>
        %max3A_435 = arith.maximumf %max3A_434, %get3A_431 : vector<16xf32>
        %eq3A_436 = arith.cmpf oeq, %get3A_410, %max3A_435 : vector<16xf32>
        %select_n3A_437 = arith.select %eq3A_436, %broadcast_in_dim3A_3, %broadcast_in_dim3A_5 : vector<16xi1>, vector<16xf32>
        %eq3A_438 = arith.cmpf oeq, %get3A_417, %max3A_435 : vector<16xf32>
        %select_n3A_439 = arith.select %eq3A_438, %broadcast_in_dim3A_3, %broadcast_in_dim3A_5 : vector<16xi1>, vector<16xf32>
        %eq3A_440 = arith.cmpf oeq, %get3A_424, %max3A_435 : vector<16xf32>
        %select_n3A_441 = arith.select %eq3A_440, %broadcast_in_dim3A_3, %broadcast_in_dim3A_5 : vector<16xi1>, vector<16xf32>
        %eq3A_442 = arith.cmpf oeq, %get3A_431, %max3A_435 : vector<16xf32>
        %select_n3A_443 = arith.select %eq3A_442, %broadcast_in_dim3A_3, %broadcast_in_dim3A_5 : vector<16xi1>, vector<16xf32>
        %add3A_444 = arith.addf %select_n3A_390, %select_n3A_437 : vector<16xf32>
        %add3A_445 = arith.addf %add3A_343, %add3A_444 : vector<16xf32>
        %add3A_446 = arith.addf %select_n3A_392, %select_n3A_439 : vector<16xf32>
        %add3A_447 = arith.addf %add3A_345, %add3A_446 : vector<16xf32>
        %add3A_448 = arith.addf %select_n3A_394, %select_n3A_441 : vector<16xf32>
        %add3A_449 = arith.addf %add3A_347, %add3A_448 : vector<16xf32>
        %add3A_450 = arith.addf %select_n3A_396, %select_n3A_443 : vector<16xf32>
        %add3A_451 = arith.addf %add3A_349, %add3A_450 : vector<16xf32>
        %get3A_452 = arith.constant 1 : i32
        %get3A_453 = arith.constant 0 : i32
        %get3A_454 = arith.index_cast %get3A_452 : i32 to index
        %get3A_455 = arith.index_cast %get3A_453 : i32 to index
        %get3A_456 = arith.index_cast %scan3A_245 : i32 to index
        %get3A_457 = arith.constant 64 : index
        %get3A_458 = tpu.vector_load %arg4[%get3A_454, %get3A_455, %get3A_456, %get3A_457] {strides = array<i32>} : memref<2x5x32x256xf32, #tpu.memory_space<vmem>>, vector<16xf32>,
        %get3A_459 = arith.constant 1 : i32
        %get3A_460 = arith.constant 1 : i32
        %get3A_461 = arith.index_cast %get3A_459 : i32 to index
        %get3A_462 = arith.index_cast %get3A_460 : i32 to index
        %get3A_463 = arith.index_cast %scan3A_245 : i32 to index
        %get3A_464 = arith.constant 64 : index
        %get3A_465 = tpu.vector_load %arg4[%get3A_461, %get3A_462, %get3A_463, %get3A_464] {strides = array<i32>} : memref<2x5x32x256xf32, #tpu.memory_space<vmem>>, vector<16xf32>,
        %get3A_466 = arith.constant 1 : i32
        %get3A_467 = arith.constant 2 : i32
        %get3A_468 = arith.index_cast %get3A_466 : i32 to index
        %get3A_469 = arith.index_cast %get3A_467 : i32 to index
        %get3A_470 = arith.index_cast %scan3A_245 : i32 to index
        %get3A_471 = arith.constant 64 : index
        %get3A_472 = tpu.vector_load %arg4[%get3A_468, %get3A_469, %get3A_470, %get3A_471] {strides = array<i32>} : memref<2x5x32x256xf32, #tpu.memory_space<vmem>>, vector<16xf32>,
        %get3A_473 = arith.constant 1 : i32
        %get3A_474 = arith.constant 3 : i32
        %get3A_475 = arith.index_cast %get3A_473 : i32 to index
        %get3A_476 = arith.index_cast %get3A_474 : i32 to index
        %get3A_477 = arith.index_cast %scan3A_245 : i32 to index
        %get3A_478 = arith.constant 64 : index
        %get3A_479 = tpu.vector_load %arg4[%get3A_475, %get3A_476, %get3A_477, %get3A_478] {strides = array<i32>} : memref<2x5x32x256xf32, #tpu.memory_space<vmem>>, vector<16xf32>,
        %get3A_480 = arith.constant 1 : i32
        %get3A_481 = arith.constant 4 : i32
        %get3A_482 = arith.index_cast %get3A_480 : i32 to index
        %get3A_483 = arith.index_cast %get3A_481 : i32 to index
        %get3A_484 = arith.index_cast %scan3A_245 : i32 to index
        %get3A_485 = arith.constant 64 : index
        %get3A_486 = tpu.vector_load %arg4[%get3A_482, %get3A_483, %get3A_484, %get3A_485] {strides = array<i32>} : memref<2x5x32x256xf32, #tpu.memory_space<vmem>>, vector<16xf32>,
        %max3A_487 = arith.maximumf %get3A_458, %get3A_465 : vector<16xf32>
        %max3A_488 = arith.maximumf %get3A_472, %get3A_479 : vector<16xf32>
        %max3A_489 = arith.maximumf %max3A_487, %max3A_488 : vector<16xf32>
        %max3A_490 = arith.maximumf %max3A_489, %get3A_486 : vector<16xf32>
        %eq3A_491 = arith.cmpf oeq, %get3A_465, %max3A_490 : vector<16xf32>
        %select_n3A_492 = arith.select %eq3A_491, %broadcast_in_dim3A_3, %broadcast_in_dim3A_5 : vector<16xi1>, vector<16xf32>
        %eq3A_493 = arith.cmpf oeq, %get3A_472, %max3A_490 : vector<16xf32>
        %select_n3A_494 = arith.select %eq3A_493, %broadcast_in_dim3A_3, %broadcast_in_dim3A_5 : vector<16xi1>, vector<16xf32>
        %eq3A_495 = arith.cmpf oeq, %get3A_479, %max3A_490 : vector<16xf32>
        %select_n3A_496 = arith.select %eq3A_495, %broadcast_in_dim3A_3, %broadcast_in_dim3A_5 : vector<16xi1>, vector<16xf32>
        %eq3A_497 = arith.cmpf oeq, %get3A_486, %max3A_490 : vector<16xf32>
        %select_n3A_498 = arith.select %eq3A_497, %broadcast_in_dim3A_3, %broadcast_in_dim3A_5 : vector<16xi1>, vector<16xf32>
        %get3A_499 = arith.constant 1 : i32
        %get3A_500 = arith.constant 0 : i32
        %get3A_501 = arith.index_cast %get3A_499 : i32 to index
        %get3A_502 = arith.index_cast %get3A_500 : i32 to index
        %get3A_503 = arith.index_cast %scan3A_245 : i32 to index
        %get3A_504 = arith.constant 80 : index
        %get3A_505 = tpu.vector_load %arg4[%get3A_501, %get3A_502, %get3A_503, %get3A_504] {strides = array<i32>} : memref<2x5x32x256xf32, #tpu.memory_space<vmem>>, vector<16xf32>,
        %get3A_506 = arith.constant 1 : i32
        %get3A_507 = arith.constant 1 : i32
        %get3A_508 = arith.index_cast %get3A_506 : i32 to index
        %get3A_509 = arith.index_cast %get3A_507 : i32 to index
        %get3A_510 = arith.index_cast %scan3A_245 : i32 to index
        %get3A_511 = arith.constant 80 : index
        %get3A_512 = tpu.vector_load %arg4[%get3A_508, %get3A_509, %get3A_510, %get3A_511] {strides = array<i32>} : memref<2x5x32x256xf32, #tpu.memory_space<vmem>>, vector<16xf32>,
        %get3A_513 = arith.constant 1 : i32
        %get3A_514 = arith.constant 2 : i32
        %get3A_515 = arith.index_cast %get3A_513 : i32 to index
        %get3A_516 = arith.index_cast %get3A_514 : i32 to index
        %get3A_517 = arith.index_cast %scan3A_245 : i32 to index
        %get3A_518 = arith.constant 80 : index
        %get3A_519 = tpu.vector_load %arg4[%get3A_515, %get3A_516, %get3A_517, %get3A_518] {strides = array<i32>} : memref<2x5x32x256xf32, #tpu.memory_space<vmem>>, vector<16xf32>,
        %get3A_520 = arith.constant 1 : i32
        %get3A_521 = arith.constant 3 : i32
        %get3A_522 = arith.index_cast %get3A_520 : i32 to index
        %get3A_523 = arith.index_cast %get3A_521 : i32 to index
        %get3A_524 = arith.index_cast %scan3A_245 : i32 to index
        %get3A_525 = arith.constant 80 : index
        %get3A_526 = tpu.vector_load %arg4[%get3A_522, %get3A_523, %get3A_524, %get3A_525] {strides = array<i32>} : memref<2x5x32x256xf32, #tpu.memory_space<vmem>>, vector<16xf32>,
        %get3A_527 = arith.constant 1 : i32
        %get3A_528 = arith.constant 4 : i32
        %get3A_529 = arith.index_cast %get3A_527 : i32 to index
        %get3A_530 = arith.index_cast %get3A_528 : i32 to index
        %get3A_531 = arith.index_cast %scan3A_245 : i32 to index
        %get3A_532 = arith.constant 80 : index
        %get3A_533 = tpu.vector_load %arg4[%get3A_529, %get3A_530, %get3A_531, %get3A_532] {strides = array<i32>} : memref<2x5x32x256xf32, #tpu.memory_space<vmem>>, vector<16xf32>,
        %max3A_534 = arith.maximumf %get3A_505, %get3A_512 : vector<16xf32>
        %max3A_535 = arith.maximumf %get3A_519, %get3A_526 : vector<16xf32>
        %max3A_536 = arith.maximumf %max3A_534, %max3A_535 : vector<16xf32>
        %max3A_537 = arith.maximumf %max3A_536, %get3A_533 : vector<16xf32>
        %eq3A_538 = arith.cmpf oeq, %get3A_512, %max3A_537 : vector<16xf32>
        %select_n3A_539 = arith.select %eq3A_538, %broadcast_in_dim3A_3, %broadcast_in_dim3A_5 : vector<16xi1>, vector<16xf32>
        %eq3A_540 = arith.cmpf oeq, %get3A_519, %max3A_537 : vector<16xf32>
        %select_n3A_541 = arith.select %eq3A_540, %broadcast_in_dim3A_3, %broadcast_in_dim3A_5 : vector<16xi1>, vector<16xf32>
        %eq3A_542 = arith.cmpf oeq, %get3A_526, %max3A_537 : vector<16xf32>
        %select_n3A_543 = arith.select %eq3A_542, %broadcast_in_dim3A_3, %broadcast_in_dim3A_5 : vector<16xi1>, vector<16xf32>
        %eq3A_544 = arith.cmpf oeq, %get3A_533, %max3A_537 : vector<16xf32>
        %select_n3A_545 = arith.select %eq3A_544, %broadcast_in_dim3A_3, %broadcast_in_dim3A_5 : vector<16xi1>, vector<16xf32>
        %add3A_546 = arith.addf %select_n3A_492, %select_n3A_539 : vector<16xf32>
        %add3A_547 = arith.addf %add3A_445, %add3A_546 : vector<16xf32>
        %add3A_548 = arith.addf %select_n3A_494, %select_n3A_541 : vector<16xf32>
        %add3A_549 = arith.addf %add3A_447, %add3A_548 : vector<16xf32>
        %add3A_550 = arith.addf %select_n3A_496, %select_n3A_543 : vector<16xf32>
        %add3A_551 = arith.addf %add3A_449, %add3A_550 : vector<16xf32>
        %add3A_552 = arith.addf %select_n3A_498, %select_n3A_545 : vector<16xf32>
        %add3A_553 = arith.addf %add3A_451, %add3A_552 : vector<16xf32>
        %get3A_554 = arith.constant 1 : i32
        %get3A_555 = arith.constant 0 : i32
        %get3A_556 = arith.index_cast %get3A_554 : i32 to index
        %get3A_557 = arith.index_cast %get3A_555 : i32 to index
        %get3A_558 = arith.index_cast %scan3A_245 : i32 to index
        %get3A_559 = arith.constant 96 : index
        %get3A_560 = tpu.vector_load %arg4[%get3A_556, %get3A_557, %get3A_558, %get3A_559] {strides = array<i32>} : memref<2x5x32x256xf32, #tpu.memory_space<vmem>>, vector<16xf32>,
        %get3A_561 = arith.constant 1 : i32
        %get3A_562 = arith.constant 1 : i32
        %get3A_563 = arith.index_cast %get3A_561 : i32 to index
        %get3A_564 = arith.index_cast %get3A_562 : i32 to index
        %get3A_565 = arith.index_cast %scan3A_245 : i32 to index
        %get3A_566 = arith.constant 96 : index
        %get3A_567 = tpu.vector_load %arg4[%get3A_563, %get3A_564, %get3A_565, %get3A_566] {strides = array<i32>} : memref<2x5x32x256xf32, #tpu.memory_space<vmem>>, vector<16xf32>,
        %get3A_568 = arith.constant 1 : i32
        %get3A_569 = arith.constant 2 : i32
        %get3A_570 = arith.index_cast %get3A_568 : i32 to index
        %get3A_571 = arith.index_cast %get3A_569 : i32 to index
        %get3A_572 = arith.index_cast %scan3A_245 : i32 to index
        %get3A_573 = arith.constant 96 : index
        %get3A_574 = tpu.vector_load %arg4[%get3A_570, %get3A_571, %get3A_572, %get3A_573] {strides = array<i32>} : memref<2x5x32x256xf32, #tpu.memory_space<vmem>>, vector<16xf32>,
        %get3A_575 = arith.constant 1 : i32
        %get3A_576 = arith.constant 3 : i32
        %get3A_577 = arith.index_cast %get3A_575 : i32 to index
        %get3A_578 = arith.index_cast %get3A_576 : i32 to index
        %get3A_579 = arith.index_cast %scan3A_245 : i32 to index
        %get3A_580 = arith.constant 96 : index
        %get3A_581 = tpu.vector_load %arg4[%get3A_577, %get3A_578, %get3A_579, %get3A_580] {strides = array<i32>} : memref<2x5x32x256xf32, #tpu.memory_space<vmem>>, vector<16xf32>,
        %get3A_582 = arith.constant 1 : i32
        %get3A_583 = arith.constant 4 : i32
        %get3A_584 = arith.index_cast %get3A_582 : i32 to index
        %get3A_585 = arith.index_cast %get3A_583 : i32 to index
        %get3A_586 = arith.index_cast %scan3A_245 : i32 to index
        %get3A_587 = arith.constant 96 : index
        %get3A_588 = tpu.vector_load %arg4[%get3A_584, %get3A_585, %get3A_586, %get3A_587] {strides = array<i32>} : memref<2x5x32x256xf32, #tpu.memory_space<vmem>>, vector<16xf32>,
        %max3A_589 = arith.maximumf %get3A_560, %get3A_567 : vector<16xf32>
        %max3A_590 = arith.maximumf %get3A_574, %get3A_581 : vector<16xf32>
        %max3A_591 = arith.maximumf %max3A_589, %max3A_590 : vector<16xf32>
        %max3A_592 = arith.maximumf %max3A_591, %get3A_588 : vector<16xf32>
        %eq3A_593 = arith.cmpf oeq, %get3A_567, %max3A_592 : vector<16xf32>
        %select_n3A_594 = arith.select %eq3A_593, %broadcast_in_dim3A_3, %broadcast_in_dim3A_5 : vector<16xi1>, vector<16xf32>
        %eq3A_595 = arith.cmpf oeq, %get3A_574, %max3A_592 : vector<16xf32>
        %select_n3A_596 = arith.select %eq3A_595, %broadcast_in_dim3A_3, %broadcast_in_dim3A_5 : vector<16xi1>, vector<16xf32>
        %eq3A_597 = arith.cmpf oeq, %get3A_581, %max3A_592 : vector<16xf32>
        %select_n3A_598 = arith.select %eq3A_597, %broadcast_in_dim3A_3, %broadcast_in_dim3A_5 : vector<16xi1>, vector<16xf32>
        %eq3A_599 = arith.cmpf oeq, %get3A_588, %max3A_592 : vector<16xf32>
        %select_n3A_600 = arith.select %eq3A_599, %broadcast_in_dim3A_3, %broadcast_in_dim3A_5 : vector<16xi1>, vector<16xf32>
        %get3A_601 = arith.constant 1 : i32
        %get3A_602 = arith.constant 0 : i32
        %get3A_603 = arith.index_cast %get3A_601 : i32 to index
        %get3A_604 = arith.index_cast %get3A_602 : i32 to index
        %get3A_605 = arith.index_cast %scan3A_245 : i32 to index
        %get3A_606 = arith.constant 112 : index
        %get3A_607 = tpu.vector_load %arg4[%get3A_603, %get3A_604, %get3A_605, %get3A_606] {strides = array<i32>} : memref<2x5x32x256xf32, #tpu.memory_space<vmem>>, vector<16xf32>,
        %get3A_608 = arith.constant 1 : i32
        %get3A_609 = arith.constant 1 : i32
        %get3A_610 = arith.index_cast %get3A_608 : i32 to index
        %get3A_611 = arith.index_cast %get3A_609 : i32 to index
        %get3A_612 = arith.index_cast %scan3A_245 : i32 to index
        %get3A_613 = arith.constant 112 : index
        %get3A_614 = tpu.vector_load %arg4[%get3A_610, %get3A_611, %get3A_612, %get3A_613] {strides = array<i32>} : memref<2x5x32x256xf32, #tpu.memory_space<vmem>>, vector<16xf32>,
        %get3A_615 = arith.constant 1 : i32
        %get3A_616 = arith.constant 2 : i32
        %get3A_617 = arith.index_cast %get3A_615 : i32 to index
        %get3A_618 = arith.index_cast %get3A_616 : i32 to index
        %get3A_619 = arith.index_cast %scan3A_245 : i32 to index
        %get3A_620 = arith.constant 112 : index
        %get3A_621 = tpu.vector_load %arg4[%get3A_617, %get3A_618, %get3A_619, %get3A_620] {strides = array<i32>} : memref<2x5x32x256xf32, #tpu.memory_space<vmem>>, vector<16xf32>,
        %get3A_622 = arith.constant 1 : i32
        %get3A_623 = arith.constant 3 : i32
        %get3A_624 = arith.index_cast %get3A_622 : i32 to index
        %get3A_625 = arith.index_cast %get3A_623 : i32 to index
        %get3A_626 = arith.index_cast %scan3A_245 : i32 to index
        %get3A_627 = arith.constant 112 : index
        %get3A_628 = tpu.vector_load %arg4[%get3A_624, %get3A_625, %get3A_626, %get3A_627] {strides = array<i32>} : memref<2x5x32x256xf32, #tpu.memory_space<vmem>>, vector<16xf32>,
        %get3A_629 = arith.constant 1 : i32
        %get3A_630 = arith.constant 4 : i32
        %get3A_631 = arith.index_cast %get3A_629 : i32 to index
        %get3A_632 = arith.index_cast %get3A_630 : i32 to index
        %get3A_633 = arith.index_cast %scan3A_245 : i32 to index
        %get3A_634 = arith.constant 112 : index
        %get3A_635 = tpu.vector_load %arg4[%get3A_631, %get3A_632, %get3A_633, %get3A_634] {strides = array<i32>} : memref<2x5x32x256xf32, #tpu.memory_space<vmem>>, vector<16xf32>,
        %max3A_636 = arith.maximumf %get3A_607, %get3A_614 : vector<16xf32>
        %max3A_637 = arith.maximumf %get3A_621, %get3A_628 : vector<16xf32>
        %max3A_638 = arith.maximumf %max3A_636, %max3A_637 : vector<16xf32>
        %max3A_639 = arith.maximumf %max3A_638, %get3A_635 : vector<16xf32>
        %eq3A_640 = arith.cmpf oeq, %get3A_614, %max3A_639 : vector<16xf32>
        %select_n3A_641 = arith.select %eq3A_640, %broadcast_in_dim3A_3, %broadcast_in_dim3A_5 : vector<16xi1>, vector<16xf32>
        %eq3A_642 = arith.cmpf oeq, %get3A_621, %max3A_639 : vector<16xf32>
        %select_n3A_643 = arith.select %eq3A_642, %broadcast_in_dim3A_3, %broadcast_in_dim3A_5 : vector<16xi1>, vector<16xf32>
        %eq3A_644 = arith.cmpf oeq, %get3A_628, %max3A_639 : vector<16xf32>
        %select_n3A_645 = arith.select %eq3A_644, %broadcast_in_dim3A_3, %broadcast_in_dim3A_5 : vector<16xi1>, vector<16xf32>
        %eq3A_646 = arith.cmpf oeq, %get3A_635, %max3A_639 : vector<16xf32>
        %select_n3A_647 = arith.select %eq3A_646, %broadcast_in_dim3A_3, %broadcast_in_dim3A_5 : vector<16xi1>, vector<16xf32>
        %add3A_648 = arith.addf %select_n3A_594, %select_n3A_641 : vector<16xf32>
        %add3A_649 = arith.addf %add3A_547, %add3A_648 : vector<16xf32>
        %add3A_650 = arith.addf %select_n3A_596, %select_n3A_643 : vector<16xf32>
        %add3A_651 = arith.addf %add3A_549, %add3A_650 : vector<16xf32>
        %add3A_652 = arith.addf %select_n3A_598, %select_n3A_645 : vector<16xf32>
        %add3A_653 = arith.addf %add3A_551, %add3A_652 : vector<16xf32>
        %add3A_654 = arith.addf %select_n3A_600, %select_n3A_647 : vector<16xf32>
        %add3A_655 = arith.addf %add3A_553, %add3A_654 : vector<16xf32>
        scf.yield %add3A_649, %add3A_651, %add3A_653, %add3A_655 : vector<16xf32>, vector<16xf32>, vector<16xf32>, vector<16xf32>
      }
      %scan3A_203 = arith.constant 32 : i32
      %scan3A_204 = arith.constant 0 : i32
      %scan3A_205 = arith.constant 32 : i32
      %scan3A_206 = arith.addi %scan3A_204, %scan3A_205 : i32
      %scan3A_207 = arith.constant 1 : i32
      %scan3A_208:4 = scf.for %scan3A_245 = %scan3A_204 to %scan3A_206 step %scan3A_207 iter_args(%scan3A_246 = %select_n3A_157, %scan3A_247 = %select_n3A_158, %scan3A_248 = %select_n3A_159, %scan3A_249 = %select_n3A_160) -> (vector<16xf32>, vector<16xf32>, vector<16xf32>, vector<16xf32>)  : i32 {
        %get3A = arith.constant 1 : i32
        %get3A_250 = arith.constant 0 : i32
        %get3A_251 = arith.index_cast %get3A : i32 to index
        %get3A_252 = arith.index_cast %get3A_250 : i32 to index
        %get3A_253 = arith.index_cast %scan3A_245 : i32 to index
        %get3A_254 = arith.constant 128 : index
        %get3A_255 = tpu.vector_load %arg4[%get3A_251, %get3A_252, %get3A_253, %get3A_254] {strides = array<i32>} : memref<2x5x32x256xf32, #tpu.memory_space<vmem>>, vector<16xf32>,
        %get3A_256 = arith.constant 1 : i32
        %get3A_257 = arith.constant 1 : i32
        %get3A_258 = arith.index_cast %get3A_256 : i32 to index
        %get3A_259 = arith.index_cast %get3A_257 : i32 to index
        %get3A_260 = arith.index_cast %scan3A_245 : i32 to index
        %get3A_261 = arith.constant 128 : index
        %get3A_262 = tpu.vector_load %arg4[%get3A_258, %get3A_259, %get3A_260, %get3A_261] {strides = array<i32>} : memref<2x5x32x256xf32, #tpu.memory_space<vmem>>, vector<16xf32>,
        %get3A_263 = arith.constant 1 : i32
        %get3A_264 = arith.constant 2 : i32
        %get3A_265 = arith.index_cast %get3A_263 : i32 to index
        %get3A_266 = arith.index_cast %get3A_264 : i32 to index
        %get3A_267 = arith.index_cast %scan3A_245 : i32 to index
        %get3A_268 = arith.constant 128 : index
        %get3A_269 = tpu.vector_load %arg4[%get3A_265, %get3A_266, %get3A_267, %get3A_268] {strides = array<i32>} : memref<2x5x32x256xf32, #tpu.memory_space<vmem>>, vector<16xf32>,
        %get3A_270 = arith.constant 1 : i32
        %get3A_271 = arith.constant 3 : i32
        %get3A_272 = arith.index_cast %get3A_270 : i32 to index
        %get3A_273 = arith.index_cast %get3A_271 : i32 to index
        %get3A_274 = arith.index_cast %scan3A_245 : i32 to index
        %get3A_275 = arith.constant 128 : index
        %get3A_276 = tpu.vector_load %arg4[%get3A_272, %get3A_273, %get3A_274, %get3A_275] {strides = array<i32>} : memref<2x5x32x256xf32, #tpu.memory_space<vmem>>, vector<16xf32>,
        %get3A_277 = arith.constant 1 : i32
        %get3A_278 = arith.constant 4 : i32
        %get3A_279 = arith.index_cast %get3A_277 : i32 to index
        %get3A_280 = arith.index_cast %get3A_278 : i32 to index
        %get3A_281 = arith.index_cast %scan3A_245 : i32 to index
        %get3A_282 = arith.constant 128 : index
        %get3A_283 = tpu.vector_load %arg4[%get3A_279, %get3A_280, %get3A_281, %get3A_282] {strides = array<i32>} : memref<2x5x32x256xf32, #tpu.memory_space<vmem>>, vector<16xf32>,
        %max3A = arith.maximumf %get3A_255, %get3A_262 : vector<16xf32>
        %max3A_284 = arith.maximumf %get3A_269, %get3A_276 : vector<16xf32>
        %max3A_285 = arith.maximumf %max3A, %max3A_284 : vector<16xf32>
        %max3A_286 = arith.maximumf %max3A_285, %get3A_283 : vector<16xf32>
        %eq3A_287 = arith.cmpf oeq, %get3A_262, %max3A_286 : vector<16xf32>
        %select_n3A_288 = arith.select %eq3A_287, %broadcast_in_dim3A_3, %broadcast_in_dim3A_5 : vector<16xi1>, vector<16xf32>
        %eq3A_289 = arith.cmpf oeq, %get3A_269, %max3A_286 : vector<16xf32>
        %select_n3A_290 = arith.select %eq3A_289, %broadcast_in_dim3A_3, %broadcast_in_dim3A_5 : vector<16xi1>, vector<16xf32>
        %eq3A_291 = arith.cmpf oeq, %get3A_276, %max3A_286 : vector<16xf32>
        %select_n3A_292 = arith.select %eq3A_291, %broadcast_in_dim3A_3, %broadcast_in_dim3A_5 : vector<16xi1>, vector<16xf32>
        %eq3A_293 = arith.cmpf oeq, %get3A_283, %max3A_286 : vector<16xf32>
        %select_n3A_294 = arith.select %eq3A_293, %broadcast_in_dim3A_3, %broadcast_in_dim3A_5 : vector<16xi1>, vector<16xf32>
        %get3A_295 = arith.constant 1 : i32
        %get3A_296 = arith.constant 0 : i32
        %get3A_297 = arith.index_cast %get3A_295 : i32 to index
        %get3A_298 = arith.index_cast %get3A_296 : i32 to index
        %get3A_299 = arith.index_cast %scan3A_245 : i32 to index
        %get3A_300 = arith.constant 144 : index
        %get3A_301 = tpu.vector_load %arg4[%get3A_297, %get3A_298, %get3A_299, %get3A_300] {strides = array<i32>} : memref<2x5x32x256xf32, #tpu.memory_space<vmem>>, vector<16xf32>,
        %get3A_302 = arith.constant 1 : i32
        %get3A_303 = arith.constant 1 : i32
        %get3A_304 = arith.index_cast %get3A_302 : i32 to index
        %get3A_305 = arith.index_cast %get3A_303 : i32 to index
        %get3A_306 = arith.index_cast %scan3A_245 : i32 to index
        %get3A_307 = arith.constant 144 : index
        %get3A_308 = tpu.vector_load %arg4[%get3A_304, %get3A_305, %get3A_306, %get3A_307] {strides = array<i32>} : memref<2x5x32x256xf32, #tpu.memory_space<vmem>>, vector<16xf32>,
        %get3A_309 = arith.constant 1 : i32
        %get3A_310 = arith.constant 2 : i32
        %get3A_311 = arith.index_cast %get3A_309 : i32 to index
        %get3A_312 = arith.index_cast %get3A_310 : i32 to index
        %get3A_313 = arith.index_cast %scan3A_245 : i32 to index
        %get3A_314 = arith.constant 144 : index
        %get3A_315 = tpu.vector_load %arg4[%get3A_311, %get3A_312, %get3A_313, %get3A_314] {strides = array<i32>} : memref<2x5x32x256xf32, #tpu.memory_space<vmem>>, vector<16xf32>,
        %get3A_316 = arith.constant 1 : i32
        %get3A_317 = arith.constant 3 : i32
        %get3A_318 = arith.index_cast %get3A_316 : i32 to index
        %get3A_319 = arith.index_cast %get3A_317 : i32 to index
        %get3A_320 = arith.index_cast %scan3A_245 : i32 to index
        %get3A_321 = arith.constant 144 : index
        %get3A_322 = tpu.vector_load %arg4[%get3A_318, %get3A_319, %get3A_320, %get3A_321] {strides = array<i32>} : memref<2x5x32x256xf32, #tpu.memory_space<vmem>>, vector<16xf32>,
        %get3A_323 = arith.constant 1 : i32
        %get3A_324 = arith.constant 4 : i32
        %get3A_325 = arith.index_cast %get3A_323 : i32 to index
        %get3A_326 = arith.index_cast %get3A_324 : i32 to index
        %get3A_327 = arith.index_cast %scan3A_245 : i32 to index
        %get3A_328 = arith.constant 144 : index
        %get3A_329 = tpu.vector_load %arg4[%get3A_325, %get3A_326, %get3A_327, %get3A_328] {strides = array<i32>} : memref<2x5x32x256xf32, #tpu.memory_space<vmem>>, vector<16xf32>,
        %max3A_330 = arith.maximumf %get3A_301, %get3A_308 : vector<16xf32>
        %max3A_331 = arith.maximumf %get3A_315, %get3A_322 : vector<16xf32>
        %max3A_332 = arith.maximumf %max3A_330, %max3A_331 : vector<16xf32>
        %max3A_333 = arith.maximumf %max3A_332, %get3A_329 : vector<16xf32>
        %eq3A_334 = arith.cmpf oeq, %get3A_308, %max3A_333 : vector<16xf32>
        %select_n3A_335 = arith.select %eq3A_334, %broadcast_in_dim3A_3, %broadcast_in_dim3A_5 : vector<16xi1>, vector<16xf32>
        %eq3A_336 = arith.cmpf oeq, %get3A_315, %max3A_333 : vector<16xf32>
        %select_n3A_337 = arith.select %eq3A_336, %broadcast_in_dim3A_3, %broadcast_in_dim3A_5 : vector<16xi1>, vector<16xf32>
        %eq3A_338 = arith.cmpf oeq, %get3A_322, %max3A_333 : vector<16xf32>
        %select_n3A_339 = arith.select %eq3A_338, %broadcast_in_dim3A_3, %broadcast_in_dim3A_5 : vector<16xi1>, vector<16xf32>
        %eq3A_340 = arith.cmpf oeq, %get3A_329, %max3A_333 : vector<16xf32>
        %select_n3A_341 = arith.select %eq3A_340, %broadcast_in_dim3A_3, %broadcast_in_dim3A_5 : vector<16xi1>, vector<16xf32>
        %add3A_342 = arith.addf %select_n3A_288, %select_n3A_335 : vector<16xf32>
        %add3A_343 = arith.addf %scan3A_246, %add3A_342 : vector<16xf32>
        %add3A_344 = arith.addf %select_n3A_290, %select_n3A_337 : vector<16xf32>
        %add3A_345 = arith.addf %scan3A_247, %add3A_344 : vector<16xf32>
        %add3A_346 = arith.addf %select_n3A_292, %select_n3A_339 : vector<16xf32>
        %add3A_347 = arith.addf %scan3A_248, %add3A_346 : vector<16xf32>
        %add3A_348 = arith.addf %select_n3A_294, %select_n3A_341 : vector<16xf32>
        %add3A_349 = arith.addf %scan3A_249, %add3A_348 : vector<16xf32>
        %get3A_350 = arith.constant 1 : i32
        %get3A_351 = arith.constant 0 : i32
        %get3A_352 = arith.index_cast %get3A_350 : i32 to index
        %get3A_353 = arith.index_cast %get3A_351 : i32 to index
        %get3A_354 = arith.index_cast %scan3A_245 : i32 to index
        %get3A_355 = arith.constant 160 : index
        %get3A_356 = tpu.vector_load %arg4[%get3A_352, %get3A_353, %get3A_354, %get3A_355] {strides = array<i32>} : memref<2x5x32x256xf32, #tpu.memory_space<vmem>>, vector<16xf32>,
        %get3A_357 = arith.constant 1 : i32
        %get3A_358 = arith.constant 1 : i32
        %get3A_359 = arith.index_cast %get3A_357 : i32 to index
        %get3A_360 = arith.index_cast %get3A_358 : i32 to index
        %get3A_361 = arith.index_cast %scan3A_245 : i32 to index
        %get3A_362 = arith.constant 160 : index
        %get3A_363 = tpu.vector_load %arg4[%get3A_359, %get3A_360, %get3A_361, %get3A_362] {strides = array<i32>} : memref<2x5x32x256xf32, #tpu.memory_space<vmem>>, vector<16xf32>,
        %get3A_364 = arith.constant 1 : i32
        %get3A_365 = arith.constant 2 : i32
        %get3A_366 = arith.index_cast %get3A_364 : i32 to index
        %get3A_367 = arith.index_cast %get3A_365 : i32 to index
        %get3A_368 = arith.index_cast %scan3A_245 : i32 to index
        %get3A_369 = arith.constant 160 : index
        %get3A_370 = tpu.vector_load %arg4[%get3A_366, %get3A_367, %get3A_368, %get3A_369] {strides = array<i32>} : memref<2x5x32x256xf32, #tpu.memory_space<vmem>>, vector<16xf32>,
        %get3A_371 = arith.constant 1 : i32
        %get3A_372 = arith.constant 3 : i32
        %get3A_373 = arith.index_cast %get3A_371 : i32 to index
        %get3A_374 = arith.index_cast %get3A_372 : i32 to index
        %get3A_375 = arith.index_cast %scan3A_245 : i32 to index
        %get3A_376 = arith.constant 160 : index
        %get3A_377 = tpu.vector_load %arg4[%get3A_373, %get3A_374, %get3A_375, %get3A_376] {strides = array<i32>} : memref<2x5x32x256xf32, #tpu.memory_space<vmem>>, vector<16xf32>,
        %get3A_378 = arith.constant 1 : i32
        %get3A_379 = arith.constant 4 : i32
        %get3A_380 = arith.index_cast %get3A_378 : i32 to index
        %get3A_381 = arith.index_cast %get3A_379 : i32 to index
        %get3A_382 = arith.index_cast %scan3A_245 : i32 to index
        %get3A_383 = arith.constant 160 : index
        %get3A_384 = tpu.vector_load %arg4[%get3A_380, %get3A_381, %get3A_382, %get3A_383] {strides = array<i32>} : memref<2x5x32x256xf32, #tpu.memory_space<vmem>>, vector<16xf32>,
        %max3A_385 = arith.maximumf %get3A_356, %get3A_363 : vector<16xf32>
        %max3A_386 = arith.maximumf %get3A_370, %get3A_377 : vector<16xf32>
        %max3A_387 = arith.maximumf %max3A_385, %max3A_386 : vector<16xf32>
        %max3A_388 = arith.maximumf %max3A_387, %get3A_384 : vector<16xf32>
        %eq3A_389 = arith.cmpf oeq, %get3A_363, %max3A_388 : vector<16xf32>
        %select_n3A_390 = arith.select %eq3A_389, %broadcast_in_dim3A_3, %broadcast_in_dim3A_5 : vector<16xi1>, vector<16xf32>
        %eq3A_391 = arith.cmpf oeq, %get3A_370, %max3A_388 : vector<16xf32>
        %select_n3A_392 = arith.select %eq3A_391, %broadcast_in_dim3A_3, %broadcast_in_dim3A_5 : vector<16xi1>, vector<16xf32>
        %eq3A_393 = arith.cmpf oeq, %get3A_377, %max3A_388 : vector<16xf32>
        %select_n3A_394 = arith.select %eq3A_393, %broadcast_in_dim3A_3, %broadcast_in_dim3A_5 : vector<16xi1>, vector<16xf32>
        %eq3A_395 = arith.cmpf oeq, %get3A_384, %max3A_388 : vector<16xf32>
        %select_n3A_396 = arith.select %eq3A_395, %broadcast_in_dim3A_3, %broadcast_in_dim3A_5 : vector<16xi1>, vector<16xf32>
        %get3A_397 = arith.constant 1 : i32
        %get3A_398 = arith.constant 0 : i32
        %get3A_399 = arith.index_cast %get3A_397 : i32 to index
        %get3A_400 = arith.index_cast %get3A_398 : i32 to index
        %get3A_401 = arith.index_cast %scan3A_245 : i32 to index
        %get3A_402 = arith.constant 176 : index
        %get3A_403 = tpu.vector_load %arg4[%get3A_399, %get3A_400, %get3A_401, %get3A_402] {strides = array<i32>} : memref<2x5x32x256xf32, #tpu.memory_space<vmem>>, vector<16xf32>,
        %get3A_404 = arith.constant 1 : i32
        %get3A_405 = arith.constant 1 : i32
        %get3A_406 = arith.index_cast %get3A_404 : i32 to index
        %get3A_407 = arith.index_cast %get3A_405 : i32 to index
        %get3A_408 = arith.index_cast %scan3A_245 : i32 to index
        %get3A_409 = arith.constant 176 : index
        %get3A_410 = tpu.vector_load %arg4[%get3A_406, %get3A_407, %get3A_408, %get3A_409] {strides = array<i32>} : memref<2x5x32x256xf32, #tpu.memory_space<vmem>>, vector<16xf32>,
        %get3A_411 = arith.constant 1 : i32
        %get3A_412 = arith.constant 2 : i32
        %get3A_413 = arith.index_cast %get3A_411 : i32 to index
        %get3A_414 = arith.index_cast %get3A_412 : i32 to index
        %get3A_415 = arith.index_cast %scan3A_245 : i32 to index
        %get3A_416 = arith.constant 176 : index
        %get3A_417 = tpu.vector_load %arg4[%get3A_413, %get3A_414, %get3A_415, %get3A_416] {strides = array<i32>} : memref<2x5x32x256xf32, #tpu.memory_space<vmem>>, vector<16xf32>,
        %get3A_418 = arith.constant 1 : i32
        %get3A_419 = arith.constant 3 : i32
        %get3A_420 = arith.index_cast %get3A_418 : i32 to index
        %get3A_421 = arith.index_cast %get3A_419 : i32 to index
        %get3A_422 = arith.index_cast %scan3A_245 : i32 to index
        %get3A_423 = arith.constant 176 : index
        %get3A_424 = tpu.vector_load %arg4[%get3A_420, %get3A_421, %get3A_422, %get3A_423] {strides = array<i32>} : memref<2x5x32x256xf32, #tpu.memory_space<vmem>>, vector<16xf32>,
        %get3A_425 = arith.constant 1 : i32
        %get3A_426 = arith.constant 4 : i32
        %get3A_427 = arith.index_cast %get3A_425 : i32 to index
        %get3A_428 = arith.index_cast %get3A_426 : i32 to index
        %get3A_429 = arith.index_cast %scan3A_245 : i32 to index
        %get3A_430 = arith.constant 176 : index
        %get3A_431 = tpu.vector_load %arg4[%get3A_427, %get3A_428, %get3A_429, %get3A_430] {strides = array<i32>} : memref<2x5x32x256xf32, #tpu.memory_space<vmem>>, vector<16xf32>,
        %max3A_432 = arith.maximumf %get3A_403, %get3A_410 : vector<16xf32>
        %max3A_433 = arith.maximumf %get3A_417, %get3A_424 : vector<16xf32>
        %max3A_434 = arith.maximumf %max3A_432, %max3A_433 : vector<16xf32>
        %max3A_435 = arith.maximumf %max3A_434, %get3A_431 : vector<16xf32>
        %eq3A_436 = arith.cmpf oeq, %get3A_410, %max3A_435 : vector<16xf32>
        %select_n3A_437 = arith.select %eq3A_436, %broadcast_in_dim3A_3, %broadcast_in_dim3A_5 : vector<16xi1>, vector<16xf32>
        %eq3A_438 = arith.cmpf oeq, %get3A_417, %max3A_435 : vector<16xf32>
        %select_n3A_439 = arith.select %eq3A_438, %broadcast_in_dim3A_3, %broadcast_in_dim3A_5 : vector<16xi1>, vector<16xf32>
        %eq3A_440 = arith.cmpf oeq, %get3A_424, %max3A_435 : vector<16xf32>
        %select_n3A_441 = arith.select %eq3A_440, %broadcast_in_dim3A_3, %broadcast_in_dim3A_5 : vector<16xi1>, vector<16xf32>
        %eq3A_442 = arith.cmpf oeq, %get3A_431, %max3A_435 : vector<16xf32>
        %select_n3A_443 = arith.select %eq3A_442, %broadcast_in_dim3A_3, %broadcast_in_dim3A_5 : vector<16xi1>, vector<16xf32>
        %add3A_444 = arith.addf %select_n3A_390, %select_n3A_437 : vector<16xf32>
        %add3A_445 = arith.addf %add3A_343, %add3A_444 : vector<16xf32>
        %add3A_446 = arith.addf %select_n3A_392, %select_n3A_439 : vector<16xf32>
        %add3A_447 = arith.addf %add3A_345, %add3A_446 : vector<16xf32>
        %add3A_448 = arith.addf %select_n3A_394, %select_n3A_441 : vector<16xf32>
        %add3A_449 = arith.addf %add3A_347, %add3A_448 : vector<16xf32>
        %add3A_450 = arith.addf %select_n3A_396, %select_n3A_443 : vector<16xf32>
        %add3A_451 = arith.addf %add3A_349, %add3A_450 : vector<16xf32>
        %get3A_452 = arith.constant 1 : i32
        %get3A_453 = arith.constant 0 : i32
        %get3A_454 = arith.index_cast %get3A_452 : i32 to index
        %get3A_455 = arith.index_cast %get3A_453 : i32 to index
        %get3A_456 = arith.index_cast %scan3A_245 : i32 to index
        %get3A_457 = arith.constant 192 : index
        %get3A_458 = tpu.vector_load %arg4[%get3A_454, %get3A_455, %get3A_456, %get3A_457] {strides = array<i32>} : memref<2x5x32x256xf32, #tpu.memory_space<vmem>>, vector<16xf32>,
        %get3A_459 = arith.constant 1 : i32
        %get3A_460 = arith.constant 1 : i32
        %get3A_461 = arith.index_cast %get3A_459 : i32 to index
        %get3A_462 = arith.index_cast %get3A_460 : i32 to index
        %get3A_463 = arith.index_cast %scan3A_245 : i32 to index
        %get3A_464 = arith.constant 192 : index
        %get3A_465 = tpu.vector_load %arg4[%get3A_461, %get3A_462, %get3A_463, %get3A_464] {strides = array<i32>} : memref<2x5x32x256xf32, #tpu.memory_space<vmem>>, vector<16xf32>,
        %get3A_466 = arith.constant 1 : i32
        %get3A_467 = arith.constant 2 : i32
        %get3A_468 = arith.index_cast %get3A_466 : i32 to index
        %get3A_469 = arith.index_cast %get3A_467 : i32 to index
        %get3A_470 = arith.index_cast %scan3A_245 : i32 to index
        %get3A_471 = arith.constant 192 : index
        %get3A_472 = tpu.vector_load %arg4[%get3A_468, %get3A_469, %get3A_470, %get3A_471] {strides = array<i32>} : memref<2x5x32x256xf32, #tpu.memory_space<vmem>>, vector<16xf32>,
        %get3A_473 = arith.constant 1 : i32
        %get3A_474 = arith.constant 3 : i32
        %get3A_475 = arith.index_cast %get3A_473 : i32 to index
        %get3A_476 = arith.index_cast %get3A_474 : i32 to index
        %get3A_477 = arith.index_cast %scan3A_245 : i32 to index
        %get3A_478 = arith.constant 192 : index
        %get3A_479 = tpu.vector_load %arg4[%get3A_475, %get3A_476, %get3A_477, %get3A_478] {strides = array<i32>} : memref<2x5x32x256xf32, #tpu.memory_space<vmem>>, vector<16xf32>,
        %get3A_480 = arith.constant 1 : i32
        %get3A_481 = arith.constant 4 : i32
        %get3A_482 = arith.index_cast %get3A_480 : i32 to index
        %get3A_483 = arith.index_cast %get3A_481 : i32 to index
        %get3A_484 = arith.index_cast %scan3A_245 : i32 to index
        %get3A_485 = arith.constant 192 : index
        %get3A_486 = tpu.vector_load %arg4[%get3A_482, %get3A_483, %get3A_484, %get3A_485] {strides = array<i32>} : memref<2x5x32x256xf32, #tpu.memory_space<vmem>>, vector<16xf32>,
        %max3A_487 = arith.maximumf %get3A_458, %get3A_465 : vector<16xf32>
        %max3A_488 = arith.maximumf %get3A_472, %get3A_479 : vector<16xf32>
        %max3A_489 = arith.maximumf %max3A_487, %max3A_488 : vector<16xf32>
        %max3A_490 = arith.maximumf %max3A_489, %get3A_486 : vector<16xf32>
        %eq3A_491 = arith.cmpf oeq, %get3A_465, %max3A_490 : vector<16xf32>
        %select_n3A_492 = arith.select %eq3A_491, %broadcast_in_dim3A_3, %broadcast_in_dim3A_5 : vector<16xi1>, vector<16xf32>
        %eq3A_493 = arith.cmpf oeq, %get3A_472, %max3A_490 : vector<16xf32>
        %select_n3A_494 = arith.select %eq3A_493, %broadcast_in_dim3A_3, %broadcast_in_dim3A_5 : vector<16xi1>, vector<16xf32>
        %eq3A_495 = arith.cmpf oeq, %get3A_479, %max3A_490 : vector<16xf32>
        %select_n3A_496 = arith.select %eq3A_495, %broadcast_in_dim3A_3, %broadcast_in_dim3A_5 : vector<16xi1>, vector<16xf32>
        %eq3A_497 = arith.cmpf oeq, %get3A_486, %max3A_490 : vector<16xf32>
        %select_n3A_498 = arith.select %eq3A_497, %broadcast_in_dim3A_3, %broadcast_in_dim3A_5 : vector<16xi1>, vector<16xf32>
        %get3A_499 = arith.constant 1 : i32
        %get3A_500 = arith.constant 0 : i32
        %get3A_501 = arith.index_cast %get3A_499 : i32 to index
        %get3A_502 = arith.index_cast %get3A_500 : i32 to index
        %get3A_503 = arith.index_cast %scan3A_245 : i32 to index
        %get3A_504 = arith.constant 208 : index
        %get3A_505 = tpu.vector_load %arg4[%get3A_501, %get3A_502, %get3A_503, %get3A_504] {strides = array<i32>} : memref<2x5x32x256xf32, #tpu.memory_space<vmem>>, vector<16xf32>,
        %get3A_506 = arith.constant 1 : i32
        %get3A_507 = arith.constant 1 : i32
        %get3A_508 = arith.index_cast %get3A_506 : i32 to index
        %get3A_509 = arith.index_cast %get3A_507 : i32 to index
        %get3A_510 = arith.index_cast %scan3A_245 : i32 to index
        %get3A_511 = arith.constant 208 : index
        %get3A_512 = tpu.vector_load %arg4[%get3A_508, %get3A_509, %get3A_510, %get3A_511] {strides = array<i32>} : memref<2x5x32x256xf32, #tpu.memory_space<vmem>>, vector<16xf32>,
        %get3A_513 = arith.constant 1 : i32
        %get3A_514 = arith.constant 2 : i32
        %get3A_515 = arith.index_cast %get3A_513 : i32 to index
        %get3A_516 = arith.index_cast %get3A_514 : i32 to index
        %get3A_517 = arith.index_cast %scan3A_245 : i32 to index
        %get3A_518 = arith.constant 208 : index
        %get3A_519 = tpu.vector_load %arg4[%get3A_515, %get3A_516, %get3A_517, %get3A_518] {strides = array<i32>} : memref<2x5x32x256xf32, #tpu.memory_space<vmem>>, vector<16xf32>,
        %get3A_520 = arith.constant 1 : i32
        %get3A_521 = arith.constant 3 : i32
        %get3A_522 = arith.index_cast %get3A_520 : i32 to index
        %get3A_523 = arith.index_cast %get3A_521 : i32 to index
        %get3A_524 = arith.index_cast %scan3A_245 : i32 to index
        %get3A_525 = arith.constant 208 : index
        %get3A_526 = tpu.vector_load %arg4[%get3A_522, %get3A_523, %get3A_524, %get3A_525] {strides = array<i32>} : memref<2x5x32x256xf32, #tpu.memory_space<vmem>>, vector<16xf32>,
        %get3A_527 = arith.constant 1 : i32
        %get3A_528 = arith.constant 4 : i32
        %get3A_529 = arith.index_cast %get3A_527 : i32 to index
        %get3A_530 = arith.index_cast %get3A_528 : i32 to index
        %get3A_531 = arith.index_cast %scan3A_245 : i32 to index
        %get3A_532 = arith.constant 208 : index
        %get3A_533 = tpu.vector_load %arg4[%get3A_529, %get3A_530, %get3A_531, %get3A_532] {strides = array<i32>} : memref<2x5x32x256xf32, #tpu.memory_space<vmem>>, vector<16xf32>,
        %max3A_534 = arith.maximumf %get3A_505, %get3A_512 : vector<16xf32>
        %max3A_535 = arith.maximumf %get3A_519, %get3A_526 : vector<16xf32>
        %max3A_536 = arith.maximumf %max3A_534, %max3A_535 : vector<16xf32>
        %max3A_537 = arith.maximumf %max3A_536, %get3A_533 : vector<16xf32>
        %eq3A_538 = arith.cmpf oeq, %get3A_512, %max3A_537 : vector<16xf32>
        %select_n3A_539 = arith.select %eq3A_538, %broadcast_in_dim3A_3, %broadcast_in_dim3A_5 : vector<16xi1>, vector<16xf32>
        %eq3A_540 = arith.cmpf oeq, %get3A_519, %max3A_537 : vector<16xf32>
        %select_n3A_541 = arith.select %eq3A_540, %broadcast_in_dim3A_3, %broadcast_in_dim3A_5 : vector<16xi1>, vector<16xf32>
        %eq3A_542 = arith.cmpf oeq, %get3A_526, %max3A_537 : vector<16xf32>
        %select_n3A_543 = arith.select %eq3A_542, %broadcast_in_dim3A_3, %broadcast_in_dim3A_5 : vector<16xi1>, vector<16xf32>
        %eq3A_544 = arith.cmpf oeq, %get3A_533, %max3A_537 : vector<16xf32>
        %select_n3A_545 = arith.select %eq3A_544, %broadcast_in_dim3A_3, %broadcast_in_dim3A_5 : vector<16xi1>, vector<16xf32>
        %add3A_546 = arith.addf %select_n3A_492, %select_n3A_539 : vector<16xf32>
        %add3A_547 = arith.addf %add3A_445, %add3A_546 : vector<16xf32>
        %add3A_548 = arith.addf %select_n3A_494, %select_n3A_541 : vector<16xf32>
        %add3A_549 = arith.addf %add3A_447, %add3A_548 : vector<16xf32>
        %add3A_550 = arith.addf %select_n3A_496, %select_n3A_543 : vector<16xf32>
        %add3A_551 = arith.addf %add3A_449, %add3A_550 : vector<16xf32>
        %add3A_552 = arith.addf %select_n3A_498, %select_n3A_545 : vector<16xf32>
        %add3A_553 = arith.addf %add3A_451, %add3A_552 : vector<16xf32>
        %get3A_554 = arith.constant 1 : i32
        %get3A_555 = arith.constant 0 : i32
        %get3A_556 = arith.index_cast %get3A_554 : i32 to index
        %get3A_557 = arith.index_cast %get3A_555 : i32 to index
        %get3A_558 = arith.index_cast %scan3A_245 : i32 to index
        %get3A_559 = arith.constant 224 : index
        %get3A_560 = tpu.vector_load %arg4[%get3A_556, %get3A_557, %get3A_558, %get3A_559] {strides = array<i32>} : memref<2x5x32x256xf32, #tpu.memory_space<vmem>>, vector<16xf32>,
        %get3A_561 = arith.constant 1 : i32
        %get3A_562 = arith.constant 1 : i32
        %get3A_563 = arith.index_cast %get3A_561 : i32 to index
        %get3A_564 = arith.index_cast %get3A_562 : i32 to index
        %get3A_565 = arith.index_cast %scan3A_245 : i32 to index
        %get3A_566 = arith.constant 224 : index
        %get3A_567 = tpu.vector_load %arg4[%get3A_563, %get3A_564, %get3A_565, %get3A_566] {strides = array<i32>} : memref<2x5x32x256xf32, #tpu.memory_space<vmem>>, vector<16xf32>,
        %get3A_568 = arith.constant 1 : i32
        %get3A_569 = arith.constant 2 : i32
        %get3A_570 = arith.index_cast %get3A_568 : i32 to index
        %get3A_571 = arith.index_cast %get3A_569 : i32 to index
        %get3A_572 = arith.index_cast %scan3A_245 : i32 to index
        %get3A_573 = arith.constant 224 : index
        %get3A_574 = tpu.vector_load %arg4[%get3A_570, %get3A_571, %get3A_572, %get3A_573] {strides = array<i32>} : memref<2x5x32x256xf32, #tpu.memory_space<vmem>>, vector<16xf32>,
        %get3A_575 = arith.constant 1 : i32
        %get3A_576 = arith.constant 3 : i32
        %get3A_577 = arith.index_cast %get3A_575 : i32 to index
        %get3A_578 = arith.index_cast %get3A_576 : i32 to index
        %get3A_579 = arith.index_cast %scan3A_245 : i32 to index
        %get3A_580 = arith.constant 224 : index
        %get3A_581 = tpu.vector_load %arg4[%get3A_577, %get3A_578, %get3A_579, %get3A_580] {strides = array<i32>} : memref<2x5x32x256xf32, #tpu.memory_space<vmem>>, vector<16xf32>,
        %get3A_582 = arith.constant 1 : i32
        %get3A_583 = arith.constant 4 : i32
        %get3A_584 = arith.index_cast %get3A_582 : i32 to index
        %get3A_585 = arith.index_cast %get3A_583 : i32 to index
        %get3A_586 = arith.index_cast %scan3A_245 : i32 to index
        %get3A_587 = arith.constant 224 : index
        %get3A_588 = tpu.vector_load %arg4[%get3A_584, %get3A_585, %get3A_586, %get3A_587] {strides = array<i32>} : memref<2x5x32x256xf32, #tpu.memory_space<vmem>>, vector<16xf32>,
        %max3A_589 = arith.maximumf %get3A_560, %get3A_567 : vector<16xf32>
        %max3A_590 = arith.maximumf %get3A_574, %get3A_581 : vector<16xf32>
        %max3A_591 = arith.maximumf %max3A_589, %max3A_590 : vector<16xf32>
        %max3A_592 = arith.maximumf %max3A_591, %get3A_588 : vector<16xf32>
        %eq3A_593 = arith.cmpf oeq, %get3A_567, %max3A_592 : vector<16xf32>
        %select_n3A_594 = arith.select %eq3A_593, %broadcast_in_dim3A_3, %broadcast_in_dim3A_5 : vector<16xi1>, vector<16xf32>
        %eq3A_595 = arith.cmpf oeq, %get3A_574, %max3A_592 : vector<16xf32>
        %select_n3A_596 = arith.select %eq3A_595, %broadcast_in_dim3A_3, %broadcast_in_dim3A_5 : vector<16xi1>, vector<16xf32>
        %eq3A_597 = arith.cmpf oeq, %get3A_581, %max3A_592 : vector<16xf32>
        %select_n3A_598 = arith.select %eq3A_597, %broadcast_in_dim3A_3, %broadcast_in_dim3A_5 : vector<16xi1>, vector<16xf32>
        %eq3A_599 = arith.cmpf oeq, %get3A_588, %max3A_592 : vector<16xf32>
        %select_n3A_600 = arith.select %eq3A_599, %broadcast_in_dim3A_3, %broadcast_in_dim3A_5 : vector<16xi1>, vector<16xf32>
        %get3A_601 = arith.constant 1 : i32
        %get3A_602 = arith.constant 0 : i32
        %get3A_603 = arith.index_cast %get3A_601 : i32 to index
        %get3A_604 = arith.index_cast %get3A_602 : i32 to index
        %get3A_605 = arith.index_cast %scan3A_245 : i32 to index
        %get3A_606 = arith.constant 240 : index
        %get3A_607 = tpu.vector_load %arg4[%get3A_603, %get3A_604, %get3A_605, %get3A_606] {strides = array<i32>} : memref<2x5x32x256xf32, #tpu.memory_space<vmem>>, vector<16xf32>,
        %get3A_608 = arith.constant 1 : i32
        %get3A_609 = arith.constant 1 : i32
        %get3A_610 = arith.index_cast %get3A_608 : i32 to index
        %get3A_611 = arith.index_cast %get3A_609 : i32 to index
        %get3A_612 = arith.index_cast %scan3A_245 : i32 to index
        %get3A_613 = arith.constant 240 : index
        %get3A_614 = tpu.vector_load %arg4[%get3A_610, %get3A_611, %get3A_612, %get3A_613] {strides = array<i32>} : memref<2x5x32x256xf32, #tpu.memory_space<vmem>>, vector<16xf32>,
        %get3A_615 = arith.constant 1 : i32
        %get3A_616 = arith.constant 2 : i32
        %get3A_617 = arith.index_cast %get3A_615 : i32 to index
        %get3A_618 = arith.index_cast %get3A_616 : i32 to index
        %get3A_619 = arith.index_cast %scan3A_245 : i32 to index
        %get3A_620 = arith.constant 240 : index
        %get3A_621 = tpu.vector_load %arg4[%get3A_617, %get3A_618, %get3A_619, %get3A_620] {strides = array<i32>} : memref<2x5x32x256xf32, #tpu.memory_space<vmem>>, vector<16xf32>,
        %get3A_622 = arith.constant 1 : i32
        %get3A_623 = arith.constant 3 : i32
        %get3A_624 = arith.index_cast %get3A_622 : i32 to index
        %get3A_625 = arith.index_cast %get3A_623 : i32 to index
        %get3A_626 = arith.index_cast %scan3A_245 : i32 to index
        %get3A_627 = arith.constant 240 : index
        %get3A_628 = tpu.vector_load %arg4[%get3A_624, %get3A_625, %get3A_626, %get3A_627] {strides = array<i32>} : memref<2x5x32x256xf32, #tpu.memory_space<vmem>>, vector<16xf32>,
        %get3A_629 = arith.constant 1 : i32
        %get3A_630 = arith.constant 4 : i32
        %get3A_631 = arith.index_cast %get3A_629 : i32 to index
        %get3A_632 = arith.index_cast %get3A_630 : i32 to index
        %get3A_633 = arith.index_cast %scan3A_245 : i32 to index
        %get3A_634 = arith.constant 240 : index
        %get3A_635 = tpu.vector_load %arg4[%get3A_631, %get3A_632, %get3A_633, %get3A_634] {strides = array<i32>} : memref<2x5x32x256xf32, #tpu.memory_space<vmem>>, vector<16xf32>,
        %max3A_636 = arith.maximumf %get3A_607, %get3A_614 : vector<16xf32>
        %max3A_637 = arith.maximumf %get3A_621, %get3A_628 : vector<16xf32>
        %max3A_638 = arith.maximumf %max3A_636, %max3A_637 : vector<16xf32>
        %max3A_639 = arith.maximumf %max3A_638, %get3A_635 : vector<16xf32>
        %eq3A_640 = arith.cmpf oeq, %get3A_614, %max3A_639 : vector<16xf32>
        %select_n3A_641 = arith.select %eq3A_640, %broadcast_in_dim3A_3, %broadcast_in_dim3A_5 : vector<16xi1>, vector<16xf32>
        %eq3A_642 = arith.cmpf oeq, %get3A_621, %max3A_639 : vector<16xf32>
        %select_n3A_643 = arith.select %eq3A_642, %broadcast_in_dim3A_3, %broadcast_in_dim3A_5 : vector<16xi1>, vector<16xf32>
        %eq3A_644 = arith.cmpf oeq, %get3A_628, %max3A_639 : vector<16xf32>
        %select_n3A_645 = arith.select %eq3A_644, %broadcast_in_dim3A_3, %broadcast_in_dim3A_5 : vector<16xi1>, vector<16xf32>
        %eq3A_646 = arith.cmpf oeq, %get3A_635, %max3A_639 : vector<16xf32>
        %select_n3A_647 = arith.select %eq3A_646, %broadcast_in_dim3A_3, %broadcast_in_dim3A_5 : vector<16xi1>, vector<16xf32>
        %add3A_648 = arith.addf %select_n3A_594, %select_n3A_641 : vector<16xf32>
        %add3A_649 = arith.addf %add3A_547, %add3A_648 : vector<16xf32>
        %add3A_650 = arith.addf %select_n3A_596, %select_n3A_643 : vector<16xf32>
        %add3A_651 = arith.addf %add3A_549, %add3A_650 : vector<16xf32>
        %add3A_652 = arith.addf %select_n3A_598, %select_n3A_645 : vector<16xf32>
        %add3A_653 = arith.addf %add3A_551, %add3A_652 : vector<16xf32>
        %add3A_654 = arith.addf %select_n3A_600, %select_n3A_647 : vector<16xf32>
        %add3A_655 = arith.addf %add3A_553, %add3A_654 : vector<16xf32>
        scf.yield %add3A_649, %add3A_651, %add3A_653, %add3A_655 : vector<16xf32>, vector<16xf32>, vector<16xf32>, vector<16xf32>
      }
      %scan3A_209 = arith.constant 32 : i32
      %add3A_210 = arith.constant 2 : i32
      %add3A_211 = arith.addi %add3A_164, %add3A_210 : i32
      %lt3A_212 = arith.constant 20 : i32
      %lt3A_213 = arith.cmpi slt, %add3A_211, %lt3A_212 : i32
      %convert_element_type3A_214 = arith.extui %lt3A_213 : i1 to i32
      %cond3A_215 = arith.constant 0 : i32
      %cond3A_216 = arith.cmpi ne, %convert_element_type3A_214, %cond3A_215 : i32
      scf.if %cond3A_216 {
        %add3A_245 = arith.constant 2 : i32
        %add3A_246 = arith.addi %add3A_165, %add3A_245 : i32
        %shift_right_arithmetic3A_247 = arith.constant 3 : i32
        %shift_right_arithmetic3A_248 = arith.shrsi %add3A_246, %shift_right_arithmetic3A_247 : i32
        %shift_right_arithmetic3A_249 = arith.constant 2 : i32
        %shift_right_arithmetic3A_250 = arith.shrsi %add3A_246, %shift_right_arithmetic3A_249 : i32
        %and3A_251 = arith.constant 1 : i32
        %and3A_252 = arith.andi %shift_right_arithmetic3A_250, %and3A_251 : i32
        %mul3A_253 = arith.constant 128 : i32
        %mul3A_254 = arith.muli %and3A_252, %mul3A_253 : i32
        %and3A_255 = arith.constant 3 : i32
        %and3A_256 = arith.andi %add3A_246, %and3A_255 : i32
        %mul3A_257 = arith.constant 32 : i32
        %mul3A_258 = arith.muli %and3A_256, %mul3A_257 : i32
        %add3A_259 = arith.addi %mul3A_254, %mul3A_258 : i32
        %dma_start3A_260 = arith.constant 1 : i32
        %dma_start3A_261 = arith.constant 0 : i32
        %dma_start3A_262 = arith.constant 0 : i32
        %dma_start3A_263 = arith.constant 0 : i32
        %dma_start3A_264 = tpu.memref_slice %arg4[%dma_start3A_260, %dma_start3A_261, %dma_start3A_262, %dma_start3A_263] : memref<2x5x32x256xf32, #tpu.memory_space<vmem>> -> memref<1x5x32x256xf32, #tpu.memory_space<vmem>>
        %dma_start3A_265 = tpu.memref_squeeze %dma_start3A_264 : memref<1x5x32x256xf32, #tpu.memory_space<vmem>> -> memref<5x32x256xf32, #tpu.memory_space<vmem>>
        %dma_start3A_266 = arith.constant 0 : i32
        %dma_start3A_267 = arith.constant 0 : i32
        %dma_start3A_268 = tpu.memref_slice %arg2[%shift_right_arithmetic3A_248, %dma_start3A_266, %add3A_259, %dma_start3A_267] : memref<128x5x256x256xf32, #tpu.memory_space<hbm>> -> memref<1x5x32x256xf32, #tpu.memory_space<hbm>>
        %dma_start3A_269 = tpu.memref_squeeze %dma_start3A_268 : memref<1x5x32x256xf32, #tpu.memory_space<hbm>> -> memref<5x32x256xf32, #tpu.memory_space<hbm>>
        %dma_start3A_270 = arith.constant 0 : i32
        %dma_start3A_271 = arith.constant 0 : i32
        %dma_start3A_272 = arith.constant 0 : i32
        %dma_start3A_273 = tpu.memref_slice %arg4[%dma_start3A_260, %dma_start3A_270, %dma_start3A_271, %dma_start3A_272] : memref<2x5x32x256xf32, #tpu.memory_space<vmem>> -> memref<1x5x32x256xf32, #tpu.memory_space<vmem>>
        %dma_start3A_274 = tpu.memref_squeeze %dma_start3A_273 : memref<1x5x32x256xf32, #tpu.memory_space<vmem>> -> memref<5x32x256xf32, #tpu.memory_space<vmem>>
        %dma_start3A_275 = arith.constant 0 : i32
        %dma_start3A_276 = arith.constant 0 : i32
        %dma_start3A_277 = tpu.memref_slice %arg2[%shift_right_arithmetic3A_248, %dma_start3A_275, %add3A_259, %dma_start3A_276] : memref<128x5x256x256xf32, #tpu.memory_space<hbm>> -> memref<1x5x32x256xf32, #tpu.memory_space<hbm>>
        %dma_start3A_278 = tpu.memref_squeeze %dma_start3A_277 : memref<1x5x32x256xf32, #tpu.memory_space<hbm>> -> memref<5x32x256xf32, #tpu.memory_space<hbm>>
        tpu.enqueue_dma source(%dma_start3A_278 : memref<5x32x256xf32, #tpu.memory_space<hbm>>) target(%dma_start3A_274 : memref<5x32x256xf32, #tpu.memory_space<vmem>>) target_semaphore(%arg7 : memref<!tpu.dma_semaphore, #tpu.memory_space<semaphore_mem>>)
      } else {
      }
      %shift_right_arithmetic3A_217 = arith.constant 3 : i32
      %shift_right_arithmetic3A_218 = arith.shrsi %add3A_165, %shift_right_arithmetic3A_217 : i32
      %shift_right_arithmetic3A_219 = arith.constant 2 : i32
      %shift_right_arithmetic3A_220 = arith.shrsi %add3A_165, %shift_right_arithmetic3A_219 : i32
      %and3A_221 = arith.constant 1 : i32
      %and3A_222 = arith.andi %shift_right_arithmetic3A_220, %and3A_221 : i32
      %mul3A_223 = arith.constant 128 : i32
      %mul3A_224 = arith.muli %and3A_222, %mul3A_223 : i32
      %and3A_225 = arith.constant 3 : i32
      %and3A_226 = arith.andi %add3A_165, %and3A_225 : i32
      %mul3A_227 = arith.constant 32 : i32
      %mul3A_228 = arith.muli %and3A_226, %mul3A_227 : i32
      %add3A_229 = arith.addi %mul3A_224, %mul3A_228 : i32
      %and3A_230 = arith.constant 3 : i32
      %and3A_231 = arith.andi %add3A_165, %and3A_230 : i32
      %eq3A_232 = arith.constant 3 : i32
      %eq3A_233 = arith.cmpi eq, %and3A_231, %eq3A_232 : i32
      %convert_element_type3A_234 = arith.extui %eq3A_233 : i1 to i32
      %cond3A_235 = arith.constant 0 : i32
      %cond3A_236 = arith.cmpi ne, %convert_element_type3A_234, %cond3A_235 : i32
      scf.if %cond3A_236 {
        %swap3A = arith.constant 0 : index
        %swap3A_245 = tpu.vector_load %arg5[%swap3A] {strides = array<i32>} : memref<128xf32, #tpu.memory_space<vmem>>, vector<16xf32>,
        tpu.vector_store %arg5[%swap3A], %scan3A_202#0 {strides = array<i32>} : memref<128xf32, #tpu.memory_space<vmem>>, vector<16xf32>,
        %swap3A_246 = arith.constant 16 : index
        %swap3A_247 = tpu.vector_load %arg5[%swap3A_246] {strides = array<i32>} : memref<128xf32, #tpu.memory_space<vmem>>, vector<16xf32>,
        tpu.vector_store %arg5[%swap3A_246], %scan3A_202#1 {strides = array<i32>} : memref<128xf32, #tpu.memory_space<vmem>>, vector<16xf32>,
        %swap3A_248 = arith.constant 32 : index
        %swap3A_249 = tpu.vector_load %arg5[%swap3A_248] {strides = array<i32>} : memref<128xf32, #tpu.memory_space<vmem>>, vector<16xf32>,
        tpu.vector_store %arg5[%swap3A_248], %scan3A_202#2 {strides = array<i32>} : memref<128xf32, #tpu.memory_space<vmem>>, vector<16xf32>,
        %swap3A_250 = arith.constant 48 : index
        %swap3A_251 = tpu.vector_load %arg5[%swap3A_250] {strides = array<i32>} : memref<128xf32, #tpu.memory_space<vmem>>, vector<16xf32>,
        tpu.vector_store %arg5[%swap3A_250], %scan3A_202#3 {strides = array<i32>} : memref<128xf32, #tpu.memory_space<vmem>>, vector<16xf32>,
        %swap3A_252 = arith.constant 64 : index
        %swap3A_253 = tpu.vector_load %arg5[%swap3A_252] {strides = array<i32>} : memref<128xf32, #tpu.memory_space<vmem>>, vector<16xf32>,
        tpu.vector_store %arg5[%swap3A_252], %scan3A_208#0 {strides = array<i32>} : memref<128xf32, #tpu.memory_space<vmem>>, vector<16xf32>,
        %swap3A_254 = arith.constant 80 : index
        %swap3A_255 = tpu.vector_load %arg5[%swap3A_254] {strides = array<i32>} : memref<128xf32, #tpu.memory_space<vmem>>, vector<16xf32>,
        tpu.vector_store %arg5[%swap3A_254], %scan3A_208#1 {strides = array<i32>} : memref<128xf32, #tpu.memory_space<vmem>>, vector<16xf32>,
        %swap3A_256 = arith.constant 96 : index
        %swap3A_257 = tpu.vector_load %arg5[%swap3A_256] {strides = array<i32>} : memref<128xf32, #tpu.memory_space<vmem>>, vector<16xf32>,
        tpu.vector_store %arg5[%swap3A_256], %scan3A_208#2 {strides = array<i32>} : memref<128xf32, #tpu.memory_space<vmem>>, vector<16xf32>,
        %swap3A_258 = arith.constant 112 : index
        %swap3A_259 = tpu.vector_load %arg5[%swap3A_258] {strides = array<i32>} : memref<128xf32, #tpu.memory_space<vmem>>, vector<16xf32>,
        tpu.vector_store %arg5[%swap3A_258], %scan3A_208#3 {strides = array<i32>} : memref<128xf32, #tpu.memory_space<vmem>>, vector<16xf32>,
        %mul3A_260 = arith.constant 128 : i32
        %mul3A_261 = arith.muli %and3A_222, %mul3A_260 : i32
        "tpu.region"() ({
          %run_scoped3A = tpu.sem_alloc : memref<!tpu.dma_semaphore, #tpu.memory_space<semaphore_mem>>
          %dma_start3A_262 = tpu.memref_slice %arg3[%shift_right_arithmetic3A_218, %mul3A_261] : memref<80x256xf32, #tpu.memory_space<hbm>> -> memref<1x128xf32, #tpu.memory_space<hbm>>
          %dma_start3A_263 = tpu.memref_squeeze %dma_start3A_262 : memref<1x128xf32, #tpu.memory_space<hbm>> -> memref<128xf32, #tpu.memory_space<hbm>>
          %dma_start3A_264 = tpu.memref_slice %arg3[%shift_right_arithmetic3A_218, %mul3A_261] : memref<80x256xf32, #tpu.memory_space<hbm>> -> memref<1x128xf32, #tpu.memory_space<hbm>>
          %dma_start3A_265 = tpu.memref_squeeze %dma_start3A_264 : memref<1x128xf32, #tpu.memory_space<hbm>> -> memref<128xf32, #tpu.memory_space<hbm>>
          tpu.enqueue_dma source(%arg5 : memref<128xf32, #tpu.memory_space<vmem>>) target(%dma_start3A_265 : memref<128xf32, #tpu.memory_space<hbm>>) target_semaphore(%run_scoped3A : memref<!tpu.dma_semaphore, #tpu.memory_space<semaphore_mem>>)
          %dma_wait3A_266 = tpu.memref_slice %arg3[%shift_right_arithmetic3A_218, %mul3A_261] : memref<80x256xf32, #tpu.memory_space<hbm>> -> memref<1x128xf32, #tpu.memory_space<hbm>>
          %dma_wait3A_267 = tpu.memref_squeeze %dma_wait3A_266 : memref<1x128xf32, #tpu.memory_space<hbm>> -> memref<128xf32, #tpu.memory_space<hbm>>
          %dma_wait3A_268 = tpu.memref_slice %arg3[%shift_right_arithmetic3A_218, %mul3A_261] : memref<80x256xf32, #tpu.memory_space<hbm>> -> memref<1x128xf32, #tpu.memory_space<hbm>>
          %dma_wait3A_269 = tpu.memref_squeeze %dma_wait3A_268 : memref<1x128xf32, #tpu.memory_space<hbm>> -> memref<128xf32, #tpu.memory_space<hbm>>
          tpu.wait_dma2 semaphore(%run_scoped3A : memref<!tpu.dma_semaphore, #tpu.memory_space<semaphore_mem>>) src(%arg5 : memref<128xf32, #tpu.memory_space<vmem>>) dst(%dma_wait3A_269 : memref<128xf32, #tpu.memory_space<hbm>>)
          tpu.yield
        }) : () -> ()
      } else {
      }
      %select_n3A_237 = arith.select %eq3A_233, %broadcast_in_dim3A_5, %scan3A_202#0 : vector<16xf32>
      %select_n3A_238 = arith.select %eq3A_233, %broadcast_in_dim3A_5, %scan3A_202#1 : vector<16xf32>
      %select_n3A_239 = arith.select %eq3A_233, %broadcast_in_dim3A_5, %scan3A_202#2 : vector<16xf32>
      %select_n3A_240 = arith.select %eq3A_233, %broadcast_in_dim3A_5, %scan3A_202#3 : vector<16xf32>
      %select_n3A_241 = arith.select %eq3A_233, %broadcast_in_dim3A_5, %scan3A_208#0 : vector<16xf32>
      %select_n3A_242 = arith.select %eq3A_233, %broadcast_in_dim3A_5, %scan3A_208#1 : vector<16xf32>
      %select_n3A_243 = arith.select %eq3A_233, %broadcast_in_dim3A_5, %scan3A_208#2 : vector<16xf32>
      %select_n3A_244 = arith.select %eq3A_233, %broadcast_in_dim3A_5, %scan3A_208#3 : vector<16xf32>
      scf.yield %select_n3A_237, %select_n3A_238, %select_n3A_239, %select_n3A_240, %select_n3A_241, %select_n3A_242, %select_n3A_243, %select_n3A_244 : vector<16xf32>, vector<16xf32>, vector<16xf32>, vector<16xf32>, vector<16xf32>, vector<16xf32>, vector<16xf32>, vector<16xf32>
    }
    %scan3A_73 = arith.constant 10 : i32
    return
  }
}

module attributes {stable_mosaic.version = 14 : i64} {
  func.func @_stage2_body(%arg0: memref<80x256xf32, #tpu.memory_space<vmem>>, %arg1: memref<48x16xf32, #tpu.memory_space<vmem>>, %arg2: memref<256x5xf32, #tpu.memory_space<vmem>>, %arg3: memref<256x20xf32, #tpu.memory_space<vmem>>, %arg4: memref<16x5xf32, #tpu.memory_space<vmem>>, %arg5: memref<16x20xf32, #tpu.memory_space<vmem>>, %arg6: memref<1x5xf32, #tpu.memory_space<vmem>>, %arg7: memref<1x20xf32, #tpu.memory_space<vmem>>, %arg8: memref<1x5xf32, #tpu.memory_space<vmem>>, %arg9: memref<5x5xf32, #tpu.memory_space<vmem>>, %arg10: memref<1x20xf32, #tpu.memory_space<vmem>>, %arg11: memref<20x20xf32, #tpu.memory_space<vmem>>, %arg12: memref<1x4xf32, #tpu.memory_space<vmem>>, %arg13: memref<128x1xf32, #tpu.memory_space<vmem>>) attributes {dimension_semantics = [], scalar_prefetch = 0 : i64, scratch_operands = 0 : i64, tpu.core_type = #tpu.core_type<tc>} {
    %get3A = arith.constant 0 : index
    %get3A_0 = arith.constant 0 : index
    %get3A_1 = vector.load %arg0[%get3A, %get3A_0] : memref<80x256xf32, #tpu.memory_space<vmem>>, vector<80x256xf32>
    %get3A_2 = arith.constant 0 : index
    %get3A_3 = arith.constant 0 : index
    %get3A_4 = vector.load %arg1[%get3A_2, %get3A_3] : memref<48x16xf32, #tpu.memory_space<vmem>>, vector<48x16xf32>
    %get3A_5 = arith.constant 0 : index
    %get3A_6 = arith.constant 0 : index
    %get3A_7 = vector.load %arg2[%get3A_5, %get3A_6] : memref<256x5xf32, #tpu.memory_space<vmem>>, vector<256x5xf32>
    %mul3A = arith.constant 7.812500e-03 : f32
    %mul3A_8 = vector.broadcast %mul3A : f32 to vector<80x256xf32>
    %mul3A_9 = arith.mulf %get3A_1, %mul3A_8 : vector<80x256xf32>
    %floor3A = math.floor %mul3A_9 : vector<80x256xf32>
    %mul3A_10 = arith.constant 1.280000e+02 : f32
    %mul3A_11 = vector.broadcast %mul3A_10 : f32 to vector<80x256xf32>
    %mul3A_12 = arith.mulf %floor3A, %mul3A_11 : vector<80x256xf32>
    %sub3A = arith.subf %get3A_1, %mul3A_12 : vector<80x256xf32>
    %dot_general3A = arith.constant dense<0.000000e+00> : vector<80x5xf32>
    %dot_general3A_13 = tpu.matmul %floor3A, %get3A_7, %dot_general3A {dimension_numbers = #tpu.dot_dimension_numbers<[1], [0], [0], [1], [0, 0, 1, 1], [], []>, transpose_lhs_hint = false} : vector<80x256xf32>, vector<256x5xf32>, vector<80x5xf32> -> vector<80x5xf32>
    %mul3A_14 = arith.constant 1.280000e+02 : f32
    %mul3A_15 = vector.broadcast %mul3A_14 : f32 to vector<80x5xf32>
    %mul3A_16 = arith.mulf %dot_general3A_13, %mul3A_15 : vector<80x5xf32>
    %dot_general3A_17 = arith.constant dense<0.000000e+00> : vector<80x5xf32>
    %dot_general3A_18 = tpu.matmul %sub3A, %get3A_7, %dot_general3A_17 {dimension_numbers = #tpu.dot_dimension_numbers<[1], [0], [0], [1], [0, 0, 1, 1], [], []>, transpose_lhs_hint = false} : vector<80x256xf32>, vector<256x5xf32>, vector<80x5xf32> -> vector<80x5xf32>
    %add3A = arith.addf %mul3A_16, %dot_general3A_18 : vector<80x5xf32>
    %get3A_19 = arith.constant 0 : index
    %get3A_20 = arith.constant 0 : index
    %get3A_21 = vector.load %arg4[%get3A_19, %get3A_20] : memref<16x5xf32, #tpu.memory_space<vmem>>, vector<16x5xf32>
    %mul3A_22 = arith.constant 7.812500e-03 : f32
    %mul3A_23 = vector.broadcast %mul3A_22 : f32 to vector<48x16xf32>
    %mul3A_24 = arith.mulf %get3A_4, %mul3A_23 : vector<48x16xf32>
    %floor3A_25 = math.floor %mul3A_24 : vector<48x16xf32>
    %mul3A_26 = arith.constant 1.280000e+02 : f32
    %mul3A_27 = vector.broadcast %mul3A_26 : f32 to vector<48x16xf32>
    %mul3A_28 = arith.mulf %floor3A_25, %mul3A_27 : vector<48x16xf32>
    %sub3A_29 = arith.subf %get3A_4, %mul3A_28 : vector<48x16xf32>
    %dot_general3A_30 = arith.constant dense<0.000000e+00> : vector<48x5xf32>
    %dot_general3A_31 = tpu.matmul %floor3A_25, %get3A_21, %dot_general3A_30 {dimension_numbers = #tpu.dot_dimension_numbers<[1], [0], [0], [1], [0, 0, 1, 1], [], []>, transpose_lhs_hint = false} : vector<48x16xf32>, vector<16x5xf32>, vector<48x5xf32> -> vector<48x5xf32>
    %mul3A_32 = arith.constant 1.280000e+02 : f32
    %mul3A_33 = vector.broadcast %mul3A_32 : f32 to vector<48x5xf32>
    %mul3A_34 = arith.mulf %dot_general3A_31, %mul3A_33 : vector<48x5xf32>
    %dot_general3A_35 = arith.constant dense<0.000000e+00> : vector<48x5xf32>
    %dot_general3A_36 = tpu.matmul %sub3A_29, %get3A_21, %dot_general3A_35 {dimension_numbers = #tpu.dot_dimension_numbers<[1], [0], [0], [1], [0, 0, 1, 1], [], []>, transpose_lhs_hint = false} : vector<48x16xf32>, vector<16x5xf32>, vector<48x5xf32> -> vector<48x5xf32>
    %add3A_37 = arith.addf %mul3A_34, %dot_general3A_36 : vector<48x5xf32>
    %concatenate3A = tpu.concatenate %add3A, %add3A_37 in 0 : vector<80x5xf32>, vector<48x5xf32> -> vector<128x5xf32>
    %get3A_38 = arith.constant 0 : index
    %get3A_39 = arith.constant 0 : index
    %get3A_40 = vector.load %arg3[%get3A_38, %get3A_39] : memref<256x20xf32, #tpu.memory_space<vmem>>, vector<256x20xf32>
    %mul3A_41 = arith.constant 7.812500e-03 : f32
    %mul3A_42 = vector.broadcast %mul3A_41 : f32 to vector<80x256xf32>
    %mul3A_43 = arith.mulf %get3A_1, %mul3A_42 : vector<80x256xf32>
    %floor3A_44 = math.floor %mul3A_43 : vector<80x256xf32>
    %mul3A_45 = arith.constant 1.280000e+02 : f32
    %mul3A_46 = vector.broadcast %mul3A_45 : f32 to vector<80x256xf32>
    %mul3A_47 = arith.mulf %floor3A_44, %mul3A_46 : vector<80x256xf32>
    %sub3A_48 = arith.subf %get3A_1, %mul3A_47 : vector<80x256xf32>
    %dot_general3A_49 = arith.constant dense<0.000000e+00> : vector<80x20xf32>
    %dot_general3A_50 = tpu.matmul %floor3A_44, %get3A_40, %dot_general3A_49 {dimension_numbers = #tpu.dot_dimension_numbers<[1], [0], [0], [1], [0, 0, 1, 1], [], []>, transpose_lhs_hint = false} : vector<80x256xf32>, vector<256x20xf32>, vector<80x20xf32> -> vector<80x20xf32>
    %mul3A_51 = arith.constant 1.280000e+02 : f32
    %mul3A_52 = vector.broadcast %mul3A_51 : f32 to vector<80x20xf32>
    %mul3A_53 = arith.mulf %dot_general3A_50, %mul3A_52 : vector<80x20xf32>
    %dot_general3A_54 = arith.constant dense<0.000000e+00> : vector<80x20xf32>
    %dot_general3A_55 = tpu.matmul %sub3A_48, %get3A_40, %dot_general3A_54 {dimension_numbers = #tpu.dot_dimension_numbers<[1], [0], [0], [1], [0, 0, 1, 1], [], []>, transpose_lhs_hint = false} : vector<80x256xf32>, vector<256x20xf32>, vector<80x20xf32> -> vector<80x20xf32>
    %add3A_56 = arith.addf %mul3A_53, %dot_general3A_55 : vector<80x20xf32>
    %get3A_57 = arith.constant 0 : index
    %get3A_58 = arith.constant 0 : index
    %get3A_59 = vector.load %arg5[%get3A_57, %get3A_58] : memref<16x20xf32, #tpu.memory_space<vmem>>, vector<16x20xf32>
    %mul3A_60 = arith.constant 7.812500e-03 : f32
    %mul3A_61 = vector.broadcast %mul3A_60 : f32 to vector<48x16xf32>
    %mul3A_62 = arith.mulf %get3A_4, %mul3A_61 : vector<48x16xf32>
    %floor3A_63 = math.floor %mul3A_62 : vector<48x16xf32>
    %mul3A_64 = arith.constant 1.280000e+02 : f32
    %mul3A_65 = vector.broadcast %mul3A_64 : f32 to vector<48x16xf32>
    %mul3A_66 = arith.mulf %floor3A_63, %mul3A_65 : vector<48x16xf32>
    %sub3A_67 = arith.subf %get3A_4, %mul3A_66 : vector<48x16xf32>
    %dot_general3A_68 = arith.constant dense<0.000000e+00> : vector<48x20xf32>
    %dot_general3A_69 = tpu.matmul %floor3A_63, %get3A_59, %dot_general3A_68 {dimension_numbers = #tpu.dot_dimension_numbers<[1], [0], [0], [1], [0, 0, 1, 1], [], []>, transpose_lhs_hint = false} : vector<48x16xf32>, vector<16x20xf32>, vector<48x20xf32> -> vector<48x20xf32>
    %mul3A_70 = arith.constant 1.280000e+02 : f32
    %mul3A_71 = vector.broadcast %mul3A_70 : f32 to vector<48x20xf32>
    %mul3A_72 = arith.mulf %dot_general3A_69, %mul3A_71 : vector<48x20xf32>
    %dot_general3A_73 = arith.constant dense<0.000000e+00> : vector<48x20xf32>
    %dot_general3A_74 = tpu.matmul %sub3A_67, %get3A_59, %dot_general3A_73 {dimension_numbers = #tpu.dot_dimension_numbers<[1], [0], [0], [1], [0, 0, 1, 1], [], []>, transpose_lhs_hint = false} : vector<48x16xf32>, vector<16x20xf32>, vector<48x20xf32> -> vector<48x20xf32>
    %add3A_75 = arith.addf %mul3A_72, %dot_general3A_74 : vector<48x20xf32>
    %concatenate3A_76 = tpu.concatenate %add3A_56, %add3A_75 in 0 : vector<80x20xf32>, vector<48x20xf32> -> vector<128x20xf32>
    %get3A_77 = arith.constant 0 : index
    %get3A_78 = arith.constant 0 : index
    %get3A_79 = vector.load %arg6[%get3A_77, %get3A_78] : memref<1x5xf32, #tpu.memory_space<vmem>>, vector<1x5xf32>
    %get3A_80 = arith.constant 0 : index
    %get3A_81 = arith.constant 0 : index
    %get3A_82 = vector.load %arg8[%get3A_80, %get3A_81] : memref<1x5xf32, #tpu.memory_space<vmem>>, vector<1x5xf32>
    %sub3A_83 = arith.subf %get3A_79, %get3A_82 : vector<1x5xf32>
    %add3A_84 = vector.broadcast %sub3A_83 : vector<1x5xf32> to vector<128x5xf32>
    %add3A_85 = arith.addf %concatenate3A, %add3A_84 : vector<128x5xf32>
    %get3A_86 = arith.constant 0 : index
    %get3A_87 = arith.constant 0 : index
    %get3A_88 = vector.load %arg7[%get3A_86, %get3A_87] : memref<1x20xf32, #tpu.memory_space<vmem>>, vector<1x20xf32>
    %get3A_89 = arith.constant 0 : index
    %get3A_90 = arith.constant 0 : index
    %get3A_91 = vector.load %arg10[%get3A_89, %get3A_90] : memref<1x20xf32, #tpu.memory_space<vmem>>, vector<1x20xf32>
    %sub3A_92 = arith.subf %get3A_88, %get3A_91 : vector<1x20xf32>
    %add3A_93 = vector.broadcast %sub3A_92 : vector<1x20xf32> to vector<128x20xf32>
    %add3A_94 = arith.addf %concatenate3A_76, %add3A_93 : vector<128x20xf32>
    %get3A_95 = arith.constant 0 : index
    %get3A_96 = arith.constant 0 : index
    %get3A_97 = vector.load %arg9[%get3A_95, %get3A_96] : memref<5x5xf32, #tpu.memory_space<vmem>>, vector<5x5xf32>
    %dot_general3A_98 = arith.constant dense<0.000000e+00> : vector<128x5xf32>
    %dot_general3A_99 = tpu.matmul %add3A_85, %get3A_97, %dot_general3A_98 {dimension_numbers = #tpu.dot_dimension_numbers<[1], [0], [0], [1], [0, 0, 1, 1], [], []>, transpose_lhs_hint = false} : vector<128x5xf32>, vector<5x5xf32>, vector<128x5xf32> -> vector<128x5xf32>
    %mul3A_100 = arith.mulf %add3A_85, %dot_general3A_99 : vector<128x5xf32>
    %reduce_sum3A = arith.constant dense<0.000000e+00> : vector<128xf32>
    %reduce_sum3A_101 = vector.multi_reduction <add>, %mul3A_100, %reduce_sum3A [1] : vector<128x5xf32> to vector<128xf32>
    %broadcast_in_dim3A = vector.shape_cast %reduce_sum3A_101 : vector<128xf32> to vector<128x1xf32>
    %get3A_102 = arith.constant 0 : index
    %get3A_103 = arith.constant 0 : index
    %get3A_104 = vector.load %arg11[%get3A_102, %get3A_103] : memref<20x20xf32, #tpu.memory_space<vmem>>, vector<20x20xf32>
    %dot_general3A_105 = arith.constant dense<0.000000e+00> : vector<128x20xf32>
    %dot_general3A_106 = tpu.matmul %add3A_94, %get3A_104, %dot_general3A_105 {dimension_numbers = #tpu.dot_dimension_numbers<[1], [0], [0], [1], [0, 0, 1, 1], [], []>, transpose_lhs_hint = false} : vector<128x20xf32>, vector<20x20xf32>, vector<128x20xf32> -> vector<128x20xf32>
    %mul3A_107 = arith.mulf %add3A_94, %dot_general3A_106 : vector<128x20xf32>
    %reduce_sum3A_108 = arith.constant dense<0.000000e+00> : vector<128xf32>
    %reduce_sum3A_109 = vector.multi_reduction <add>, %mul3A_107, %reduce_sum3A_108 [1] : vector<128x20xf32> to vector<128xf32>
    %broadcast_in_dim3A_110 = vector.shape_cast %reduce_sum3A_109 : vector<128xf32> to vector<128x1xf32>
    %get3A_111 = arith.constant 0 : index
    %get3A_112 = arith.constant 0 : index
    %get3A_113 = vector.load %arg12[%get3A_111, %get3A_112] : memref<1x4xf32, #tpu.memory_space<vmem>>, vector<1x1xf32>
    %get3A_114 = arith.constant 0 : index
    %get3A_115 = arith.constant 1 : index
    %get3A_116 = vector.load %arg12[%get3A_114, %get3A_115] : memref<1x4xf32, #tpu.memory_space<vmem>>, vector<1x1xf32>
    %get3A_117 = arith.constant 0 : index
    %get3A_118 = arith.constant 2 : index
    %get3A_119 = vector.load %arg12[%get3A_117, %get3A_118] : memref<1x4xf32, #tpu.memory_space<vmem>>, vector<1x1xf32>
    %get3A_120 = arith.constant 0 : index
    %get3A_121 = arith.constant 3 : index
    %get3A_122 = vector.load %arg12[%get3A_120, %get3A_121] : memref<1x4xf32, #tpu.memory_space<vmem>>, vector<1x1xf32>
    %sqrt3A = math.sqrt %broadcast_in_dim3A : vector<128x1xf32>
    %sub3A_123 = vector.broadcast %get3A_113 : vector<1x1xf32> to vector<128x1xf32>
    %sub3A_124 = arith.subf %sqrt3A, %sub3A_123 : vector<128x1xf32>
    %div3A = vector.broadcast %get3A_116 : vector<1x1xf32> to vector<128x1xf32>
    %div3A_125 = arith.divf %sub3A_124, %div3A : vector<128x1xf32>
    %sqrt3A_126 = math.sqrt %broadcast_in_dim3A_110 : vector<128x1xf32>
    %sub3A_127 = vector.broadcast %get3A_119 : vector<1x1xf32> to vector<128x1xf32>
    %sub3A_128 = arith.subf %sqrt3A_126, %sub3A_127 : vector<128x1xf32>
    %div3A_129 = vector.broadcast %get3A_122 : vector<1x1xf32> to vector<128x1xf32>
    %div3A_130 = arith.divf %sub3A_128, %div3A_129 : vector<128x1xf32>
    %add3A_131 = arith.addf %div3A_125, %div3A_130 : vector<128x1xf32>
    %swap3A = arith.constant 0 : index
    %swap3A_132 = arith.constant 0 : index
    %swap3A_133 = vector.load %arg13[%swap3A, %swap3A_132] : memref<128x1xf32, #tpu.memory_space<vmem>>, vector<128x1xf32>
    tpu.vector_store %arg13[%swap3A, %swap3A_132], %add3A_131 {strides = array<i32>} : memref<128x1xf32, #tpu.memory_space<vmem>>, vector<128x1xf32>,
    return
  }
}

module attributes {stable_mosaic.version = 14 : i64} {
  func.func @_tc_hist_body(%arg0: i32, %arg1: memref<1x5x256x256xf32, #tpu.memory_space<vmem>>, %arg2: memref<256x2xf32, #tpu.memory_space<vmem>>, %arg3: memref<8x1024xf32, #tpu.memory_space<vmem>>, %arg4: memref<1x8x2xf32, #tpu.memory_space<vmem>>) attributes {dimension_semantics = [#tpu.dimension_semantics<arbitrary>], iteration_bounds = array<i64: 48>, scalar_prefetch = 0 : i64, scratch_operands = 0 : i64, tpu.core_type = #tpu.core_type<tc>, window_params = [{transform_indices = @transform_0, window_bounds = array<i64: 1, 5, 256, 256>}, {pipeline_mode = #tpu.pipeline_mode<synchronous>, transform_indices = @transform_1, window_bounds = array<i64: 256, 2>}, {pipeline_mode = #tpu.pipeline_mode<synchronous>, transform_indices = @transform_2, window_bounds = array<i64: 8, 1024>}, {transform_indices = @transform_3, window_bounds = array<i64: 1, 8, 2>}]} {
    %get3A = arith.constant 0 : index
    %get3A_0 = arith.constant 0 : index
    %get3A_1 = arith.constant 0 : index
    %get3A_2 = arith.constant 0 : index
    %get3A_3 = vector.load %arg1[%get3A, %get3A_0, %get3A_1, %get3A_2] : memref<1x5x256x256xf32, #tpu.memory_space<vmem>>, vector<1x5x256x256xf32>
    %get3A_4 = vector.shape_cast %get3A_3 : vector<1x5x256x256xf32> to vector<5x256x256xf32>
    %reduce_max3A = arith.constant dense<0xFF800000> : vector<256x256xf32>
    %reduce_max3A_5 = vector.multi_reduction <maximumf>, %get3A_4, %reduce_max3A [0] : vector<5x256x256xf32> to vector<256x256xf32>
    %slice3A = vector.extract_strided_slice %get3A_4 {offsets = [1, 0, 0], sizes = [4, 256, 256], strides = [1, 1, 1]} : vector<5x256x256xf32> to vector<4x256x256xf32>
    %broadcast_in_dim3A = vector.shape_cast %reduce_max3A_5 : vector<256x256xf32> to vector<1x256x256xf32>
    %eq3A = vector.broadcast %broadcast_in_dim3A : vector<1x256x256xf32> to vector<4x256x256xf32>
    %eq3A_6 = arith.cmpf oeq, %slice3A, %eq3A : vector<4x256x256xf32>
    %convert_element_type3A = arith.extui %eq3A_6 : vector<4x256x256xi1> to vector<4x256x256xi32>
    %convert_element_type3A_7 = arith.sitofp %convert_element_type3A : vector<4x256x256xi32> to vector<4x256x256xf32>
    %reshape3A = vector.shape_cast %convert_element_type3A_7 : vector<4x256x256xf32> to vector<1024x256xf32>
    %get3A_8 = arith.constant 0 : index
    %get3A_9 = arith.constant 0 : index
    %get3A_10 = vector.load %arg2[%get3A_8, %get3A_9] : memref<256x2xf32, #tpu.memory_space<vmem>>, vector<256x2xf32>
    %dot_general3A = arith.constant dense<0.000000e+00> : vector<1024x2xf32>
    %dot_general3A_11 = tpu.matmul %reshape3A, %get3A_10, %dot_general3A {dimension_numbers = #tpu.dot_dimension_numbers<[1], [0], [0], [1], [0, 0, 1, 1], [], []>, transpose_lhs_hint = false} : vector<1024x256xf32>, vector<256x2xf32>, vector<1024x2xf32> -> vector<1024x2xf32>
    %get3A_12 = arith.constant 0 : index
    %get3A_13 = arith.constant 0 : index
    %get3A_14 = vector.load %arg3[%get3A_12, %get3A_13] : memref<8x1024xf32, #tpu.memory_space<vmem>>, vector<8x1024xf32>
    %dot_general3A_15 = arith.constant dense<0.000000e+00> : vector<8x2xf32>
    %dot_general3A_16 = tpu.matmul %get3A_14, %dot_general3A_11, %dot_general3A_15 {dimension_numbers = #tpu.dot_dimension_numbers<[1], [0], [0], [1], [0, 0, 1, 1], [], []>, transpose_lhs_hint = false} : vector<8x1024xf32>, vector<1024x2xf32>, vector<8x2xf32> -> vector<8x2xf32>
    %swap3A = arith.constant 0 : index
    %swap3A_17 = arith.constant 0 : index
    %swap3A_18 = arith.constant 0 : index
    %swap3A_19 = vector.load %arg4[%swap3A, %swap3A_17, %swap3A_18] : memref<1x8x2xf32, #tpu.memory_space<vmem>>, vector<1x8x2xf32>
    %swap3A_20 = vector.shape_cast %swap3A_19 : vector<1x8x2xf32> to vector<8x2xf32>
    %swap3A_21 = vector.shape_cast %dot_general3A_16 : vector<8x2xf32> to vector<1x8x2xf32>
    tpu.vector_store %arg4[%swap3A, %swap3A_17, %swap3A_18], %swap3A_21 {strides = array<i32>} : memref<1x8x2xf32, #tpu.memory_space<vmem>>, vector<1x8x2xf32>,
    return
  }
  func.func @transform_0(%arg0: i32) -> (i32, i32, i32, i32) {
    %add3A = arith.constant 80 : i32
    %add3A_0 = arith.addi %arg0, %add3A : i32
    %c0_i32 = arith.constant 0 : i32
    %c0_i32_1 = arith.constant 0 : i32
    %c0_i32_2 = arith.constant 0 : i32
    %c0_i32_3 = arith.constant 0 : i32
    return %add3A_0, %c0_i32, %c0_i32_1, %c0_i32_2 : i32, i32, i32, i32
  }
  func.func @transform_1(%arg0: i32) -> (i32, i32) {
    %c0_i32 = arith.constant 0 : i32
    %c0_i32_0 = arith.constant 0 : i32
    %c0_i32_1 = arith.constant 0 : i32
    return %c0_i32, %c0_i32_0 : i32, i32
  }
  func.func @transform_2(%arg0: i32) -> (i32, i32) {
    %c0_i32 = arith.constant 0 : i32
    %c0_i32_0 = arith.constant 0 : i32
    %c0_i32_1 = arith.constant 0 : i32
    return %c0_i32, %c0_i32_0 : i32, i32
  }
  func.func @transform_3(%arg0: i32) -> (i32, i32, i32) {
    %c0_i32 = arith.constant 0 : i32
    %c0_i32_0 = arith.constant 0 : i32
    %c0_i32_1 = arith.constant 0 : i32
    return %arg0, %c0_i32, %c0_i32_0 : i32, i32, i32
  }
}

</mosaic_0001>

<sc_bundles>
// kernel: kernel.5.cloned.1.call-start
scs
__scs_entry_jumppad:
0x0: {  	(pc) =	sbr.rel $0x88, $3  }
0x1: {  	(tag) =	ssettag $0x0;
	lr =	simm.s32 $0x1  }
0x2: {  	[smem:$0x3F98] =	sst lr;
	_ =	strace $0xD0000000  }
0x3: {  	_ = 	snop  }
0x4: {  	_ = 	snop  }
0x5: {  	_ = 	snop  }
0x6: {  	_ = 	snop  }
0x7: {  	_ = 	snop  }
__scs_overlays_trampoline_lowered:
0x8: {  	[smem:$0x3FA7] =	sst s0  }
0x9: {  	[smem:$0x3FA8] =	sst s1  }
0xa: {  	[smem:$0x3FA9] =	sst s2  }
0xb: {  	[smem:$0x3FAA] =	sst s3  }
0xc: {  	[smem:$0x3FAB] =	sst s4  }
0xd: {  	[smem:$0x3FAC] =	sst s5  }
0xe: {  	[smem:$0x3FAD] =	sst s6  }
0xf: {  	[smem:$0x3FAE] =	sst s7  }
0x10: {  	[smem:$0x3FAF] =	sst s8  }
0x11: {  	[smem:$0x3FB0] =	sst s9;
	s0 =	simm.s32 @!p0 $0x0  }
0x12: {  	s1 =	sld [smem:$0x3F96];
	s0 =	simm.s32 @p0 $0x1  }
0x13: {  	[smem:$0x3FB1] =	sst s0;
	s0 =	simm.s32 @!p1 $0x0  }
0x14: {  	s2 =	sld [smem:$0x3F95];
	s0 =	simm.s32 @p1 $0x1  }
0x15: {  	[smem:$0x3FB2] =	sst s0;
	s0 =	simm.s32 @!p2 $0x0  }
0x16: {  	s3 =	sld [smem:$0x3FDB];
	s0 =	simm.s32 @p2 $0x1  }
0x17: {  	s4 =	simm.s32 $0x1BF5;
	[smem:$0x3FB4] =	sst s0  }
0x18: {  	s0 =	sld [smem:$0x3F97];
	_ =	swait.ge [sflag:s4], $0x0  }
0x19: {  	s7 =	sld [smem:$0x3F98]  }
0x1a: {  	s8 =	sadd.s32 $0xFFFFE003, lr  }
0x1b: {  	s9 =	sadd.s32 $0xFFFFFEF7, lr;
	s5 =	simm.s32 $0xFFFFFFFF;
	p2 =	slt.u32 s8, $0xFFFFF086  }
0x1c: {  	p1 =	slt.u32 s9, $0xF7A;
	s5 =	simm.s32 @!p2 $0x0  }
0x1d: {  	s5 =	simm.s32 @p1 $0x1;
	p0 =	seq.s32 s7, s2  }
0x1e: {  	s7 =	smul.u32 @!p0 $0xF7A, s2;
	p2 =	seq.s32 @!p0 s5, $0x0  }
0x1f: {  	s9 =	smul.u32 $0xF7A, s1;
	s8 =	simm.s32 @!p0 $0x1BF5;
	p2 =	por !p2, p0  }
0x20: {  	[sflag:s8] =	ssyncset.s32 @!p0 $0xFFFFF086;
	s6 =	sadd.s32 @!p0 s3, s7;
	s7 =	simm.s32 @!p0 $0x108  }
0x21: {  	s3 =	sadd.s32 s3, s9;
	s6 =	sadd.s32 @!p0 $0x88, s6;
	s7 =	simm.s32 @p2 $0x1082  }
0x22: {  	[simem:s7], [sflag:s8] =	dma.local @!p0 [hbm:s6], $0xF7A  }
0x23: {  	s9 =	sor.u32 $0xD0000000, s2;
	s6 =	simm.s32 $0x108;
	_ =	swait.ge @!p0 [sflag:s8], $0x0  }
0x24: {  	s3 =	sadd.s32 $0x88, s3;
	s6 =	simm.s32 @!p1 $0x1082;
	[sflag:s4] =	ssyncset.s32 $0xFFFFF086  }
0x25: {  	[simem:s6], [sflag:s4] =	dma.local [hbm:s3], $0xF7A  }
0x26: {  	[smem:$0x3F98] =	sst s1;
	(tag) =	ssettag s2;
	_ =	strace s9  }
0x27: {  	s1 =	sld [smem:$0x3FA8]  }
0x28: {  	s2 =	sld [smem:$0x3FA9]  }
0x29: {  	s4 =	sld [smem:$0x3FAB]  }
0x2a: {  	p0 =	seq.s32 s5, $0x0;
	s5 =	sld [smem:$0x3FAC]  }
0x2b: {  	s6 =	sld [smem:$0x3FAD]  }
0x2c: {  	s7 =	sld [smem:$0x3FAE]  }
0x2d: {  	s3 =	simm.s32 $0x108;
	s8 =	sld [smem:$0x3FAF]  }
0x2e: {  	s3 =	simm.s32 @!p0 $0x1082;
	s9 =	sld [smem:$0x3FB0]  }
0x2f: {  	lr =	sadd.s32 s0, s3;
	s0 =	sld [smem:$0x3FA7]  }
0x30: {  	s3 =	sld [smem:$0x3FAA]  }
0x31: {  	[smem:$0x3FB3] =	sst s10  }
0x32: {  	s10 =	sld [smem:$0x3FB1];
	_ =	sdelay $0x3  }
0x33: {  	p0 =	seq.s32 s10, $0x1;
	s10 =	sld [smem:$0x3FB3];
	_ =	sdelay $0x3  }
0x34: {  	[smem:$0x3FB3] =	sst s10  }
0x35: {  	s10 =	sld [smem:$0x3FB2];
	_ =	sdelay $0x3  }
0x36: {  	p1 =	seq.s32 s10, $0x1;
	s10 =	sld [smem:$0x3FB3];
	_ =	sdelay $0x3  }
0x37: {  	[smem:$0x3FB3] =	sst s10  }
0x38: {  	s10 =	sld [smem:$0x3FB4]  }
0x39: {  	_ = 	snop;
	(pc) =	sbr.ind lr, $3  }
0x3a: {  	_ = 	snop  }
0x3b: {  	_ = 	snop  }
0x3c: {  	p2 =	seq.s32 s10, $0x1;
	s10 =	sld [smem:$0x3FB3]  }
0x3d: {  	_ =	shalt  }
0x3e: {  	_ =	shalt  }
0x3f: {  	_ =	shalt  }
0x40: {  	_ =	shalt  }
0x41: {  	_ =	shalt  }
0x42: {  	_ =	shalt  }
0x43: {  	_ =	shalt  }
0x44: {  	_ =	shalt  }
0x45: {  	_ =	shalt  }
0x46: {  	_ =	shalt  }
0x47: {  	_ =	shalt  }
0x48: {  	_ =	shalt  }
0x49: {  	_ =	shalt  }
0x4a: {  	_ =	shalt  }
0x4b: {  	_ =	shalt  }
0x4c: {  	_ =	shalt  }
0x4d: {  	_ =	shalt  }
0x4e: {  	_ =	shalt  }
0x4f: {  	_ =	shalt  }
0x50: {  	_ =	shalt  }
0x51: {  	_ =	shalt  }
0x52: {  	_ =	shalt  }
0x53: {  	_ =	shalt  }
0x54: {  	_ =	shalt  }
0x55: {  	_ =	shalt  }
0x56: {  	_ =	shalt  }
0x57: {  	_ =	shalt  }
0x58: {  	_ =	shalt  }
0x59: {  	_ =	shalt  }
0x5a: {  	_ =	shalt  }
0x5b: {  	_ =	shalt  }
0x5c: {  	_ =	shalt  }
0x5d: {  	_ =	shalt  }
0x5e: {  	_ =	shalt  }
0x5f: {  	_ =	shalt  }
0x60: {  	_ =	shalt  }
0x61: {  	_ =	shalt  }
0x62: {  	_ =	shalt  }
0x63: {  	_ =	shalt  }
0x64: {  	_ =	shalt  }
0x65: {  	_ =	shalt  }
0x66: {  	_ =	shalt  }
0x67: {  	_ =	shalt  }
0x68: {  	_ =	shalt  }
0x69: {  	_ =	shalt  }
0x6a: {  	_ =	shalt  }
0x6b: {  	_ =	shalt  }
0x6c: {  	_ =	shalt  }
0x6d: {  	_ =	shalt  }
0x6e: {  	_ =	shalt  }
0x6f: {  	_ =	shalt  }
0x70: {  	_ =	shalt  }
0x71: {  	_ =	shalt  }
0x72: {  	_ =	shalt  }
0x73: {  	_ =	shalt  }
0x74: {  	_ =	shalt  }
0x75: {  	_ =	shalt  }
0x76: {  	_ =	shalt  }
0x77: {  	_ =	shalt  }
0x78: {  	_ =	shalt  }
0x79: {  	_ =	shalt  }
0x7a: {  	_ =	shalt  }
0x7b: {  	_ =	shalt  }
0x7c: {  	_ =	shalt  }
0x7d: {  	_ =	shalt  }
0x7e: {  	_ =	shalt  }
0x7f: {  	_ =	shalt  }
0x80: {  	_ =	shalt  }
0x81: {  	_ =	shalt  }
0x82: {  	_ =	shalt  }
0x83: {  	_ =	shalt  }
0x84: {  	_ =	shalt  }
0x85: {  	_ =	shalt  }
0x86: {  	_ =	shalt  }
0x87: {  	_ =	shalt  }
.Lfunc_end0:
.L_simem_size_0:
called_computation_lowered:
.L_overlay_start_0:
0x88: {  	s2 =	sld [smem:$0x3FD9]  }
0x89: {  	s3 =	sld [smem:$0x3FFE];
	_ =	sdelay $0x1  }
0x8a: {  	s1 =	srdreg.scid  }
0x8b: {  	s0 =	sand.u32 $0x1, s1  }
0x8c: {  	s17 =	sshll.u32 s0, $0xA;
	s2 =	sadd.s32 s3, s2  }
0x8d: {  	s2 =	sadd.s32 s2, s17  }
0x8e: {  	[smem:$0x3FBF] =	sst s2  }
0x8f: {  	_ = 	snop  }
0x90: {  	s2 =	sld [smem:$0x3FC9];
	(tm) =	ssettm $0x1  }
0x91: {  	s18 =	sld [smem:$0x3FFB];
	_ =	sdelay $0x3  }
0x92: {  	_ =	strace s18  }
0x93: {  	s3 =	sld [smem:$0x3FFC];
	_ =	sdelay $0x3  }
0x94: {  	_ =	strace s3  }
0x95: {  	s3 =	sld [smem:$0x3FFD];
	_ =	sdelay $0x3  }
0x96: {  	_ =	strace s3  }
0x97: {  	_ =	strace $0x8FFFFFFF  }
0x98: {  	s19 =	sld [smem:$0x3FDB];
	_ =	sdelay $0x1  }
0x99: {  	s4 =	simm.s32 $_scs_section_size  }
0x9a: {  	s5 =	simm.s32 $_size__tile_overlayer_lowered;
	s6 =	simm.s32 $_tile_overlayer_lowered  }
0x9b: {  	s22 =	simm.s32 $0x1BFF;
	s21 =	sshll.u32 s6, $0x1;
	s3 =	sadd.s32 s4, s19  }
0x9c: {  	s7 =	simm.s32 $0x0;
	s20 =	sshll.u32 s5, $0x1;
	s5 =	sadd.s32 s21, s3  }
0x9d: {  	[timem:s7], [sflag:s22] =	dma.local [hbm:s5], s20  }
0x9e: {  	_ =	swait.ge [sflag:s22], s20  }
0x9f: {  	s4 =	ssub.s32 $0x0, s20;
	[sflag:s22] =	ssyncset.done $0x0  }
0xa0: {  	[sflag:s22] =	ssyncadd.s32 s4;
	_ =	sdelay $0x1  }
0xa1: {  	s23 =	simm.s32 $0x1B8B  }
0xa2: {  	_ =	swait.ge [sflag:s23], $0x1  }
0xa3: {  	[sflag:s23] =	ssyncset.done $0x0  }
0xa4: {  	s25 =	simm.s32 $0x1B8E;
	s24 =	sld [smem:$0x3FFE];
	[sflag:s23] =	ssyncadd.s32 $0xFFFFFFFF  }
0xa5: {  	s26 =	simm.s32 $execute0_lowered;
	[smem:$0x3FD2] =	sst s25  }
0xa6: {  	s5 =	sshll.u32 s26, $0x1;
	_ =	strace $0x80000046;
	[dreg:$0x1] =	wrdreg $0xFFFFFFFF  }
0xa7: {  	s28 =	simm.s32 $_size_execute0_lowered;
	s3 =	sadd.s32 s3, s5;
	[dreg:$0x0] =	wrdreg $0x0  }
0xa8: {  	s5 =	sshll.u32 s28, $0x1;
	[dreg:$0x2] =	wrdreg s3  }
0xa9: {  	[dreg:$0x3] =	wrdreg s5  }
0xaa: {  	[dreg:$0x4] =	wrdreg $0xC0  }
0xab: {  	_ =	task [dreg:s7], $0x5FFFF  }
0xac: {  	[dreg:$0x1] =	wrdreg $0xFFFFFFFF  }
0xad: {  	[dreg:$0x0] =	wrdreg $0x60  }
0xae: {  	[dreg:$0x2] =	wrdreg s2  }
0xaf: {  	[dreg:$0x3] =	wrdreg s24  }
0xb0: {  	[dreg:$0x4] =	wrdreg $0x9  }
0xb1: {  	_ =	task.clear_ibuf [dreg:s7], $0x5FFFF;
	_ =	strace $0x90000046  }
0xb2: {  	s29 =	simm.s32 $0x9;
	_ =	strace $0x80000048  }
0xb3: {  	_ =	swait.ge [sflag:s29], $0x1  }
0xb4: {  	[sflag:s29] =	ssyncadd.s32 $0xFFFFFFFF  }
0xb5: {  	_ =	strace $0x90000048  }
0xb6: {  	_ =	sfence  }
0xb7: {  	s30 =	sld [smem:$0x0];
	_ =	sdelay $0x2  }
0xb8: {  	s31 =	sshll.u32 s1, $0xD;
	s1 =	sshrl.u32 s1, $0x2  }
0xb9: {  	s3 =	sand.u32 $0x4000, s31;
	s1 =	sadd.s32 s1, s30  }
0xba: {  	s0 =	sor.u32 s3, s0;
	s1 =	sshll.u32 s1, $0x11  }
0xbb: {  	s0 =	sor.u32 s1, s0  }
0xbc: {  	s0 =	sadd.s32 $0x8F2B, s0  }
0xbd: {  	[sflag:s0] =	ssyncadd.remote.s32 $0x1  }
0xbe: {  	_ =	sfence.sel $0xFFFF  }
0xbf: {  	[dreg:$0x0] =	wrdreg $0xFFFFFFFF;
	(pc) =	sbr.abs _section_cstart, $3  }
0xc0: {  	[dreg:$0x1] =	wrdreg $0xFFFFFFFF  }
0xc1: {  	_ =	task.clear_ibuf [dreg:s7], $0x2FFFF;
	_ =	strace $0x9FFFFFFF  }
0xc2: {  	(tm) =	ssettm $0x7FFFFFFF  }
0xc3: {  	_ =	shalt  }
tec
execute0_lowered:
.L_overlay_start_1:
0x0: {  	(tag) =	ssettag $0x1  }
0x1: {  	s1 =	srdreg.scid;
	s0 =	stileid.u32  }
0x2: {  	s5 =	sand.u32 $0x1, s1;
	s29 =	sshll.u32 s0, $0x1  }
0x3: {  	s1 =	sor.u32 s5, s29  }
0x4: {  	s3 =	rddreg [dreg:$0x0];
	s2 =	smul.u32 $0x14, s1  }
0x5: {  	s6 =	rddreg [dreg:$0x1];
	s4 =	simm.s32 $0x0;
	s10 =	simm.s32 $0x2000  }
0x6: {  	s11 =	simm.s32 $0x10000;
	s12 =	simm.s32 $0xA000;
	s1 =	sshrl.u32 s2, $0x3  }
0x7: {  	s13 =	simm.s32 $0x1;
	s14 =	simm.s32 $0x2;
	s7 =	smul.u32 $0x50000, s1  }
0x8: {  	s15 =	simm.s32 $0x0;
	s8 =	sshll.u32 s5, $0xF;
	s9 =	ssub.s32 $0x2, s5  }
0x9: {  	[smem:$0x7FF] =	sst s4;
	s31 =	sshrl.u32 s9, $0x1;
	s30 =	sor.u32 s8, s7  }
0xa: {  	s5 =	sadd.s32 $0x1A00, s6;
	s9 =	ssub.s32 s9, s31;
	s8 =	sshrl.u32 s30, $0x3  }
0xb: {  	s9 =	smax.u32 s9, $0x1;
	s1 =	rddreg [dreg:$0x2];
	s6 =	sadd.s32 s3, s8  }
0xc: {  	v0 =	vimm.f32 $0.0e+00;
	_ =	strace $0x80000047;
	s8 =	sor.u32 $0x2, s2;
	s7 =	sadd.s32 $0x400, s6  }
.LBB2_1:
0xd: {  	[tilespmem:s4], [sflag:$0x1] =	stream.strided.gather [hbm4b:s6+s10], $0xA000, s11, s10, $0x38;
	v1 =	vimm.f32 $0.0e+00;
	v3 =	vimm.f32 $0.0e+00;
	[tilespmem:$0x14080] =	vst v63  }
0xe: {  	v5 =	vimm.f32 $0.0e+00;
	v4 =	vimm.f32 $0.0e+00;
	v6 =	vimm.f32 $0.0e+00;
	s16 =	simm.s32 $0x0  }
0xf: {  	v17 =	vimm.f32 $0.0e+00;
	v19 =	vimm.f32 $0.0e+00;
	v16 =	vimm.f32 $0.0e+00;
	[tilespmem:s12], [sflag:$0x2] =	stream.strided.gather [hbm4b:s7+s10], $0xA000, s11, s10, $0x38;
	[tilespmem:$0x14080] =	vst v63  }
.LBB2_2:
0x10: {  	_ =	swait.ge [sflag:s13], $0xA000;
	s17 =	simm.s32 $0x0  }
0x11: {  	[sflag:s13] =	ssyncset.done $0x0;
	s18 =	sand.u32 $0x1800, s17;
	s17 =	sand.u32 $0x380, s17  }
0x12: {  	[sflag:s13] =	ssyncadd.s32 $0xFFFF6000;
	s17 =	sor.u32 s17, s18  }
0x13: {  	v2 =	vld [tilespmem:s17+$0x8020]  }
0x14: {  	v7 =	vld [tilespmem:s17+$0x6020]  }
0x15: {  	v8 =	vld [tilespmem:s17+$0x30]  }
0x16: {  	v9 =	vld [tilespmem:s17+$0x2020]  }
0x17: {  	v10 =	vld [tilespmem:s17+$0x20]  }
0x18: {  	v11 =	vld [tilespmem:s17+$0x2030]  }
0x19: {  	v15 =	vld [tilespmem:s17+$0x6030]  }
0x1a: {  	v12 =	vld [tilespmem:s17+$0x4030]  }
0x1b: {  	v13 =	vld [tilespmem:s17+$0x4020]  }
0x1c: {  	v14 =	vld [tilespmem:s17+$0x2000]  }
0x1d: {  	v18 =	vld [tilespmem:s17+$0x6000]  }
0x1e: {  	v20 =	vld [tilespmem:s17+$0x4010]  }
0x1f: {  	v21 =	vld [tilespmem:s17+$0x6010]  }
0x20: {  	v22 =	vld [tilespmem:s17+$0x0]  }
0x21: {  	v23 =	vld [tilespmem:s17+$0x2010]  }
0x22: {  	v24 =	vld [tilespmem:s17+$0x4000]  }
0x23: {  	v25 =	vld [tilespmem:s17+$0x10]  }
0x24: {  	v29 =	vld [tilespmem:s17+$0x8000];
	v26 =	vmax.f32 v12, v15;
	v10 =	vmax.f32 v10, v9;
	v27 =	vmax.f32 v13, v7  }
0x25: {  	v22 =	vmax.f32 v22, v14;
	v8 =	vmax.f32 v8, v11;
	v10 =	vmax.f32 v10, v27  }
0x26: {  	v28 =	vld [tilespmem:s17+$0x40];
	v30 =	vmax.f32 v20, v21;
	v8 =	vmax.f32 v8, v26;
	v10 =	vmax.f32 v10, v2  }
0x27: {  	v27 =	vld [tilespmem:s17+$0x8010];
	v26 =	vmax.f32 v24, v18;
	vm0 =	veq.f32 v9, v10;
	vm1 =	veq.f32 v13, v10  }
0x28: {  	v31 =	vld [tilespmem:s17+$0x2040];
	v9 =	vmax.f32 v25, v23;
	v13 =	vmax.f32 v22, v26;
	vm2 =	veq.f32 v7, v10  }
0x29: {  	v32 =	vld [tilespmem:s17+$0x6040];
	v25 =	vsel vm0, $0x3F800000, v0;
	vm0 =	veq.f32 v2, v10;
	v13 =	vmax.f32 v13, v29  }
0x2a: {  	v2 =	vld [tilespmem:s17+$0x8030];
	v9 =	vmax.f32 v9, v30;
	v30 =	vsel vm2, $0x3F800000, v0;
	v10 =	vsel vm0, $0x3F800000, v0  }
0x2b: {  	v7 =	vld [tilespmem:s17+$0x4040];
	vm0 =	veq.f32 v18, v13;
	vm2 =	veq.f32 v29, v13;
	vm5 =	veq.f32 v14, v13  }
0x2c: {  	v22 =	vld [tilespmem:s17+$0x60];
	v29 =	vsel vm1, $0x3F800000, v0;
	v18 =	vmax.f32 v9, v27;
	v33 =	vsel vm5, $0x3F800000, v0  }
0x2d: {  	v14 =	vld [tilespmem:s17+$0x6050];
	v35 =	vsel vm0, $0x3F800000, v0;
	vm3 =	veq.f32 v23, v18;
	vm4 =	veq.f32 v21, v18  }
0x2e: {  	v21 =	vmax.f32 v28, v31;
	v28 =	vld [tilespmem:s17+$0x50];
	vm0 =	veq.f32 v20, v18;
	v23 =	vsel vm3, $0x3F800000, v0  }
0x2f: {  	vm3 =	veq.f32 v24, v13;
	v24 =	vsel vm2, $0x3F800000, v0;
	v13 =	vld [tilespmem:s17+$0x2050];
	v26 =	vmax.f32 v8, v2  }
0x30: {  	vm2 =	veq.f32 v27, v18;
	v27 =	vsel vm4, $0x3F800000, v0;
	v8 =	vld [tilespmem:s17+$0x2060];
	vm1 =	veq.f32 v12, v26  }
0x31: {  	v9 =	vld [tilespmem:s17+$0x4050];
	v34 =	vmax.f32 v7, v32;
	v12 =	vsel vm1, $0x3F800000, v0;
	vm1 =	veq.f32 v2, v26  }
0x32: {  	v36 =	vld [tilespmem:s17+$0x8040];
	v62 =	vsel vm0, $0x3F800000, v0;
	v18 =	vsel vm1, $0x3F800000, v0;
	vm1 =	veq.f32 v11, v26  }
0x33: {  	v2 =	vld [tilespmem:s17+$0x4060];
	v20 =	vadd.f32 v12, v29;
	v12 =	vadd.f32 v18, v10;
	v11 =	vsel vm1, $0x3F800000, v0  }
0x34: {  	v10 =	vld [tilespmem:s17+$0x6060];
	vm1 =	veq.f32 v15, v26;
	v15 =	vmax.f32 v21, v34;
	v26 =	vsel vm2, $0x3F800000, v0  }
0x35: {  	v18 =	vld [tilespmem:s17+$0x8050];
	v28 =	vmax.f32 v28, v13;
	v37 =	vmax.f32 v22, v8;
	v22 =	vsel vm3, $0x3F800000, v0  }
0x36: {  	v29 =	vsel vm1, $0x3F800000, v0;
	v21 =	vadd.f32 v11, v25;
	v25 =	vmax.f32 v9, v14;
	v11 =	vld [tilespmem:s17+$0x6070]  }
0x37: {  	v34 =	vadd.f32 v62, v22;
	v22 =	vadd.f32 v26, v24;
	v26 =	vmax.f32 v15, v36;
	v15 =	vld [tilespmem:s17+$0x4070]  }
0x38: {  	v35 =	vadd.f32 v27, v35;
	v27 =	vld [tilespmem:s17+$0x8060];
	v24 =	vmax.f32 v28, v25;
	v29 =	vadd.f32 v29, v30  }
0x39: {  	v25 =	vld [tilespmem:s17+$0x70];
	v30 =	vadd.f32 v23, v33;
	vm1 =	veq.f32 v31, v26;
	vm2 =	veq.f32 v36, v26  }
0x3a: {  	vm0 =	veq.f32 v32, v26;
	v31 =	vadd.f32 v35, v17;
	v28 =	vadd.f32 v34, v19;
	v19 =	vld [tilespmem:s17+$0x2070]  }
0x3b: {  	v17 =	vsel vm2, $0x3F800000, v0;
	v16 =	vadd.f32 v30, v16;
	v63 =	vmax.f32 v2, v10  }
0x3c: {  	s21 =	simm.s32 $0x100;
	s18 =	simm.s32 $0x80;
	v23 =	vld [tilespmem:s17+$0x8070];
	v24 =	vmax.f32 v24, v18;
	v32 =	vmax.f32 v37, v63;
	v30 =	vmax.f32 v15, v11  }
.LBB2_3:
0x3d: {  	s19 =	smov.u32 s21  }
0x3e: {  	s20 =	sand.u32 $0x1800, s21;
	s22 =	sand.u32 $0x380, s18;
	v20 =	vadd.f32 v20, v28;
	v28 =	vadd.f32 v29, v31;
	v29 =	vsel vm1, $0x3F800000, v0;
	s19 =	sadd.s32 $0x100, s21  }
0x3f: {  	p0 =	sne.s32 s21, $0x1F00;
	vm2 =	veq.f32 v7, v26;
	v25 =	vmax.f32 v25, v19;
	s20 =	sor.u32 s22, s20;
	v7 =	vmax.f32 v32, v27  }
0x40: {  	vm4 =	veq.f32 v13, v24;
	v13 =	vmax.f32 v25, v30;
	vm5 =	veq.f32 v27, v7;
	v26 =	vld [tilespmem:s20+$0x8020]  }
0x41: {  	vm3 =	veq.f32 v14, v24;
	v21 =	vadd.f32 v21, v16;
	v13 =	vmax.f32 v13, v23;
	v25 =	vld [tilespmem:s20+$0x6020]  }
0x42: {  	v6 =	vadd.f32 v22, v6;
	vm6 =	veq.f32 v18, v24;
	vm1 =	veq.f32 v8, v7;
	v14 =	vld [tilespmem:s20+$0x30]  }
0x43: {  	v18 =	vsel vm4, $0x3F800000, v0;
	vm4 =	veq.f32 v9, v24;
	v9 =	vsel vm6, $0x3F800000, v0;
	v8 =	vld [tilespmem:s20+$0x2020]  }
0x44: {  	v24 =	vsel vm0, $0x3F800000, v0;
	v6 =	vadd.f32 v12, v6;
	v27 =	vsel vm4, $0x3F800000, v0;
	v22 =	vld [tilespmem:s20+$0x20]  }
0x45: {  	v30 =	vsel vm5, $0x3F800000, v0;
	vm0 =	veq.f32 v19, v13;
	vm4 =	veq.f32 v23, v13;
	v12 =	vld [tilespmem:s20+$0x2030]  }
0x46: {  	v18 =	vadd.f32 v18, v29;
	vm5 =	veq.f32 v10, v7;
	vm6 =	veq.f32 v15, v13;
	v16 =	vld [tilespmem:s20+$0x6030]  }
0x47: {  	v15 =	vsel vm2, $0x3F800000, v0;
	v19 =	vsel vm5, $0x3F800000, v0;
	v23 =	vsel vm4, $0x3F800000, v0;
	v10 =	vld [tilespmem:s20+$0x4030]  }
0x48: {  	v9 =	vadd.f32 v9, v17;
	v17 =	vsel vm0, $0x3F800000, v0;
	vm0 =	veq.f32 v11, v13;
	v29 =	vld [tilespmem:s20+$0x4020]  }
0x49: {  	vm2 =	veq.f32 v2, v7;
	v13 =	vsel vm3, $0x3F800000, v0;
	v2 =	vsel vm0, $0x3F800000, v0;
	v11 =	vld [tilespmem:s20+$0x2000]  }
0x4a: {  	v7 =	vadd.f32 v13, v24;
	v13 =	vsel vm6, $0x3F800000, v0;
	v2 =	vadd.f32 v2, v19;
	v31 =	vld [tilespmem:s20+$0x6000]  }
0x4b: {  	v15 =	vadd.f32 v27, v15;
	v24 =	vsel vm1, $0x3F800000, v0;
	v23 =	vadd.f32 v23, v30;
	v19 =	vld [tilespmem:s20+$0x4010]  }
0x4c: {  	v18 =	vadd.f32 v18, v21;
	v6 =	vadd.f32 v9, v6;
	v27 =	vld [tilespmem:s20+$0x6010];
	v30 =	vmax.f32 v10, v16  }
0x4d: {  	v15 =	vadd.f32 v15, v20;
	v20 =	vsel vm2, $0x3F800000, v0;
	v17 =	vadd.f32 v17, v24;
	v9 =	vld [tilespmem:s20+$0x0]  }
0x4e: {  	v7 =	vadd.f32 v7, v28;
	v6 =	vadd.f32 v23, v6;
	v21 =	vld [tilespmem:s20+$0x2010]  }
0x4f: {  	v13 =	vadd.f32 v13, v20;
	v32 =	vadd.f32 v17, v18;
	v23 =	vld [tilespmem:s20+$0x4000]  }
0x50: {  	v33 =	vadd.f32 v2, v7;
	v17 =	vld [tilespmem:s20+$0x10]  }
0x51: {  	v24 =	vadd.f32 v13, v15;
	v2 =	vmax.f32 v22, v8;
	v7 =	vmax.f32 v29, v25;
	v18 =	vld [tilespmem:s20+$0x40]  }
0x52: {  	v2 =	vmax.f32 v2, v7;
	v7 =	vmax.f32 v14, v12;
	v13 =	vld [tilespmem:s20+$0x8000];
	v9 =	vmax.f32 v9, v11  }
0x53: {  	v2 =	vmax.f32 v2, v26;
	v20 =	vmax.f32 v7, v30;
	v15 =	vmax.f32 v19, v27;
	v14 =	vld [tilespmem:s20+$0x8010]  }
0x54: {  	vm1 =	veq.f32 v8, v2;
	vm0 =	veq.f32 v29, v2;
	v7 =	vmax.f32 v23, v31;
	v28 =	vld [tilespmem:s20+$0x2040]  }
0x55: {  	v8 =	vmax.f32 v17, v21;
	v17 =	vsel vm1, $0x3F800000, v0;
	vm1 =	veq.f32 v26, v2;
	v22 =	vld [tilespmem:s20+$0x8030]  }
0x56: {  	vm2 =	veq.f32 v25, v2;
	v9 =	vmax.f32 v9, v7;
	v25 =	vsel vm1, $0x3F800000, v0;
	v7 =	vld [tilespmem:s20+$0x4040]  }
0x57: {  	v29 =	vsel vm2, $0x3F800000, v0;
	v8 =	vmax.f32 v8, v15;
	v2 =	vmax.f32 v9, v13;
	v30 =	vld [tilespmem:s20+$0x6040]  }
0x58: {  	vm1 =	veq.f32 v31, v2;
	vm2 =	veq.f32 v13, v2;
	v15 =	vmax.f32 v8, v14;
	v26 =	vld [tilespmem:s20+$0x50]  }
0x59: {  	vm3 =	veq.f32 v21, v15;
	vm4 =	veq.f32 v27, v15;
	v18 =	vmax.f32 v18, v28;
	v21 =	vld [tilespmem:s20+$0x60]  }
0x5a: {  	vm5 =	veq.f32 v11, v2;
	v31 =	vsel vm3, $0x3F800000, v0;
	v11 =	vmax.f32 v20, v22;
	v8 =	vld [tilespmem:s20+$0x2060]  }
0x5b: {  	v34 =	vsel vm5, $0x3F800000, v0;
	v20 =	vsel vm0, $0x3F800000, v0;
	vm0 =	veq.f32 v10, v11;
	v27 =	vld [tilespmem:s20+$0x8040]  }
0x5c: {  	vm3 =	veq.f32 v23, v2;
	v23 =	vsel vm2, $0x3F800000, v0;
	vm2 =	veq.f32 v14, v15;
	v13 =	vld [tilespmem:s20+$0x2050]  }
0x5d: {  	v35 =	vsel vm4, $0x3F800000, v0;
	v2 =	vsel vm0, $0x3F800000, v0;
	v36 =	vmax.f32 v7, v30;
	v9 =	vld [tilespmem:s20+$0x4050]  }
0x5e: {  	v37 =	vsel vm1, $0x3F800000, v0;
	vm1 =	veq.f32 v22, v11;
	vm0 =	veq.f32 v19, v15;
	v14 =	vld [tilespmem:s20+$0x6050]  }
0x5f: {  	v10 =	vsel vm1, $0x3F800000, v0;
	v20 =	vadd.f32 v2, v20;
	v2 =	vld [tilespmem:s20+$0x4060];
	v38 =	vmax.f32 v21, v8  }
0x60: {  	v15 =	vsel vm3, $0x3F800000, v0;
	vm1 =	veq.f32 v12, v11;
	v12 =	vadd.f32 v10, v25;
	v10 =	vld [tilespmem:s20+$0x6060]  }
0x61: {  	v19 =	vsel vm1, $0x3F800000, v0;
	vm1 =	veq.f32 v16, v11;
	v16 =	vmax.f32 v18, v36;
	v18 =	vld [tilespmem:s20+$0x8050]  }
0x62: {  	v22 =	vsel vm2, $0x3F800000, v0;
	v36 =	vsel vm1, $0x3F800000, v0;
	v39 =	vmax.f32 v26, v13;
	v25 =	vld [tilespmem:s20+$0x70]  }
0x63: {  	v21 =	vadd.f32 v19, v17;
	v26 =	vsel vm0, $0x3F800000, v0;
	v17 =	vmax.f32 v9, v14;
	v11 =	vld [tilespmem:s20+$0x6070]  }
0x64: {  	v22 =	vadd.f32 v22, v23;
	v40 =	vadd.f32 v26, v15;
	v26 =	vmax.f32 v16, v27;
	v15 =	vld [tilespmem:s20+$0x4070]  }
.Ltmp0:
0x65: {  	v16 =	vadd.f32 v35, v37;
	vm1 =	veq.f32 v28, v26;
	v17 =	vmax.f32 v39, v17;
	v19 =	vld [tilespmem:s20+$0x2070];
	(pc) =	sbr.rel @p0 .LBB2_3-.Ltmp0, $4  }
0x66: {  	v29 =	vadd.f32 v36, v29;
	vm2 =	veq.f32 v27, v26;
	v28 =	vadd.f32 v40, v24;
	v27 =	vld [tilespmem:s20+$0x8060]  }
0x67: {  	v34 =	vadd.f32 v31, v34;
	vm0 =	veq.f32 v30, v26;
	v24 =	vmax.f32 v17, v18  }
0x68: {  	v31 =	vadd.f32 v16, v33;
	v30 =	vmax.f32 v2, v10;
	v17 =	vsel vm2, $0x3F800000, v0;
	v23 =	vld [tilespmem:s20+$0x8070]  }
0x69: {  	s18 =	sadd.s32 $0x80, s18;
	s21 =	smov.u32 s19;
	v16 =	vadd.f32 v34, v32;
	v32 =	vmax.f32 v38, v30;
	v30 =	vmax.f32 v15, v11  }
0x6a: {  	v20 =	vadd.f32 v20, v28;
	v28 =	vadd.f32 v29, v31  }
0x6b: {  	v29 =	vsel vm1, $0x3F800000, v0;
	vm2 =	veq.f32 v7, v26;
	vm3 =	veq.f32 v13, v24;
	v13 =	vld [tilespmem:s17+$0x8420]  }
0x6c: {  	v25 =	vmax.f32 v25, v19;
	vm5 =	veq.f32 v14, v24;
	v14 =	vld [tilespmem:s17+$0x6420];
	v6 =	vadd.f32 v22, v6  }
0x6d: {  	vm6 =	veq.f32 v18, v24;
	v18 =	vld [tilespmem:s17+$0x430];
	v7 =	vmax.f32 v32, v27;
	v25 =	vmax.f32 v25, v30  }
0x6e: {  	v31 =	vld [tilespmem:s17+$0x2400];
	v16 =	vadd.f32 v21, v16;
	v22 =	vsel vm6, $0x3F800000, v0;
	vm4 =	veq.f32 v27, v7  }
0x6f: {  	vm1 =	veq.f32 v8, v7;
	v8 =	vsel vm3, $0x3F800000, v0;
	vm3 =	veq.f32 v9, v24;
	v9 =	vld [tilespmem:s17+$0x2420]  }
0x70: {  	v6 =	vadd.f32 v12, v6;
	v12 =	vsel vm0, $0x3F800000, v0;
	v24 =	vld [tilespmem:s17+$0x420];
	vm12 =	veq.f32 v10, v7  }
0x71: {  	v10 =	vsel vm2, $0x3F800000, v0;
	v27 =	vld [tilespmem:s17+$0x4430];
	v17 =	vadd.f32 v22, v17;
	v21 =	vmax.f32 v25, v23  }
0x72: {  	v22 =	vsel vm5, $0x3F800000, v0;
	v25 =	vsel vm3, $0x3F800000, v0;
	vm0 =	veq.f32 v19, v21;
	v19 =	vld [tilespmem:s17+$0x2430]  }
0x73: {  	v26 =	vsel vm4, $0x3F800000, v0;
	v8 =	vadd.f32 v8, v29;
	vm3 =	veq.f32 v23, v21;
	v23 =	vld [tilespmem:s17+$0x6430]  }
0x74: {  	vm13 =	veq.f32 v15, v21;
	v15 =	vsel vm12, $0x3F800000, v0;
	vm2 =	veq.f32 v11, v21;
	v11 =	vld [tilespmem:s17+$0x4420]  }
0x75: {  	v10 =	vadd.f32 v25, v10;
	v25 =	vld [tilespmem:s17+$0x4410];
	v6 =	vadd.f32 v17, v6;
	v21 =	vsel vm0, $0x3F800000, v0  }
0x76: {  	v30 =	vsel vm2, $0x3F800000, v0;
	vm0 =	veq.f32 v2, v7;
	v2 =	vadd.f32 v22, v12;
	v12 =	vld [tilespmem:s17+$0x6400]  }
0x77: {  	v29 =	vsel vm3, $0x3F800000, v0;
	v8 =	vadd.f32 v8, v16;
	v16 =	vld [tilespmem:s17+$0x6410];
	v7 =	vadd.f32 v30, v15  }
0x78: {  	v15 =	vsel vm13, $0x3F800000, v0;
	v22 =	vadd.f32 v29, v26;
	v26 =	vsel vm1, $0x3F800000, v0;
	v30 =	vld [tilespmem:s17+$0x2440]  }
0x79: {  	v10 =	vadd.f32 v10, v20;
	v17 =	vsel vm0, $0x3F800000, v0;
	v20 =	vadd.f32 v21, v26;
	v21 =	vld [tilespmem:s17+$0x400]  }
0x7a: {  	v26 =	vadd.f32 v2, v28;
	v15 =	vadd.f32 v15, v17;
	v17 =	vld [tilespmem:s17+$0x2410]  }
0x7b: {  	v28 =	vld [tilespmem:s17+$0x8400];
	v2 =	vadd.f32 v22, v6  }
0x7c: {  	v22 =	vmax.f32 v24, v9;
	v6 =	vadd.f32 v20, v8;
	v20 =	vld [tilespmem:s17+$0x4400];
	v7 =	vadd.f32 v7, v26  }
0x7d: {  	v8 =	vadd.f32 v15, v10;
	v10 =	vld [tilespmem:s17+$0x410];
	v15 =	vmax.f32 v27, v23;
	v24 =	vmax.f32 v11, v14  }
0x7e: {  	v26 =	vld [tilespmem:s17+$0x440];
	v18 =	vmax.f32 v18, v19;
	v22 =	vmax.f32 v22, v24;
	v29 =	vmax.f32 v25, v16  }
0x7f: {  	v24 =	vld [tilespmem:s17+$0x8410];
	v15 =	vmax.f32 v18, v15;
	v22 =	vmax.f32 v22, v13;
	v21 =	vmax.f32 v21, v31  }
0x80: {  	vm0 =	veq.f32 v9, v22;
	vm1 =	veq.f32 v11, v22;
	vm2 =	veq.f32 v14, v22  }
0x81: {  	v62 =	vsel vm0, $0x3F800000, v0;
	vm0 =	veq.f32 v13, v22;
	v13 =	vld [tilespmem:s17+$0x8430];
	v18 =	vmax.f32 v20, v12  }
0x82: {  	v9 =	vmax.f32 v10, v17;
	v14 =	vsel vm0, $0x3F800000, v0;
	v11 =	vmax.f32 v21, v18  }
0x83: {  	v33 =	vld [tilespmem:s17+$0x6440];
	v9 =	vmax.f32 v9, v29;
	v29 =	vsel vm2, $0x3F800000, v0;
	v18 =	vmax.f32 v11, v28  }
0x84: {  	v22 =	vld [tilespmem:s17+$0x460];
	v21 =	vmax.f32 v26, v30;
	v9 =	vmax.f32 v9, v24;
	vm0 =	veq.f32 v12, v18  }
0x85: {  	v10 =	vld [tilespmem:s17+$0x4440];
	vm2 =	veq.f32 v28, v18;
	vm3 =	veq.f32 v17, v9;
	vm14 =	veq.f32 v16, v9  }
0x86: {  	v11 =	vld [tilespmem:s17+$0x2460];
	vm15 =	veq.f32 v31, v18;
	v31 =	vsel vm3, $0x3F800000, v0;
	v26 =	vmax.f32 v15, v13  }
0x87: {  	v28 =	vld [tilespmem:s17+$0x450];
	v34 =	vsel vm15, $0x3F800000, v0;
	v15 =	vsel vm1, $0x3F800000, v0;
	vm3 =	veq.f32 v20, v18  }
0x88: {  	v16 =	vld [tilespmem:s17+$0x2450];
	v18 =	vsel vm2, $0x3F800000, v0;
	vm2 =	veq.f32 v24, v9;
	v24 =	vsel vm14, $0x3F800000, v0  }
0x89: {  	v12 =	vld [tilespmem:s17+$0x4450];
	v35 =	vsel vm0, $0x3F800000, v0;
	vm0 =	veq.f32 v25, v9;
	vm1 =	veq.f32 v27, v26  }
0x8a: {  	v17 =	vld [tilespmem:s17+$0x6450];
	v27 =	vmax.f32 v10, v33;
	v20 =	vsel vm1, $0x3F800000, v0;
	vm1 =	veq.f32 v13, v26  }
0x8b: {  	v36 =	vld [tilespmem:s17+$0x8440];
	v25 =	vsel vm2, $0x3F800000, v0;
	v13 =	vsel vm1, $0x3F800000, v0;
	v20 =	vadd.f32 v20, v15  }
0x8c: {  	v9 =	vld [tilespmem:s17+$0x4460];
	v37 =	vmax.f32 v22, v11;
	v22 =	vsel vm3, $0x3F800000, v0;
	vm1 =	veq.f32 v19, v26  }
0x8d: {  	v19 =	vld [tilespmem:s17+$0x8450];
	v15 =	vadd.f32 v13, v14;
	v14 =	vsel vm1, $0x3F800000, v0;
	vm1 =	veq.f32 v23, v26  }
0x8e: {  	v13 =	vld [tilespmem:s17+$0x6460];
	v23 =	vmax.f32 v21, v27;
	v28 =	vmax.f32 v28, v16;
	v26 =	vsel vm0, $0x3F800000, v0  }
0x8f: {  	v63 =	vmax.f32 v12, v17;
	v27 =	vsel vm1, $0x3F800000, v0;
	v21 =	vadd.f32 v14, v62;
	v14 =	vld [tilespmem:s17+$0x6470]  }
0x90: {  	v38 =	vadd.f32 v26, v22;
	v22 =	vadd.f32 v25, v18;
	v26 =	vmax.f32 v23, v36;
	v18 =	vld [tilespmem:s17+$0x4470]  }
0x91: {  	v23 =	vadd.f32 v24, v35;
	v24 =	vmax.f32 v28, v63;
	v25 =	vld [tilespmem:s17+$0x470];
	vm1 =	veq.f32 v30, v26  }
0x92: {  	v29 =	vadd.f32 v27, v29;
	vm2 =	veq.f32 v36, v26;
	v30 =	vadd.f32 v31, v34;
	v27 =	vld [tilespmem:s17+$0x8460]  }
0x93: {  	vm0 =	veq.f32 v33, v26;
	v28 =	vadd.f32 v38, v5;
	v5 =	vld [tilespmem:s17+$0x2470];
	v32 =	vadd.f32 v23, v3  }
0x94: {  	v3 =	vsel vm2, $0x3F800000, v0;
	v24 =	vmax.f32 v24, v19;
	v31 =	vmax.f32 v9, v13  }
0x95: {  	s20 =	simm.s32 $0x100;
	v23 =	vld [tilespmem:s17+$0x8470];
	s17 =	simm.s32 $0x80;
	v4 =	vadd.f32 v30, v4;
	v31 =	vmax.f32 v37, v31;
	v30 =	vmax.f32 v18, v14  }
.LBB2_5:
0x96: {  	s18 =	smov.u32 s20  }
0x97: {  	s19 =	sand.u32 $0x1800, s20;
	s21 =	sand.u32 $0x380, s17;
	v20 =	vadd.f32 v20, v28;
	v28 =	vadd.f32 v29, v32;
	v29 =	vsel vm1, $0x3F800000, v0;
	s18 =	sadd.s32 $0x100, s20  }
0x98: {  	p0 =	sne.s32 s20, $0x1F00;
	vm2 =	veq.f32 v10, v26;
	v25 =	vmax.f32 v25, v5;
	s19 =	sor.u32 s21, s19;
	v10 =	vmax.f32 v31, v27  }
0x99: {  	vm4 =	veq.f32 v16, v24;
	v16 =	vmax.f32 v25, v30;
	vm5 =	veq.f32 v27, v10;
	v26 =	vld [tilespmem:s19+$0x8420]  }
0x9a: {  	vm3 =	veq.f32 v17, v24;
	v21 =	vadd.f32 v21, v4;
	v16 =	vmax.f32 v16, v23;
	v25 =	vld [tilespmem:s19+$0x6420]  }
0x9b: {  	v1 =	vadd.f32 v22, v1;
	vm6 =	veq.f32 v19, v24;
	vm1 =	veq.f32 v11, v10;
	v17 =	vld [tilespmem:s19+$0x430]  }
0x9c: {  	v19 =	vsel vm4, $0x3F800000, v0;
	vm4 =	veq.f32 v12, v24;
	v12 =	vsel vm6, $0x3F800000, v0;
	v11 =	vld [tilespmem:s19+$0x2420]  }
0x9d: {  	v1 =	vadd.f32 v15, v1;
	v15 =	vsel vm0, $0x3F800000, v0;
	v24 =	vsel vm4, $0x3F800000, v0;
	v22 =	vld [tilespmem:s19+$0x420]  }
0x9e: {  	v27 =	vsel vm5, $0x3F800000, v0;
	vm0 =	veq.f32 v5, v16;
	vm4 =	veq.f32 v23, v16;
	v4 =	vld [tilespmem:s19+$0x2430]  }
0x9f: {  	v19 =	vadd.f32 v19, v29;
	vm5 =	veq.f32 v13, v10;
	vm6 =	veq.f32 v18, v16;
	v5 =	vld [tilespmem:s19+$0x6430]  }
0xa0: {  	v18 =	vsel vm2, $0x3F800000, v0;
	v23 =	vsel vm5, $0x3F800000, v0;
	v29 =	vsel vm4, $0x3F800000, v0;
	v13 =	vld [tilespmem:s19+$0x4430]  }
0xa1: {  	v3 =	vadd.f32 v12, v3;
	v12 =	vsel vm0, $0x3F800000, v0;
	vm0 =	veq.f32 v14, v16;
	v30 =	vld [tilespmem:s19+$0x4420]  }
0xa2: {  	vm2 =	veq.f32 v9, v10;
	v16 =	vsel vm3, $0x3F800000, v0;
	v9 =	vsel vm0, $0x3F800000, v0;
	v14 =	vld [tilespmem:s19+$0x2400]  }
0xa3: {  	v10 =	vadd.f32 v16, v15;
	v15 =	vsel vm6, $0x3F800000, v0;
	v9 =	vadd.f32 v9, v23;
	v31 =	vld [tilespmem:s19+$0x6400]  }
0xa4: {  	v16 =	vadd.f32 v24, v18;
	v18 =	vsel vm1, $0x3F800000, v0;
	v24 =	vadd.f32 v29, v27;
	v23 =	vld [tilespmem:s19+$0x4410]  }
0xa5: {  	v19 =	vadd.f32 v19, v21;
	v1 =	vadd.f32 v3, v1;
	v27 =	vld [tilespmem:s19+$0x6410];
	v29 =	vmax.f32 v13, v5  }
0xa6: {  	v12 =	vadd.f32 v12, v18;
	v16 =	vadd.f32 v16, v20;
	v20 =	vsel vm2, $0x3F800000, v0;
	v3 =	vld [tilespmem:s19+$0x400]  }
0xa7: {  	v10 =	vadd.f32 v10, v28;
	v1 =	vadd.f32 v24, v1;
	v18 =	vld [tilespmem:s19+$0x2410]  }
0xa8: {  	v33 =	vadd.f32 v12, v19;
	v12 =	vadd.f32 v15, v20;
	v21 =	vld [tilespmem:s19+$0x4400]  }
0xa9: {  	v32 =	vadd.f32 v9, v10;
	v15 =	vld [tilespmem:s19+$0x410]  }
0xaa: {  	v24 =	vadd.f32 v12, v16;
	v9 =	vmax.f32 v22, v11;
	v10 =	vmax.f32 v30, v25;
	v19 =	vld [tilespmem:s19+$0x440]  }
0xab: {  	v9 =	vmax.f32 v9, v10;
	v10 =	vmax.f32 v17, v4;
	v12 =	vld [tilespmem:s19+$0x8400];
	v3 =	vmax.f32 v3, v14  }
0xac: {  	v9 =	vmax.f32 v9, v26;
	v20 =	vmax.f32 v10, v29;
	v17 =	vmax.f32 v23, v27;
	v16 =	vld [tilespmem:s19+$0x8410]  }
0xad: {  	vm1 =	veq.f32 v11, v9;
	vm0 =	veq.f32 v30, v9;
	v10 =	vmax.f32 v21, v31;
	v28 =	vld [tilespmem:s19+$0x2440]  }
0xae: {  	v22 =	vsel vm1, $0x3F800000, v0;
	vm1 =	veq.f32 v26, v9;
	v11 =	vmax.f32 v15, v18;
	v15 =	vld [tilespmem:s19+$0x8430]  }
0xaf: {  	vm2 =	veq.f32 v25, v9;
	v25 =	vsel vm1, $0x3F800000, v0;
	v3 =	vmax.f32 v3, v10;
	v10 =	vld [tilespmem:s19+$0x4440]  }
0xb0: {  	v29 =	vsel vm2, $0x3F800000, v0;
	v9 =	vmax.f32 v11, v17;
	v3 =	vmax.f32 v3, v12;
	v30 =	vld [tilespmem:s19+$0x6440]  }
0xb1: {  	vm1 =	veq.f32 v31, v3;
	vm2 =	veq.f32 v12, v3;
	v9 =	vmax.f32 v9, v16;
	v26 =	vld [tilespmem:s19+$0x450]  }
0xb2: {  	vm3 =	veq.f32 v18, v9;
	vm4 =	veq.f32 v27, v9;
	v18 =	vmax.f32 v19, v28;
	v19 =	vld [tilespmem:s19+$0x460]  }
0xb3: {  	vm5 =	veq.f32 v14, v3;
	v31 =	vsel vm3, $0x3F800000, v0;
	v14 =	vmax.f32 v20, v15;
	v11 =	vld [tilespmem:s19+$0x2460]  }
0xb4: {  	v34 =	vsel vm5, $0x3F800000, v0;
	v20 =	vsel vm0, $0x3F800000, v0;
	vm0 =	veq.f32 v13, v14;
	v27 =	vld [tilespmem:s19+$0x8440]  }
0xb5: {  	vm3 =	veq.f32 v21, v3;
	v3 =	vsel vm2, $0x3F800000, v0;
	vm2 =	veq.f32 v16, v9;
	v16 =	vld [tilespmem:s19+$0x2450]  }
0xb6: {  	v35 =	vsel vm4, $0x3F800000, v0;
	v13 =	vsel vm0, $0x3F800000, v0;
	v21 =	vmax.f32 v10, v30;
	v12 =	vld [tilespmem:s19+$0x4450]  }
0xb7: {  	v36 =	vsel vm1, $0x3F800000, v0;
	vm1 =	veq.f32 v15, v14;
	vm0 =	veq.f32 v23, v9;
	v17 =	vld [tilespmem:s19+$0x6450]  }
0xb8: {  	v15 =	vsel vm1, $0x3F800000, v0;
	v20 =	vadd.f32 v13, v20;
	v9 =	vld [tilespmem:s19+$0x4460];
	v37 =	vmax.f32 v19, v11  }
0xb9: {  	v23 =	vsel vm3, $0x3F800000, v0;
	vm1 =	veq.f32 v4, v14;
	v15 =	vadd.f32 v15, v25;
	v13 =	vld [tilespmem:s19+$0x6460]  }
0xba: {  	v4 =	vsel vm1, $0x3F800000, v0;
	vm1 =	veq.f32 v5, v14;
	v5 =	vmax.f32 v18, v21;
	v19 =	vld [tilespmem:s19+$0x8450]  }
0xbb: {  	v18 =	vsel vm2, $0x3F800000, v0;
	v38 =	vsel vm1, $0x3F800000, v0;
	v39 =	vmax.f32 v26, v16;
	v25 =	vld [tilespmem:s19+$0x470]  }
0xbc: {  	v21 =	vadd.f32 v4, v22;
	v26 =	vsel vm0, $0x3F800000, v0;
	v4 =	vmax.f32 v12, v17;
	v14 =	vld [tilespmem:s19+$0x6470]  }
0xbd: {  	v22 =	vadd.f32 v18, v3;
	v23 =	vadd.f32 v26, v23;
	v26 =	vmax.f32 v5, v27;
	v18 =	vld [tilespmem:s19+$0x4470]  }
.Ltmp1:
0xbe: {  	v3 =	vadd.f32 v35, v36;
	vm1 =	veq.f32 v28, v26;
	v4 =	vmax.f32 v39, v4;
	v5 =	vld [tilespmem:s19+$0x2470];
	(pc) =	sbr.rel @p0 .LBB2_5-.Ltmp1, $4  }
0xbf: {  	v29 =	vadd.f32 v38, v29;
	vm2 =	veq.f32 v27, v26;
	v28 =	vadd.f32 v23, v24;
	v27 =	vld [tilespmem:s19+$0x8460]  }
0xc0: {  	v31 =	vadd.f32 v31, v34;
	vm0 =	veq.f32 v30, v26;
	v24 =	vmax.f32 v4, v19  }
0xc1: {  	v32 =	vadd.f32 v3, v32;
	v3 =	vsel vm2, $0x3F800000, v0;
	v30 =	vmax.f32 v9, v13;
	v23 =	vld [tilespmem:s19+$0x8470]  }
0xc2: {  	s17 =	sadd.s32 $0x80, s17;
	s20 =	smov.u32 s18;
	v4 =	vadd.f32 v31, v33;
	v31 =	vmax.f32 v37, v30;
	v30 =	vmax.f32 v18, v14  }
0xc3: {  	s17 =	sshll.u32 s16, $0x1;
	p0 =	seq.s32 s16, $0x9  }
0xc4: {  	s18 =	sadd.s32 @!p0 s17, s8  }
0xc5: {  	s19 =	sshrl.u32 @!p0 s18, $0x3  }
0xc6: {  	s18 =	sshll.u32 @!p0 s18, $0xD;
	s19 =	smul.u32 @!p0 $0x50000, s19  }
0xc7: {  	s18 =	sand.u32 @!p0 $0xC000, s18  }
0xc8: {  	s18 =	sor.u32 @!p0 s18, s19  }
0xc9: {  	s20 =	simm.s32 @!p0 $0x10000;
	s18 =	sshrl.u32 @!p0 s18, $0x3  }
0xca: {  	s21 =	simm.s32 @!p0 $0x0;
	s19 =	simm.s32 @!p0 $0x2000;
	s18 =	sadd.s32 @!p0 s3, s18  }
0xcb: {  	[tilespmem:s21], [sflag:$0x1] =	stream.strided.gather @!p0 [hbm4b:s18+s19], $0xA000, s20, s19, $0x38;
	[tilespmem:$0x14080] =	vst v63  }
0xcc: {  	s30 =	simm.s32 $0x0;
	v20 =	vadd.f32 v20, v28;
	v28 =	vadd.f32 v29, v32;
	v29 =	vsel vm1, $0x3F800000, v0;
	_ =	swait.ge [sflag:s14], $0xA000  }
0xcd: {  	vm2 =	veq.f32 v10, v26;
	v25 =	vmax.f32 v25, v5;
	vm3 =	veq.f32 v16, v24;
	s31 =	sand.u32 $0x1800, s30;
	s18 =	sand.u32 $0x380, s30;
	[sflag:s14] =	ssyncset.done $0x0  }
0xce: {  	vm5 =	veq.f32 v17, v24;
	v1 =	vadd.f32 v22, v1;
	vm6 =	veq.f32 v19, v24;
	s18 =	sor.u32 s18, s31;
	[sflag:s14] =	ssyncadd.s32 $0xFFFF6000  }
0xcf: {  	v10 =	vmax.f32 v31, v27;
	v25 =	vmax.f32 v25, v30;
	v4 =	vadd.f32 v21, v4;
	v16 =	vld [tilespmem:s18+$0x12020]  }
0xd0: {  	v22 =	vsel vm6, $0x3F800000, v0;
	vm4 =	veq.f32 v27, v10;
	vm1 =	veq.f32 v11, v10;
	v17 =	vld [tilespmem:s18+$0x10020]  }
0xd1: {  	v11 =	vsel vm3, $0x3F800000, v0;
	vm3 =	veq.f32 v12, v24;
	v1 =	vadd.f32 v15, v1;
	v19 =	vld [tilespmem:s18+$0xA030]  }
0xd2: {  	v15 =	vsel vm0, $0x3F800000, v0;
	vm12 =	veq.f32 v13, v10;
	v3 =	vadd.f32 v22, v3;
	v12 =	vld [tilespmem:s18+$0xC020]  }
0xd3: {  	v22 =	vsel vm5, $0x3F800000, v0;
	v21 =	vmax.f32 v25, v23;
	v25 =	vsel vm3, $0x3F800000, v0;
	v24 =	vld [tilespmem:s18+$0xA020]  }
0xd4: {  	v26 =	vsel vm4, $0x3F800000, v0;
	v13 =	vsel vm12, $0x3F800000, v0;
	vm0 =	veq.f32 v5, v21;
	v27 =	vld [tilespmem:s18+$0xC030]  }
0xd5: {  	vm3 =	veq.f32 v23, v21;
	v5 =	vadd.f32 v11, v29;
	vm13 =	veq.f32 v18, v21;
	v23 =	vld [tilespmem:s18+$0x10030]  }
0xd6: {  	v11 =	vsel vm2, $0x3F800000, v0;
	vm2 =	veq.f32 v14, v21;
	v1 =	vadd.f32 v3, v1;
	v18 =	vld [tilespmem:s18+$0xE030]  }
0xd7: {  	v29 =	vsel vm3, $0x3F800000, v0;
	v21 =	vsel vm0, $0x3F800000, v0;
	v30 =	vsel vm2, $0x3F800000, v0;
	v14 =	vld [tilespmem:s18+$0xE020]  }
0xd8: {  	vm0 =	veq.f32 v9, v10;
	v9 =	vadd.f32 v22, v15;
	v11 =	vadd.f32 v25, v11;
	v31 =	vld [tilespmem:s18+$0xC000]  }
0xd9: {  	v15 =	vsel vm13, $0x3F800000, v0;
	v10 =	vadd.f32 v30, v13;
	v22 =	vadd.f32 v29, v26;
	v25 =	vld [tilespmem:s18+$0xE010]  }
0xda: {  	v26 =	vsel vm1, $0x3F800000, v0;
	v4 =	vadd.f32 v5, v4;
	v5 =	vadd.f32 v11, v20;
	v29 =	vld [tilespmem:s18+$0x10010]  }
0xdb: {  	v3 =	vsel vm0, $0x3F800000, v0;
	v11 =	vadd.f32 v21, v26;
	v9 =	vadd.f32 v9, v28;
	v20 =	vld [tilespmem:s18+$0xA000]  }
0xdc: {  	v15 =	vadd.f32 v15, v3;
	v21 =	vld [tilespmem:s18+$0xC010]  }
0xdd: {  	v3 =	vadd.f32 v11, v4;
	v4 =	vadd.f32 v10, v9;
	v9 =	vld [tilespmem:s18+$0xA010]  }
0xde: {  	v13 =	vld [tilespmem:s18+$0x10000]  }
0xdf: {  	v1 =	vadd.f32 v22, v1;
	v22 =	vld [tilespmem:s18+$0xE000]  }
0xe0: {  	v5 =	vadd.f32 v15, v5  }
0xe1: {  	v26 =	vld [tilespmem:s18+$0x12000];
	v10 =	vmax.f32 v18, v23;
	v11 =	vmax.f32 v24, v12;
	v15 =	vmax.f32 v14, v17  }
0xe2: {  	v30 =	vld [tilespmem:s18+$0xC040];
	v20 =	vmax.f32 v20, v31;
	v28 =	vmax.f32 v25, v29;
	v9 =	vmax.f32 v9, v21  }
0xe3: {  	v24 =	vld [tilespmem:s18+$0xA040];
	v11 =	vmax.f32 v11, v15;
	v15 =	vmax.f32 v19, v27;
	v9 =	vmax.f32 v9, v28  }
0xe4: {  	v61 =	vld [tilespmem:s18+$0x12030];
	v11 =	vmax.f32 v11, v16;
	v15 =	vmax.f32 v15, v10;
	v10 =	vmax.f32 v22, v13  }
0xe5: {  	v19 =	vld [tilespmem:s18+$0x12010];
	vm0 =	veq.f32 v12, v11;
	vm1 =	veq.f32 v14, v11;
	v12 =	vmax.f32 v20, v10  }
0xe6: {  	vm2 =	veq.f32 v17, v11;
	v14 =	vsel vm0, $0x3F800000, v0;
	vm0 =	veq.f32 v16, v11  }
0xe7: {  	v34 =	vld [tilespmem:s18+$0x10040];
	v12 =	vmax.f32 v12, v26;
	v33 =	vsel vm2, $0x3F800000, v0;
	v20 =	vsel vm0, $0x3F800000, v0  }
0xe8: {  	v62 =	vld [tilespmem:s18+$0x12040];
	vm0 =	veq.f32 v13, v12;
	vm2 =	veq.f32 v26, v12;
	v24 =	vmax.f32 v24, v30  }
0xe9: {  	v10 =	vld [tilespmem:s18+$0xE040];
	vm15 =	veq.f32 v31, v12;
	v26 =	vmax.f32 v15, v61;
	v15 =	vsel vm1, $0x3F800000, v0  }
0xea: {  	v28 =	vld [tilespmem:s18+$0xA050];
	v9 =	vmax.f32 v9, v19;
	v35 =	vsel vm15, $0x3F800000, v0;
	vm1 =	veq.f32 v18, v26  }
0xeb: {  	v11 =	vld [tilespmem:s18+$0xC060];
	v18 =	vsel vm2, $0x3F800000, v0;
	v36 =	vsel vm0, $0x3F800000, v0;
	vm3 =	veq.f32 v21, v9  }
0xec: {  	v16 =	vld [tilespmem:s18+$0xC050];
	vm14 =	veq.f32 v29, v9;
	vm2 =	veq.f32 v19, v9;
	v19 =	vsel vm1, $0x3F800000, v0  }
0xed: {  	v13 =	vld [tilespmem:s18+$0xA060];
	vm0 =	veq.f32 v25, v9;
	vm1 =	veq.f32 v61, v26;
	v31 =	vsel vm3, $0x3F800000, v0  }
0xee: {  	v17 =	vld [tilespmem:s18+$0x10050];
	vm3 =	veq.f32 v22, v12;
	v29 =	vsel vm14, $0x3F800000, v0;
	v22 =	vmax.f32 v10, v34  }
0xef: {  	v9 =	vld [tilespmem:s18+$0xE060];
	v25 =	vsel vm1, $0x3F800000, v0;
	v21 =	vadd.f32 v19, v15;
	vm1 =	veq.f32 v27, v26  }
0xf0: {  	v12 =	vld [tilespmem:s18+$0xE050];
	v38 =	vsel vm3, $0x3F800000, v0;
	v15 =	vadd.f32 v25, v20;
	v20 =	vsel vm1, $0x3F800000, v0  }
0xf1: {  	v19 =	vld [tilespmem:s18+$0x12050];
	vm1 =	veq.f32 v23, v26;
	v24 =	vmax.f32 v24, v22;
	v23 =	vsel vm2, $0x3F800000, v0  }
0xf2: {  	v25 =	vmax.f32 v28, v16;
	v26 =	vsel vm0, $0x3F800000, v0;
	v37 =	vmax.f32 v13, v11;
	v13 =	vld [tilespmem:s18+$0x10060]  }
0xf3: {  	v36 =	vadd.f32 v29, v36;
	v27 =	vsel vm1, $0x3F800000, v0;
	v22 =	vadd.f32 v20, v14;
	v14 =	vld [tilespmem:s18+$0x10070]  }
0xf4: {  	v28 =	vadd.f32 v26, v38;
	v23 =	vadd.f32 v23, v18;
	v26 =	vmax.f32 v24, v62;
	v18 =	vld [tilespmem:s18+$0xE070]  }
0xf5: {  	vm1 =	veq.f32 v30, v26;
	v29 =	vadd.f32 v27, v33;
	v27 =	vld [tilespmem:s18+$0x12060];
	v20 =	vmax.f32 v12, v17  }
0xf6: {  	vm2 =	veq.f32 v62, v26;
	v30 =	vadd.f32 v31, v35;
	v24 =	vmax.f32 v25, v20;
	v25 =	vld [tilespmem:s18+$0xA070]  }
0xf7: {  	vm0 =	veq.f32 v34, v26;
	v31 =	vadd.f32 v36, v7;
	v28 =	vadd.f32 v28, v8;
	v20 =	vld [tilespmem:s18+$0xC070]  }
0xf8: {  	v8 =	vsel vm2, $0x3F800000, v0;
	v6 =	vadd.f32 v30, v6;
	v63 =	vmax.f32 v9, v13  }
0xf9: {  	s22 =	simm.s32 $0x100;
	s19 =	simm.s32 $0x80;
	v7 =	vld [tilespmem:s18+$0x12070];
	v24 =	vmax.f32 v24, v19;
	v30 =	vmax.f32 v18, v14;
	v32 =	vmax.f32 v37, v63  }
.LBB2_7:
0xfa: {  	s20 =	smov.u32 s22  }
0xfb: {  	s21 =	sand.u32 $0x1800, s22;
	s23 =	sand.u32 $0x380, s19;
	v21 =	vadd.f32 v21, v28;
	v28 =	vadd.f32 v29, v31;
	v29 =	vsel vm1, $0x3F800000, v0;
	s20 =	sadd.s32 $0x100, s22  }
0xfc: {  	p1 =	sne.s32 s22, $0x1F00;
	vm2 =	veq.f32 v10, v26;
	v25 =	vmax.f32 v25, v20;
	s21 =	sor.u32 s23, s21;
	v10 =	vmax.f32 v32, v27  }
0xfd: {  	vm4 =	veq.f32 v16, v24;
	v16 =	vmax.f32 v25, v30;
	vm5 =	veq.f32 v27, v10;
	v26 =	vld [tilespmem:s21+$0x12020]  }
0xfe: {  	vm3 =	veq.f32 v17, v24;
	v22 =	vadd.f32 v22, v6;
	v16 =	vmax.f32 v16, v7;
	v25 =	vld [tilespmem:s21+$0x10020]  }
0xff: {  	v2 =	vadd.f32 v23, v2;
	vm6 =	veq.f32 v19, v24;
	vm1 =	veq.f32 v11, v10;
	v17 =	vld [tilespmem:s21+$0xA030]  }
0x100: {  	v19 =	vsel vm4, $0x3F800000, v0;
	vm4 =	veq.f32 v12, v24;
	v12 =	vsel vm6, $0x3F800000, v0;
	v11 =	vld [tilespmem:s21+$0xC020]  }
0x101: {  	v2 =	vadd.f32 v15, v2;
	v15 =	vsel vm0, $0x3F800000, v0;
	v24 =	vsel vm4, $0x3F800000, v0;
	v23 =	vld [tilespmem:s21+$0xA020]  }
0x102: {  	v27 =	vsel vm5, $0x3F800000, v0;
	vm0 =	veq.f32 v20, v16;
	vm4 =	veq.f32 v7, v16;
	v6 =	vld [tilespmem:s21+$0xC030]  }
0x103: {  	v19 =	vadd.f32 v19, v29;
	vm5 =	veq.f32 v13, v10;
	vm6 =	veq.f32 v18, v16;
	v7 =	vld [tilespmem:s21+$0x10030]  }
0x104: {  	v18 =	vsel vm2, $0x3F800000, v0;
	v20 =	vsel vm5, $0x3F800000, v0;
	v29 =	vsel vm4, $0x3F800000, v0;
	v13 =	vld [tilespmem:s21+$0xE030]  }
0x105: {  	v8 =	vadd.f32 v12, v8;
	v12 =	vsel vm0, $0x3F800000, v0;
	vm0 =	veq.f32 v14, v16;
	v30 =	vld [tilespmem:s21+$0xE020]  }
0x106: {  	vm2 =	veq.f32 v9, v10;
	v16 =	vsel vm3, $0x3F800000, v0;
	v9 =	vsel vm0, $0x3F800000, v0;
	v14 =	vld [tilespmem:s21+$0xC000]  }
0x107: {  	v10 =	vadd.f32 v16, v15;
	v15 =	vsel vm6, $0x3F800000, v0;
	v9 =	vadd.f32 v9, v20;
	v31 =	vld [tilespmem:s21+$0x10000]  }
0x108: {  	v16 =	vadd.f32 v24, v18;
	v18 =	vsel vm1, $0x3F800000, v0;
	v24 =	vadd.f32 v29, v27;
	v20 =	vld [tilespmem:s21+$0xE010]  }
0x109: {  	v19 =	vadd.f32 v19, v22;
	v2 =	vadd.f32 v8, v2;
	v27 =	vld [tilespmem:s21+$0x10010];
	v29 =	vmax.f32 v13, v7  }
0x10a: {  	v12 =	vadd.f32 v12, v18;
	v16 =	vadd.f32 v16, v21;
	v21 =	vsel vm2, $0x3F800000, v0;
	v8 =	vld [tilespmem:s21+$0xA000]  }
0x10b: {  	v10 =	vadd.f32 v10, v28;
	v2 =	vadd.f32 v24, v2;
	v18 =	vld [tilespmem:s21+$0xC010]  }
0x10c: {  	v32 =	vadd.f32 v12, v19;
	v12 =	vadd.f32 v15, v21;
	v22 =	vld [tilespmem:s21+$0xE000]  }
0x10d: {  	v33 =	vadd.f32 v9, v10;
	v15 =	vld [tilespmem:s21+$0xA010]  }
0x10e: {  	v24 =	vadd.f32 v12, v16;
	v9 =	vmax.f32 v23, v11;
	v10 =	vmax.f32 v30, v25;
	v19 =	vld [tilespmem:s21+$0xA040]  }
0x10f: {  	v9 =	vmax.f32 v9, v10;
	v10 =	vmax.f32 v17, v6;
	v12 =	vld [tilespmem:s21+$0x12000];
	v8 =	vmax.f32 v8, v14  }
0x110: {  	v9 =	vmax.f32 v9, v26;
	v21 =	vmax.f32 v10, v29;
	v17 =	vmax.f32 v20, v27;
	v16 =	vld [tilespmem:s21+$0x12010]  }
0x111: {  	vm1 =	veq.f32 v11, v9;
	vm0 =	veq.f32 v30, v9;
	v10 =	vmax.f32 v22, v31;
	v28 =	vld [tilespmem:s21+$0xC040]  }
0x112: {  	v23 =	vsel vm1, $0x3F800000, v0;
	vm1 =	veq.f32 v26, v9;
	v11 =	vmax.f32 v15, v18;
	v15 =	vld [tilespmem:s21+$0x12030]  }
0x113: {  	vm2 =	veq.f32 v25, v9;
	v25 =	vsel vm1, $0x3F800000, v0;
	v8 =	vmax.f32 v8, v10;
	v10 =	vld [tilespmem:s21+$0xE040]  }
0x114: {  	v29 =	vsel vm2, $0x3F800000, v0;
	v9 =	vmax.f32 v11, v17;
	v8 =	vmax.f32 v8, v12;
	v30 =	vld [tilespmem:s21+$0x10040]  }
0x115: {  	vm1 =	veq.f32 v31, v8;
	vm2 =	veq.f32 v12, v8;
	v9 =	vmax.f32 v9, v16;
	v26 =	vld [tilespmem:s21+$0xA050]  }
0x116: {  	vm3 =	veq.f32 v18, v9;
	vm4 =	veq.f32 v27, v9;
	v18 =	vmax.f32 v19, v28;
	v19 =	vld [tilespmem:s21+$0xA060]  }
0x117: {  	vm5 =	veq.f32 v14, v8;
	v31 =	vsel vm3, $0x3F800000, v0;
	v14 =	vmax.f32 v21, v15;
	v11 =	vld [tilespmem:s21+$0xC060]  }
0x118: {  	v34 =	vsel vm5, $0x3F800000, v0;
	v21 =	vsel vm0, $0x3F800000, v0;
	vm0 =	veq.f32 v13, v14;
	v27 =	vld [tilespmem:s21+$0x12040]  }
0x119: {  	vm3 =	veq.f32 v22, v8;
	v8 =	vsel vm2, $0x3F800000, v0;
	vm2 =	veq.f32 v16, v9;
	v16 =	vld [tilespmem:s21+$0xC050]  }
0x11a: {  	v35 =	vsel vm4, $0x3F800000, v0;
	v13 =	vsel vm0, $0x3F800000, v0;
	v22 =	vmax.f32 v10, v30;
	v12 =	vld [tilespmem:s21+$0xE050]  }
0x11b: {  	v36 =	vsel vm1, $0x3F800000, v0;
	vm1 =	veq.f32 v15, v14;
	vm0 =	veq.f32 v20, v9;
	v17 =	vld [tilespmem:s21+$0x10050]  }
0x11c: {  	v15 =	vsel vm1, $0x3F800000, v0;
	v21 =	vadd.f32 v13, v21;
	v9 =	vld [tilespmem:s21+$0xE060];
	v37 =	vmax.f32 v19, v11  }
0x11d: {  	v20 =	vsel vm3, $0x3F800000, v0;
	vm1 =	veq.f32 v6, v14;
	v15 =	vadd.f32 v15, v25;
	v13 =	vld [tilespmem:s21+$0x10060]  }
0x11e: {  	v6 =	vsel vm1, $0x3F800000, v0;
	vm1 =	veq.f32 v7, v14;
	v7 =	vmax.f32 v18, v22;
	v19 =	vld [tilespmem:s21+$0x12050]  }
0x11f: {  	v18 =	vsel vm2, $0x3F800000, v0;
	v38 =	vsel vm1, $0x3F800000, v0;
	v39 =	vmax.f32 v26, v16;
	v25 =	vld [tilespmem:s21+$0xA070]  }
0x120: {  	v22 =	vadd.f32 v6, v23;
	v26 =	vsel vm0, $0x3F800000, v0;
	v6 =	vmax.f32 v12, v17;
	v14 =	vld [tilespmem:s21+$0x10070]  }
0x121: {  	v23 =	vadd.f32 v18, v8;
	v40 =	vadd.f32 v26, v20;
	v26 =	vmax.f32 v7, v27;
	v18 =	vld [tilespmem:s21+$0xE070]  }
.Ltmp2:
0x122: {  	v7 =	vadd.f32 v35, v36;
	vm1 =	veq.f32 v28, v26;
	v6 =	vmax.f32 v39, v6;
	v20 =	vld [tilespmem:s21+$0xC070];
	(pc) =	sbr.rel @p1 .LBB2_7-.Ltmp2, $4  }
0x123: {  	v29 =	vadd.f32 v38, v29;
	vm2 =	veq.f32 v27, v26;
	v28 =	vadd.f32 v40, v24;
	v27 =	vld [tilespmem:s21+$0x12060]  }
0x124: {  	v34 =	vadd.f32 v31, v34;
	vm0 =	veq.f32 v30, v26;
	v24 =	vmax.f32 v6, v19  }
0x125: {  	v31 =	vadd.f32 v7, v33;
	v8 =	vsel vm2, $0x3F800000, v0;
	v30 =	vmax.f32 v9, v13;
	v7 =	vld [tilespmem:s21+$0x12070]  }
0x126: {  	s19 =	sadd.s32 $0x80, s19;
	s22 =	smov.u32 s20;
	v6 =	vadd.f32 v34, v32;
	v32 =	vmax.f32 v37, v30;
	v30 =	vmax.f32 v18, v14  }
0x127: {  	v21 =	vadd.f32 v21, v28;
	v28 =	vadd.f32 v29, v31  }
0x128: {  	v29 =	vsel vm1, $0x3F800000, v0;
	vm2 =	veq.f32 v10, v26;
	v25 =	vmax.f32 v25, v20  }
0x129: {  	vm3 =	veq.f32 v16, v24;
	v16 =	vld [tilespmem:s18+$0x12420];
	vm5 =	veq.f32 v17, v24;
	v2 =	vadd.f32 v23, v2  }
0x12a: {  	v17 =	vld [tilespmem:s18+$0x10420];
	vm6 =	veq.f32 v19, v24;
	v10 =	vmax.f32 v32, v27;
	v25 =	vmax.f32 v25, v30  }
0x12b: {  	v19 =	vld [tilespmem:s18+$0xA430];
	v6 =	vadd.f32 v22, v6;
	v23 =	vsel vm6, $0x3F800000, v0;
	vm4 =	veq.f32 v27, v10  }
0x12c: {  	v31 =	vld [tilespmem:s18+$0xC400];
	vm1 =	veq.f32 v11, v10;
	v11 =	vsel vm3, $0x3F800000, v0;
	vm3 =	veq.f32 v12, v24  }
0x12d: {  	v60 =	vld [tilespmem:s18+$0x12430];
	v2 =	vadd.f32 v15, v2;
	v15 =	vsel vm0, $0x3F800000, v0;
	vm12 =	veq.f32 v13, v10  }
0x12e: {  	v12 =	vld [tilespmem:s18+$0xC420];
	v8 =	vadd.f32 v23, v8;
	v23 =	vsel vm5, $0x3F800000, v0;
	v22 =	vmax.f32 v25, v7  }
0x12f: {  	v24 =	vld [tilespmem:s18+$0xA420];
	v25 =	vsel vm3, $0x3F800000, v0;
	v26 =	vsel vm4, $0x3F800000, v0;
	v13 =	vsel vm12, $0x3F800000, v0  }
0x130: {  	v27 =	vld [tilespmem:s18+$0x10430];
	vm0 =	veq.f32 v20, v22;
	vm3 =	veq.f32 v7, v22;
	v7 =	vadd.f32 v11, v29  }
0x131: {  	v20 =	vld [tilespmem:s18+$0xC430];
	vm13 =	veq.f32 v18, v22;
	v11 =	vsel vm2, $0x3F800000, v0;
	vm2 =	veq.f32 v14, v22  }
0x132: {  	v18 =	vld [tilespmem:s18+$0xE430];
	v2 =	vadd.f32 v8, v2;
	v29 =	vsel vm3, $0x3F800000, v0;
	v22 =	vsel vm0, $0x3F800000, v0  }
0x133: {  	v14 =	vld [tilespmem:s18+$0xE420];
	v30 =	vsel vm2, $0x3F800000, v0;
	vm0 =	veq.f32 v9, v10;
	v9 =	vadd.f32 v23, v15  }
0x134: {  	v15 =	vsel vm13, $0x3F800000, v0;
	v11 =	vadd.f32 v25, v11;
	v25 =	vld [tilespmem:s18+$0xE410];
	v10 =	vadd.f32 v30, v13  }
0x135: {  	v13 =	vld [tilespmem:s18+$0x10400];
	v23 =	vadd.f32 v29, v26;
	v26 =	vsel vm1, $0x3F800000, v0;
	v7 =	vadd.f32 v7, v6  }
0x136: {  	v29 =	vld [tilespmem:s18+$0x10410];
	v6 =	vsel vm0, $0x3F800000, v0;
	v8 =	vadd.f32 v11, v21;
	v11 =	vadd.f32 v22, v26  }
0x137: {  	v21 =	vld [tilespmem:s18+$0xA400];
	v9 =	vadd.f32 v9, v28;
	v15 =	vadd.f32 v15, v6  }
0x138: {  	v22 =	vld [tilespmem:s18+$0xC410];
	v6 =	vadd.f32 v23, v2;
	v2 =	vadd.f32 v11, v7  }
0x139: {  	v23 =	vld [tilespmem:s18+$0xE400];
	v7 =	vadd.f32 v10, v9;
	v8 =	vadd.f32 v15, v8  }
0x13a: {  	v9 =	vld [tilespmem:s18+$0xA410];
	v10 =	vmax.f32 v18, v27;
	v11 =	vmax.f32 v24, v12;
	v15 =	vmax.f32 v14, v17  }
0x13b: {  	v26 =	vld [tilespmem:s18+$0x12400];
	v11 =	vmax.f32 v11, v15;
	v15 =	vmax.f32 v19, v20;
	v28 =	vmax.f32 v25, v29  }
0x13c: {  	v19 =	vld [tilespmem:s18+$0x12410];
	v11 =	vmax.f32 v11, v16;
	v15 =	vmax.f32 v15, v10;
	v21 =	vmax.f32 v21, v31  }
0x13d: {  	v30 =	vld [tilespmem:s18+$0xC440];
	vm0 =	veq.f32 v12, v11;
	vm1 =	veq.f32 v14, v11;
	vm2 =	veq.f32 v17, v11  }
0x13e: {  	v24 =	vld [tilespmem:s18+$0xA440];
	v10 =	vmax.f32 v23, v13;
	v14 =	vsel vm0, $0x3F800000, v0;
	vm0 =	veq.f32 v16, v11  }
0x13f: {  	v34 =	vsel vm2, $0x3F800000, v0;
	v9 =	vmax.f32 v9, v22;
	v12 =	vmax.f32 v21, v10  }
0x140: {  	v35 =	vld [tilespmem:s18+$0x10440];
	v33 =	vsel vm0, $0x3F800000, v0;
	v12 =	vmax.f32 v12, v26;
	v9 =	vmax.f32 v9, v28  }
0x141: {  	v61 =	vld [tilespmem:s18+$0x12440];
	vm0 =	veq.f32 v13, v12;
	vm2 =	veq.f32 v26, v12;
	v9 =	vmax.f32 v9, v19  }
0x142: {  	v10 =	vld [tilespmem:s18+$0xE440];
	vm15 =	veq.f32 v31, v12;
	v26 =	vmax.f32 v15, v60;
	v15 =	vsel vm1, $0x3F800000, v0  }
0x143: {  	v17 =	vld [tilespmem:s18+$0x10450];
	vm3 =	veq.f32 v22, v9;
	vm14 =	veq.f32 v29, v9;
	v22 =	vmax.f32 v24, v30  }
0x144: {  	v11 =	vld [tilespmem:s18+$0xC460];
	v31 =	vsel vm15, $0x3F800000, v0;
	vm1 =	veq.f32 v18, v26;
	v18 =	vsel vm2, $0x3F800000, v0  }
0x145: {  	v16 =	vld [tilespmem:s18+$0xC450];
	vm2 =	veq.f32 v19, v9;
	v36 =	vsel vm0, $0x3F800000, v0;
	vm0 =	veq.f32 v25, v9  }
0x146: {  	v13 =	vld [tilespmem:s18+$0xA460];
	v24 =	vsel vm3, $0x3F800000, v0;
	vm3 =	veq.f32 v23, v12;
	v29 =	vsel vm14, $0x3F800000, v0  }
0x147: {  	v28 =	vld [tilespmem:s18+$0xA450];
	v19 =	vsel vm1, $0x3F800000, v0;
	vm1 =	veq.f32 v60, v26;
	v23 =	vmax.f32 v10, v35  }
0x148: {  	v9 =	vld [tilespmem:s18+$0xE460];
	v25 =	vsel vm1, $0x3F800000, v0;
	v21 =	vadd.f32 v19, v15;
	v38 =	vsel vm3, $0x3F800000, v0  }
0x149: {  	v12 =	vld [tilespmem:s18+$0xE450];
	vm1 =	veq.f32 v20, v26;
	v36 =	vadd.f32 v29, v36;
	v63 =	vadd.f32 v24, v31  }
0x14a: {  	v19 =	vld [tilespmem:s18+$0x12450];
	v15 =	vadd.f32 v25, v33;
	v20 =	vsel vm1, $0x3F800000, v0;
	vm1 =	veq.f32 v27, v26  }
0x14b: {  	v25 =	vmax.f32 v22, v23;
	v23 =	vsel vm2, $0x3F800000, v0;
	v37 =	vmax.f32 v13, v11;
	v13 =	vld [tilespmem:s18+$0x10460]  }
0x14c: {  	v28 =	vmax.f32 v28, v16;
	v26 =	vsel vm0, $0x3F800000, v0;
	v22 =	vadd.f32 v20, v14;
	v14 =	vld [tilespmem:s18+$0x10470]  }
0x14d: {  	v27 =	vsel vm1, $0x3F800000, v0;
	v62 =	vadd.f32 v26, v38;
	v23 =	vadd.f32 v23, v18;
	v18 =	vld [tilespmem:s18+$0xE470]  }
0x14e: {  	v26 =	vmax.f32 v25, v61;
	v25 =	vld [tilespmem:s18+$0xA470];
	v31 =	vadd.f32 v36, v4;
	v3 =	vadd.f32 v63, v3  }
0x14f: {  	vm1 =	veq.f32 v30, v26;
	v29 =	vadd.f32 v27, v34;
	v27 =	vld [tilespmem:s18+$0x12460];
	v20 =	vmax.f32 v12, v17  }
0x150: {  	vm2 =	veq.f32 v61, v26;
	vm0 =	veq.f32 v35, v26;
	v30 =	vmax.f32 v28, v20;
	v20 =	vld [tilespmem:s18+$0xC470]  }
0x151: {  	v28 =	vadd.f32 v62, v5;
	v24 =	vmax.f32 v30, v19;
	v30 =	vmax.f32 v9, v13  }
0x152: {  	s21 =	simm.s32 $0x100;
	v4 =	vld [tilespmem:s18+$0x12470];
	v5 =	vsel vm2, $0x3F800000, v0;
	s18 =	simm.s32 $0x80;
	v32 =	vmax.f32 v37, v30;
	v30 =	vmax.f32 v18, v14  }
.LBB2_9:
0x153: {  	s19 =	smov.u32 s21  }
0x154: {  	s20 =	sand.u32 $0x1800, s21;
	s22 =	sand.u32 $0x380, s18;
	v21 =	vadd.f32 v21, v28;
	v28 =	vadd.f32 v29, v31;
	v29 =	vsel vm1, $0x3F800000, v0;
	s19 =	sadd.s32 $0x100, s21  }
0x155: {  	p1 =	sne.s32 s21, $0x1F00;
	vm2 =	veq.f32 v10, v26;
	v25 =	vmax.f32 v25, v20;
	s20 =	sor.u32 s22, s20;
	v10 =	vmax.f32 v32, v27  }
0x156: {  	vm4 =	veq.f32 v16, v24;
	v16 =	vmax.f32 v25, v30;
	vm5 =	veq.f32 v27, v10;
	v26 =	vld [tilespmem:s20+$0x12420]  }
0x157: {  	vm3 =	veq.f32 v17, v24;
	v22 =	vadd.f32 v22, v3;
	v16 =	vmax.f32 v16, v4;
	v25 =	vld [tilespmem:s20+$0x10420]  }
0x158: {  	v1 =	vadd.f32 v23, v1;
	vm6 =	veq.f32 v19, v24;
	vm1 =	veq.f32 v11, v10;
	v17 =	vld [tilespmem:s20+$0xA430]  }
0x159: {  	v19 =	vsel vm4, $0x3F800000, v0;
	vm4 =	veq.f32 v12, v24;
	v12 =	vsel vm6, $0x3F800000, v0;
	v11 =	vld [tilespmem:s20+$0xC420]  }
0x15a: {  	v1 =	vadd.f32 v15, v1;
	v15 =	vsel vm0, $0x3F800000, v0;
	v24 =	vsel vm4, $0x3F800000, v0;
	v23 =	vld [tilespmem:s20+$0xA420]  }
0x15b: {  	v27 =	vsel vm5, $0x3F800000, v0;
	vm0 =	veq.f32 v20, v16;
	vm4 =	veq.f32 v4, v16;
	v3 =	vld [tilespmem:s20+$0xC430]  }
0x15c: {  	v19 =	vadd.f32 v19, v29;
	vm5 =	veq.f32 v13, v10;
	vm6 =	veq.f32 v18, v16;
	v4 =	vld [tilespmem:s20+$0x10430]  }
0x15d: {  	v18 =	vsel vm2, $0x3F800000, v0;
	v20 =	vsel vm5, $0x3F800000, v0;
	v29 =	vsel vm4, $0x3F800000, v0;
	v13 =	vld [tilespmem:s20+$0xE430]  }
0x15e: {  	v5 =	vadd.f32 v12, v5;
	v12 =	vsel vm0, $0x3F800000, v0;
	vm0 =	veq.f32 v14, v16;
	v30 =	vld [tilespmem:s20+$0xE420]  }
0x15f: {  	vm2 =	veq.f32 v9, v10;
	v16 =	vsel vm3, $0x3F800000, v0;
	v9 =	vsel vm0, $0x3F800000, v0;
	v14 =	vld [tilespmem:s20+$0xC400]  }
0x160: {  	v10 =	vadd.f32 v16, v15;
	v15 =	vsel vm6, $0x3F800000, v0;
	v9 =	vadd.f32 v9, v20;
	v31 =	vld [tilespmem:s20+$0x10400]  }
0x161: {  	v16 =	vadd.f32 v24, v18;
	v18 =	vsel vm1, $0x3F800000, v0;
	v24 =	vadd.f32 v29, v27;
	v20 =	vld [tilespmem:s20+$0xE410]  }
0x162: {  	v19 =	vadd.f32 v19, v22;
	v1 =	vadd.f32 v5, v1;
	v27 =	vld [tilespmem:s20+$0x10410];
	v29 =	vmax.f32 v13, v4  }
0x163: {  	v12 =	vadd.f32 v12, v18;
	v16 =	vadd.f32 v16, v21;
	v21 =	vsel vm2, $0x3F800000, v0;
	v5 =	vld [tilespmem:s20+$0xA400]  }
0x164: {  	v10 =	vadd.f32 v10, v28;
	v1 =	vadd.f32 v24, v1;
	v18 =	vld [tilespmem:s20+$0xC410]  }
0x165: {  	v32 =	vadd.f32 v12, v19;
	v12 =	vadd.f32 v15, v21;
	v22 =	vld [tilespmem:s20+$0xE400]  }
0x166: {  	v33 =	vadd.f32 v9, v10;
	v15 =	vld [tilespmem:s20+$0xA410]  }
0x167: {  	v24 =	vadd.f32 v12, v16;
	v9 =	vmax.f32 v23, v11;
	v10 =	vmax.f32 v30, v25;
	v19 =	vld [tilespmem:s20+$0xA440]  }
0x168: {  	v9 =	vmax.f32 v9, v10;
	v10 =	vmax.f32 v17, v3;
	v12 =	vld [tilespmem:s20+$0x12400];
	v5 =	vmax.f32 v5, v14  }
0x169: {  	v9 =	vmax.f32 v9, v26;
	v21 =	vmax.f32 v10, v29;
	v17 =	vmax.f32 v20, v27;
	v16 =	vld [tilespmem:s20+$0x12410]  }
0x16a: {  	vm1 =	veq.f32 v11, v9;
	vm0 =	veq.f32 v30, v9;
	v10 =	vmax.f32 v22, v31;
	v28 =	vld [tilespmem:s20+$0xC440]  }
0x16b: {  	v23 =	vsel vm1, $0x3F800000, v0;
	vm1 =	veq.f32 v26, v9;
	v11 =	vmax.f32 v15, v18;
	v15 =	vld [tilespmem:s20+$0x12430]  }
0x16c: {  	vm2 =	veq.f32 v25, v9;
	v25 =	vsel vm1, $0x3F800000, v0;
	v5 =	vmax.f32 v5, v10;
	v10 =	vld [tilespmem:s20+$0xE440]  }
0x16d: {  	v29 =	vsel vm2, $0x3F800000, v0;
	v9 =	vmax.f32 v11, v17;
	v5 =	vmax.f32 v5, v12;
	v30 =	vld [tilespmem:s20+$0x10440]  }
0x16e: {  	vm1 =	veq.f32 v31, v5;
	vm2 =	veq.f32 v12, v5;
	v9 =	vmax.f32 v9, v16;
	v26 =	vld [tilespmem:s20+$0xA450]  }
0x16f: {  	vm3 =	veq.f32 v18, v9;
	vm4 =	veq.f32 v27, v9;
	v18 =	vmax.f32 v19, v28;
	v19 =	vld [tilespmem:s20+$0xA460]  }
0x170: {  	vm5 =	veq.f32 v14, v5;
	v31 =	vsel vm3, $0x3F800000, v0;
	v14 =	vmax.f32 v21, v15;
	v11 =	vld [tilespmem:s20+$0xC460]  }
0x171: {  	v34 =	vsel vm5, $0x3F800000, v0;
	v21 =	vsel vm0, $0x3F800000, v0;
	vm0 =	veq.f32 v13, v14;
	v27 =	vld [tilespmem:s20+$0x12440]  }
0x172: {  	vm3 =	veq.f32 v22, v5;
	v5 =	vsel vm2, $0x3F800000, v0;
	vm2 =	veq.f32 v16, v9;
	v16 =	vld [tilespmem:s20+$0xC450]  }
0x173: {  	v35 =	vsel vm4, $0x3F800000, v0;
	v13 =	vsel vm0, $0x3F800000, v0;
	v22 =	vmax.f32 v10, v30;
	v12 =	vld [tilespmem:s20+$0xE450]  }
0x174: {  	v36 =	vsel vm1, $0x3F800000, v0;
	vm1 =	veq.f32 v15, v14;
	vm0 =	veq.f32 v20, v9;
	v17 =	vld [tilespmem:s20+$0x10450]  }
0x175: {  	v15 =	vsel vm1, $0x3F800000, v0;
	v21 =	vadd.f32 v13, v21;
	v9 =	vld [tilespmem:s20+$0xE460];
	v37 =	vmax.f32 v19, v11  }
0x176: {  	v20 =	vsel vm3, $0x3F800000, v0;
	vm1 =	veq.f32 v3, v14;
	v15 =	vadd.f32 v15, v25;
	v13 =	vld [tilespmem:s20+$0x10460]  }
0x177: {  	v3 =	vsel vm1, $0x3F800000, v0;
	vm1 =	veq.f32 v4, v14;
	v4 =	vmax.f32 v18, v22;
	v19 =	vld [tilespmem:s20+$0x12450]  }
0x178: {  	v18 =	vsel vm2, $0x3F800000, v0;
	v38 =	vsel vm1, $0x3F800000, v0;
	v39 =	vmax.f32 v26, v16;
	v25 =	vld [tilespmem:s20+$0xA470]  }
0x179: {  	v22 =	vadd.f32 v3, v23;
	v26 =	vsel vm0, $0x3F800000, v0;
	v3 =	vmax.f32 v12, v17;
	v14 =	vld [tilespmem:s20+$0x10470]  }
0x17a: {  	v23 =	vadd.f32 v18, v5;
	v40 =	vadd.f32 v26, v20;
	v26 =	vmax.f32 v4, v27;
	v18 =	vld [tilespmem:s20+$0xE470]  }
.Ltmp3:
0x17b: {  	v4 =	vadd.f32 v35, v36;
	vm1 =	veq.f32 v28, v26;
	v3 =	vmax.f32 v39, v3;
	v20 =	vld [tilespmem:s20+$0xC470];
	(pc) =	sbr.rel @p1 .LBB2_9-.Ltmp3, $4  }
0x17c: {  	v29 =	vadd.f32 v38, v29;
	vm2 =	veq.f32 v27, v26;
	v28 =	vadd.f32 v40, v24;
	v27 =	vld [tilespmem:s20+$0x12460]  }
0x17d: {  	v34 =	vadd.f32 v31, v34;
	vm0 =	veq.f32 v30, v26;
	v24 =	vmax.f32 v3, v19  }
0x17e: {  	v31 =	vadd.f32 v4, v33;
	v5 =	vsel vm2, $0x3F800000, v0;
	v30 =	vmax.f32 v9, v13;
	v4 =	vld [tilespmem:s20+$0x12470]  }
0x17f: {  	s18 =	sadd.s32 $0x80, s18;
	s21 =	smov.u32 s19;
	v3 =	vadd.f32 v34, v32;
	v32 =	vmax.f32 v37, v30;
	v30 =	vmax.f32 v18, v14  }
0x180: {  	v21 =	vadd.f32 v21, v28  }
0x181: {  	v52 =	vadd.f32 v29, v31;
	v53 =	vsel vm1, $0x3F800000, v0;
	vm3 =	veq.f32 v10, v26  }
0x182: {  	v25 =	vmax.f32 v25, v20;
	vm4 =	veq.f32 v16, v24;
	vm2 =	veq.f32 v17, v24  }
0x183: {  	s17 =	sor.u32 $0x1, s17;
	v1 =	vadd.f32 v23, v1;
	vm6 =	veq.f32 v19, v24;
	vm9 =	veq.f32 v12, v24  }
0x184: {  	v54 =	vmax.f32 v32, v27;
	v16 =	vmax.f32 v25, v30;
	v3 =	vadd.f32 v22, v3;
	s18 =	sadd.s32 s2, s17  }
0x185: {  	v55 =	vsel vm4, $0x3F800000, v0;
	v56 =	vsel vm6, $0x3F800000, v0;
	v17 =	vsel vm9, $0x3F800000, v0;
	s19 =	sadd.s32 @!p0 $0x2, s18  }
0x186: {  	v57 =	vsel vm3, $0x3F800000, v0;
	v59 =	vsel vm2, $0x3F800000, v0;
	vm5 =	veq.f32 v27, v54;
	s20 =	sshrl.u32 @!p0 s19, $0x3  }
0x187: {  	vm1 =	veq.f32 v11, v54;
	v1 =	vadd.f32 v15, v1;
	v15 =	vsel vm0, $0x3F800000, v0;
	s19 =	sshll.u32 @!p0 s19, $0xD;
	s20 =	smul.u32 @!p0 $0x50000, s20  }
0x188: {  	vm12 =	veq.f32 v13, v54;
	v5 =	vadd.f32 v56, v5;
	vm15 =	veq.f32 v9, v54;
	s19 =	sand.u32 @!p0 $0xE000, s19  }
0x189: {  	v11 =	vadd.f32 v17, v57;
	v16 =	vmax.f32 v16, v4;
	v19 =	vsel vm5, $0x3F800000, v0;
	s19 =	sor.u32 @!p0 s19, s20  }
0x18a: {  	s21 =	simm.s32 @!p0 $0x10000;
	s22 =	simm.s32 @!p0 $0xA000;
	v13 =	vsel vm12, $0x3F800000, v0;
	v61 =	vadd.f32 v59, v15;
	v63 =	vsel vm1, $0x3F800000, v0;
	s19 =	sshrl.u32 @!p0 s19, $0x3  }
0x18b: {  	s17 =	sand.u32 $0x3, s17;
	vm10 =	veq.f32 v20, v16;
	vm11 =	veq.f32 v4, v16;
	v4 =	vadd.f32 v55, v53;
	s20 =	simm.s32 @!p0 $0x2000;
	s19 =	sadd.s32 @!p0 s3, s19  }
0x18c: {  	vm13 =	veq.f32 v18, v16;
	vm14 =	veq.f32 v14, v16;
	v11 =	vadd.f32 v11, v21;
	[tilespmem:s22], [sflag:$0x2] =	stream.strided.gather @!p0 [hbm4b:s19+s20], $0xA000, s21, s20, $0x38;
	[tilespmem:$0x14080] =	vst v63  }
0x18d: {  	v1 =	vadd.f32 v5, v1;
	v18 =	vsel vm11, $0x3F800000, v0;
	v58 =	vsel vm10, $0x3F800000, v0;
	p0 =	sne.s32 s17, $0x3  }
0x18e: {  	v60 =	vsel vm14, $0x3F800000, v0;
	v3 =	vadd.f32 v4, v3;
	v12 =	vadd.f32 v58, v63;
	[tilespmem:$0x14000] =	vst @!p0 v2  }
0x18f: {  	v62 =	vsel vm13, $0x3F800000, v0;
	v10 =	vadd.f32 v61, v52;
	v9 =	vadd.f32 v60, v13;
	[tilespmem:$0x14010] =	vst @!p0 v8  }
0x190: {  	v15 =	vadd.f32 v18, v19;
	v4 =	vsel vm15, $0x3F800000, v0;
	v12 =	vadd.f32 v12, v3;
	[tilespmem:$0x14020] =	vst @!p0 v7  }
0x191: {  	s16 =	sadd.s32 $0x1, s16;
	v4 =	vadd.f32 v62, v4;
	v3 =	vadd.f32 v9, v10;
	s17 =	sshrl.u32 s18, $0x3;
	[tilespmem:$0x14030] =	vst @!p0 v6  }
0x192: {  	v1 =	vadd.f32 v15, v1;
	[tilespmem:$0x14040] =	vst @!p0 v12;
	s19 =	sshll.u32 @!p0 s17, $0x5;
	s18 =	sshll.u32 @!p0 s18, $0x5;
	s17 =	sshll.u32 @!p0 s17, $0x4  }
0x193: {  	v4 =	vadd.f32 v4, v11;
	[tilespmem:$0x14060] =	vst @!p0 v3;
	s19 =	sand.u32 @!p0 $0xFFFFF00, s19;
	s18 =	sand.u32 @!p0 $0x80, s18;
	s17 =	sand.u32 @!p0 $0x70, s17  }
0x194: {  	p1 =	sne.s32 s16, $0xA;
	[tilespmem:$0x14070] =	vst @!p0 v1;
	s18 =	sor.u32 @!p0 s19, s18;
	s17 =	sadd.s32 @!p0 s5, s17  }
0x195: {  	[tilespmem:$0x14050] =	vst @!p0 v4;
	s19 =	simm.s32 @!p0 $0x14000;
	s17 =	sadd.s32 @!p0 s18, s17;
	s18 =	simm.s32 @!p0 $0x0  }
0x196: {  	[hbm4b:s17+s18] =	stream.linear.scatter @!p0 [tilespmem:s19], [sflag:$0x3], $0x80, $0x38;
	[tilespmem:$0x14080] =	vst v63  }
.Ltmp4:
0x197: {  	_ = 	snop;
	(pc) =	sbr.rel @p1 .LBB2_2-.Ltmp4, $4  }
0x198: {  	s17 =	simm.s32 @!p0 $0x3  }
0x199: {  	v1 =	vpsel !p0, $0x0, v1;
	v3 =	vpsel !p0, $0x0, v3;
	_ =	swait.ge @!p0 [sflag:s17], $0x80  }
0x19a: {  	v6 =	vpsel !p0, $0x0, v6;
	v17 =	vpsel !p0, $0x0, v7;
	v19 =	vpsel !p0, $0x0, v8;
	[sflag:s17] =	ssyncset.done @!p0 $0x0  }
0x19b: {  	v16 =	vpsel !p0, $0x0, v2;
	v5 =	vpsel !p0, $0x0, v4;
	v4 =	vpsel !p0, $0x0, v12;
	[sflag:s17] =	ssyncadd.s32 @!p0 $0xFFFFFF80  }
0x19c: {  	s15 =	sadd.s32 $0x1, s15  }
0x19d: {  	p0 =	sne.s32 s15, s9  }
.Ltmp5:
0x19e: {  	_ = 	snop;
	(pc) =	sbr.rel @p0 .LBB2_1-.Ltmp5, $1  }
0x19f: {  	_ =	sdelay $0x3  }
0x1a0: {  	_ =	sfence.sel $0x180000  }
0x1a1: {  	[bflag:$0x0] =	sbarrier.arrive $0xFFFF  }
0x1a2: {  	p0 =	sne.s32 s0, $0x0;
	_ =	strace $0x90000047  }
0x1a3: {  	s0 =	sadd.s32 @!p0 $0x100000, s1;
	[bflag:$0x2] =	sbarrier.arrive $0xFFFF  }
0x1a4: {  	[sflag:s0] =	ssyncadd.tile.s32 @!p0 $0x1;
	_ =	shalt  }
.Lfunc_end2:
_tile_overlayer_lowered:
.L_overlay_start_2:
0x1a5: {  	(tag) =	ssettag $0x2  }
0x1a6: {  	s0 =	rddreg [dreg:$0x0];
	s2 =	stileid.u32  }
0x1a7: {  	s1 =	rddreg [dreg:$0x1];
	p0 =	sne.s32 s2, $0x0  }
0x1a8: {  	s3 =	rddreg [dreg:$0x2];
	[bflag:$0x3] =	sbarrier.arrive $0xFFFF;
	s2 =	simm.s32 @!p0 $0x1C03  }
0x1a9: {  	[timem:s3], [sflag:s2] =	dma.local @!p0 [hbm:s0], s1  }
0x1aa: {  	s0 =	simm.s32 @!p0 $0x3  }
0x1ab: {  	_ =	swait.ge @!p0 [sflag:s0], s1  }
0x1ac: {  	s1 =	ssub.s32 @!p0 $0x0, s1;
	[sflag:s0] =	ssyncset.done @!p0 $0x0  }
0x1ad: {  	[sflag:s0] =	ssyncadd.s32 @!p0 s1  }
0x1ae: {  	[bflag:$0x3] =	sbarrier.arrive $0xFFFF  }
0x1af: {  	_ =	shalt  }

</sc_bundles>
